<compile_context>
chip_gen: v7x
topology: tpu7x:2x2x1
jax: 0.10.2.dev20260603
libtpu: 0.0.44.dev20260713+nightly
codegen_flags: <defaults>
</compile_context>

<pallas_src>
import math

import jax
import jax.numpy as jnp
from jax import lax
from jax.experimental import pallas as pl
from jax.experimental.pallas import tpu as pltpu
from jax.experimental.pallas import tpu_sc as plsc

_MAPN = 16777216
_MAPLEN = _MAPN + 1048592
_TRASH_S = _MAPN
_TRASH_G = _MAPN + 1048576 + 8
_NGT = 100000
_NQ = 50000
_NSRC = 30000
_GT_PT = 3200
_Q_PT = 1664


def _scatter_body(gr_ref, gs_ref, ov_ref, map_ref,
                  gr_v, gs_v, ov_v, sidx_v, ones_v, sem, sem2, sem3, sem4):
    i32 = jnp.int32
    f32 = jnp.float32
    c = lax.axis_index("c")
    s = lax.axis_index("s")
    w = c * 16 + s

    pltpu.sync_copy(gr_ref.at[pl.ds(w * _GT_PT, _GT_PT)], gr_v)
    pltpu.sync_copy(gs_ref.at[pl.ds(w * _GT_PT, _GT_PT)], gs_v)
    pltpu.sync_copy(ov_ref.at[pl.ds(w * _GT_PT, _GT_PT)], ov_v)

    ones16 = jnp.ones((16,), f32)
    for i in range(8):
        ones_v[pl.ds(i * 16, 16)] = ones16

    lanei = lax.iota(i32, 16)

    def _srow(r, carry):
        for j in range(8):
            off = r * 128 + j * 16
            key = gr_v[pl.ds(off, 16)] * 4096 + gs_v[pl.ds(off, 16)]
            ok = ov_v[pl.ds(off, 16)] > 0.1
            trash = _TRASH_S + w * 32768 + (((off + lanei) * 16) & 32767)
            sidx_v[r, pl.ds(j * 16, 16)] = jnp.where(ok, key, trash)
        return carry
    lax.fori_loop(0, 25, _srow, 0)

    sems = [sem, sem2, sem3, sem4]
    copies = [pltpu.async_copy(ones_v, map_ref.at[sidx_v.at[r]], sems[r % 4])
              for r in range(25)]
    for cp in copies:
        cp.wait()


def _gather_body(qr_ref, qs_ref, map_ref, part_ref,
                 qr_v, qs_v, gidx_v, gval_v, pacc_v, sem, sem2):
    i32 = jnp.int32
    f32 = jnp.float32
    c = lax.axis_index("c")
    s = lax.axis_index("s")
    w = c * 16 + s

    pltpu.sync_copy(qr_ref.at[pl.ds(w * _Q_PT, _Q_PT)], qr_v)
    pltpu.sync_copy(qs_ref.at[pl.ds(w * _Q_PT, _Q_PT)], qs_v)

    def _qrow(r, carry):
        for j in range(8):
            off = r * 128 + j * 16
            qk = qr_v[pl.ds(off, 16)] * 4096 + qs_v[pl.ds(off, 16)]
            gidx_v[r, pl.ds(j * 16, 16)] = qk
        return carry
    lax.fori_loop(0, 13, _qrow, 0)

    gsems = [sem, sem2]
    copies = [pltpu.async_copy(map_ref.at[gidx_v.at[r]], gval_v.at[r],
                               gsems[r % 2])
              for r in range(13)]
    for cp in copies:
        cp.wait()

    def _acc(r, acc):
        for j in range(8):
            acc = acc + gval_v[r, pl.ds(j * 16, 16)]
        return acc
    acc = lax.fori_loop(0, 13, _acc, jnp.zeros((16,), f32))
    pacc_v[pl.ds(0, 16)] = acc
    pltpu.sync_copy(pacc_v, part_ref.at[w])


def _tc_body(rc_ref, scp_ref, sp_ref, tt_ref, et_ref, tb_ref, eb_ref,
             out_ref):
    f32 = jnp.float32
    T = [[tt_ref[i, j] for j in range(4)] for i in range(4)]
    E = [[et_ref[i, j] for j in range(4)] for i in range(4)]

    sx = scp_ref[0:1, :]
    sy = scp_ref[1:2, :]
    sz = scp_ref[2:3, :]
    wx = T[0][0] * sx + T[0][1] * sy + T[0][2] * sz + T[0][3]
    wy = T[1][0] * sx + T[1][1] * sy + T[1][2] * sz + T[1][3]
    wz = T[2][0] * sx + T[2][1] * sy + T[2][2] * sz + T[2][3]
    dx = rc_ref[0:1, :] - wx
    dy = rc_ref[1:2, :] - wy
    dz = rc_ref[2:3, :] - wz
    d = jnp.sqrt(dx * dx + dy * dy + dz * dz)
    col = lax.broadcasted_iota(jnp.int32, d.shape, 1)
    fcnt = jnp.sum(jnp.where((d < 0.1) & (col < _NQ), 1.0, 0.0))
    f_prec = fcnt * (1.0 / _NQ)

    Tb = [[tb_ref[i, j] for j in range(4)] for i in range(4)]
    Eb = [[eb_ref[i, j] for j in range(4)] for i in range(4)]
    tr = sum(Tb[k][i] * Eb[k][i] for k in range(3) for i in range(3))
    x = jnp.clip(0.5 * (tr - 1.0), -1.0 + 1e-7, 1.0 - 1e-7)
    xa = jnp.full((8, 128), x, f32)
    a = jnp.abs(xa)
    p = (((((((-0.0012624911 * a + 0.0066700901) * a - 0.0170881256) * a
             + 0.0308918810) * a - 0.0501743046) * a + 0.0889789874) * a
          - 0.2145988016) * a + 1.5707963050)
    acv = jnp.sqrt(jnp.maximum(1.0 - a, 0.0)) * p
    acv = jnp.where(xa < 0.0, math.pi - acv, acv)
    rre_v = acv * (180.0 / math.pi)
    rte2 = ((T[0][3] - E[0][3]) ** 2 + (T[1][3] - E[1][3]) ** 2 +
            (T[2][3] - E[2][3]) ** 2)
    rte_v = jnp.sqrt(jnp.full((8, 128), rte2, f32))

    Rr = [[sum(T[k][i] * E[k][j] for k in range(3)) for j in range(3)]
          for i in range(3)]
    t_r = [sum(T[k][i] * (E[k][3] - T[k][3]) for k in range(3))
           for i in range(3)]
    px = sp_ref[0:1, :]
    py = sp_ref[1:2, :]
    pz = sp_ref[2:3, :]
    gx = Rr[0][0] * px + Rr[0][1] * py + Rr[0][2] * pz + t_r[0] - px
    gy = Rr[1][0] * px + Rr[1][1] * py + Rr[1][2] * pz + t_r[1] - py
    gz = Rr[2][0] * px + Rr[2][1] * py + Rr[2][2] * pz + t_r[2] - pz
    dn = jnp.sqrt(gx * gx + gy * gy + gz * gz)
    col2 = lax.broadcasted_iota(jnp.int32, dn.shape, 1)
    rmse = jnp.sum(jnp.where(col2 < _NSRC, dn, 0.0)) * (1.0 / _NSRC)
    recall = jnp.where(rmse < 0.2, 1.0, 0.0)

    lane = lax.broadcasted_iota(jnp.int32, (8, 128), 1)
    out = (jnp.where(lane == 1, f_prec, 0.0) +
           jnp.where(lane == 2, rre_v, 0.0) +
           jnp.where(lane == 3, rte_v, 0.0) +
           jnp.where(lane == 4, rmse, 0.0) +
           jnp.where(lane == 5, recall, 0.0))
    out_ref[...] = out


def _final_body(dense_ref, part_ref, out_ref):
    cp = jnp.sum(part_ref[...]) * (1.0 / _NQ)
    lane = lax.broadcasted_iota(jnp.int32, (8, 128), 1)
    out_ref[...] = dense_ref[...] + jnp.where(lane == 0, cp, 0.0)


def kernel(ref_points_c, src_points_c, gt_node_corr_overlaps,
           gt_node_corr_indices, ref_node_corr_indices,
           src_node_corr_indices, ref_corr_points, src_corr_points,
           src_points, transform, estimated_transform):
    i32 = jnp.int32
    f32 = jnp.float32
    ngt_p = 32 * _GT_PT
    nq_p = 32 * _Q_PT

    gr_p = jnp.pad(gt_node_corr_indices[:, 0].astype(i32), (0, ngt_p - _NGT))
    gs_p = jnp.pad(gt_node_corr_indices[:, 1].astype(i32), (0, ngt_p - _NGT))
    ov_p = jnp.pad(gt_node_corr_overlaps.astype(f32), (0, ngt_p - _NGT))
    qr_p = jnp.pad(ref_node_corr_indices.astype(i32), (0, nq_p - _NQ),
                   constant_values=4096)
    qs_p = jnp.pad(src_node_corr_indices.astype(i32), (0, nq_p - _NQ),
                   constant_values=_TRASH_G - _MAPN)

    nq_c = 50176
    ns_c = 30208
    rc_pad = jnp.zeros((8, nq_c), f32).at[:3, :_NQ].set(ref_corr_points.T)
    scp_pad = jnp.zeros((8, nq_c), f32).at[:3, :_NQ].set(src_corr_points.T)
    sp_pad = jnp.zeros((8, ns_c), f32).at[:3, :_NSRC].set(src_points.T)
    tf = transform.astype(f32)
    ef = estimated_transform.astype(f32)

    def _round_bf16(x):
        xi = lax.bitcast_convert_type(x, i32)
        r = (xi + 0x7FFF + ((xi >> 16) & 1)) & (-65536)
        return lax.bitcast_convert_type(r, f32)

    tb = _round_bf16(tf)
    eb = _round_bf16(ef)

    dense = pl.pallas_call(
        _tc_body,
        out_shape=jax.ShapeDtypeStruct((8, 128), f32),
        in_specs=[
            pl.BlockSpec(memory_space=pltpu.VMEM),
            pl.BlockSpec(memory_space=pltpu.VMEM),
            pl.BlockSpec(memory_space=pltpu.VMEM),
            pl.BlockSpec(memory_space=pltpu.SMEM),
            pl.BlockSpec(memory_space=pltpu.SMEM),
            pl.BlockSpec(memory_space=pltpu.SMEM),
            pl.BlockSpec(memory_space=pltpu.SMEM),
        ],
        out_specs=pl.BlockSpec(memory_space=pltpu.VMEM),
    )(rc_pad, scp_pad, sp_pad, tf, ef, tb, eb)

    mesh = plsc.VectorSubcoreMesh(core_axis_name="c", subcore_axis_name="s")
    map_ref = jax.new_ref(jnp.zeros((_MAPLEN,), f32))

    pl.kernel(
        _scatter_body,
        out_type=[],
        mesh=mesh,
        scratch_types=[
            pltpu.VMEM((_GT_PT,), i32),
            pltpu.VMEM((_GT_PT,), i32),
            pltpu.VMEM((_GT_PT,), f32),
            pltpu.VMEM((25, 128), i32),
            pltpu.VMEM((128,), f32),
            pltpu.SemaphoreType.DMA,
            pltpu.SemaphoreType.DMA,
            pltpu.SemaphoreType.DMA,
            pltpu.SemaphoreType.DMA,
        ],
    )(gr_p, gs_p, ov_p, map_ref)

    partials = pl.kernel(
        _gather_body,
        out_type=jax.ShapeDtypeStruct((32, 16), f32),
        mesh=mesh,
        scratch_types=[
            pltpu.VMEM((_Q_PT,), i32),
            pltpu.VMEM((_Q_PT,), i32),
            pltpu.VMEM((13, 128), i32),
            pltpu.VMEM((13, 128), f32),
            pltpu.VMEM((16,), f32),
            pltpu.SemaphoreType.DMA,
            pltpu.SemaphoreType.DMA,
        ],
    )(qr_p, qs_p, map_ref)

    out = pl.pallas_call(
        _final_body,
        out_shape=jax.ShapeDtypeStruct((8, 128), f32),
        in_specs=[
            pl.BlockSpec(memory_space=pltpu.VMEM),
            pl.BlockSpec(memory_space=pltpu.VMEM),
        ],
        out_specs=pl.BlockSpec(memory_space=pltpu.VMEM),
    )(dense, partials)
    return out[0, 0:6]

# --- scband reference (transcript-rebuilt; emitter-appended) ---
"""Pipeline reference for scband-evaluator-103079215233 (READ-ONLY COPY).

The authoritative reference and input builder live on the scoring server;
editing this copy changes nothing except your own understanding.
"""

import jax, jax.numpy as jnp
import numpy as np

ACCEPTANCE_OVERLAP = 0.1
ACCEPTANCE_RADIUS = 0.1
RMSE_THRESHOLD = 0.2


def _rotation(key, angle):
    axis = jax.random.normal(key, (3,))
    axis = axis / jnp.linalg.norm(axis)
    K = jnp.array([[0.0, -axis[2], axis[1]],
                   [axis[2], 0.0, -axis[0]],
                   [-axis[1], axis[0], 0.0]])
    return jnp.eye(3) + jnp.sin(angle) * K + (1.0 - jnp.cos(angle)) * (K @ K)


def _make_transform(key, angle, tscale):
    k1, k2 = jax.random.split(key)
    R = _rotation(k1, angle)
    t = jax.random.normal(k2, (3,)) * tscale
    T = jnp.eye(4, dtype=jnp.float32)
    T = T.at[:3, :3].set(R.astype(jnp.float32))
    T = T.at[:3, 3].set(t.astype(jnp.float32))
    return T


def setup_inputs(seed: int = 0) -> dict:
    key = jax.random.key(seed)
    ks = jax.random.split(key, 12)
    R_c, S_c = 4096, 4096
    N_gt, N_corr, N_src = 100000, 50000, 30000
    inp = {}
    inp['ref_points_c'] = jax.random.normal(ks[0], (R_c, 3), dtype=jnp.float32)
    inp['src_points_c'] = jax.random.normal(ks[1], (S_c, 3), dtype=jnp.float32)
    inp['gt_node_corr_overlaps'] = jax.random.uniform(ks[2], (N_gt,), dtype=jnp.float32)
    inp['gt_node_corr_indices'] = jnp.stack([
        jax.random.randint(ks[3], (N_gt,), 0, R_c, dtype=jnp.int64 if jax.config.jax_enable_x64 else jnp.int32),
        jax.random.randint(ks[4], (N_gt,), 0, S_c, dtype=jnp.int64 if jax.config.jax_enable_x64 else jnp.int32)
    ], axis=1)
    inp['ref_node_corr_indices'] = jax.random.randint(ks[5], (N_corr,), 0, R_c)
    inp['src_node_corr_indices'] = jax.random.randint(ks[6], (N_corr,), 0, S_c)
    inp['ref_corr_points'] = jax.random.normal(ks[7], (N_corr, 3), dtype=jnp.float32)
    inp['src_corr_points'] = jax.random.normal(ks[8], (N_corr, 3), dtype=jnp.float32)
    inp['src_points'] = jax.random.normal(ks[9], (N_src, 3), dtype=jnp.float32)
    inp['transform'] = _make_transform(ks[10], 0.3, 0.5)
    inp['estimated_transform'] = _make_transform(ks[11], 0.32, 0.5)
    return inp


def apply_transform(points, transform):
    R = transform[:3, :3]
    t = transform[:3, 3]
    return points @ R.T + t


def isotropic_transform_error(gt_transform, est_transform):
    R_gt, t_gt = gt_transform[:3, :3], gt_transform[:3, 3]
    R_est, t_est = est_transform[:3, :3], est_transform[:3, 3]
    x = 0.5 * (jnp.trace(R_gt.T @ R_est) - 1.0)
    x = jnp.clip(x, -1.0 + 1e-7, 1.0 - 1e-7)
    rre = jnp.degrees(jnp.arccos(x))
    rte = jnp.linalg.norm(t_gt - t_est)
    return rre, rte


def reference(ref_points_c, src_points_c, gt_node_corr_overlaps, gt_node_corr_indices,
              ref_node_corr_indices, src_node_corr_indices, ref_corr_points,
              src_corr_points, src_points, transform, estimated_transform):
    ref_length_c = ref_points_c.shape[0]
    src_length_c = src_points_c.shape[0]

    # evaluate_coarse: scatter-write gt correspondence map, then gather at predicted corrs
    masks = gt_node_corr_overlaps > ACCEPTANCE_OVERLAP
    vals = masks.astype(jnp.float32)
    gt_ref_idx = gt_node_corr_indices[:, 0]
    gt_src_idx = gt_node_corr_indices[:, 1]
    gt_node_corr_map = jnp.zeros((ref_length_c, src_length_c), dtype=jnp.float32)
    gt_node_corr_map = gt_node_corr_map.at[gt_ref_idx, gt_src_idx].max(vals)
    c_precision = gt_node_corr_map[ref_node_corr_indices, src_node_corr_indices].mean()

    # evaluate_fine
    src_corr_t = apply_transform(src_corr_points, transform)
    corr_distances = jnp.linalg.norm(ref_corr_points - src_corr_t, axis=1)
    f_precision = (corr_distances < ACCEPTANCE_RADIUS).astype(jnp.float32).mean()

    # evaluate_registration
    rre, rte = isotropic_transform_error(transform, estimated_transform)
    realignment_transform = jnp.linalg.inv(transform) @ estimated_transform
    realigned_src_points_f = apply_transform(src_points, realignment_transform)
    rmse = jnp.linalg.norm(realigned_src_points_f - src_points, axis=1).mean()
    recall = (rmse < RMSE_THRESHOLD).astype(jnp.float32)

    return jnp.stack([c_precision, f_precision, rre, rte, rmse, recall])

if __name__ == "__main__":
    import jax
    _d = setup_inputs()
    print(jax.jit(kernel)(*tuple(_d.values())))

</pallas_src>

<mosaic_0001>
#map = affine_map<(d0, d1) -> (0)>
module attributes {stable_mosaic.version = 14 : i64} {
  func.func @new_body(%arg0: i32, %arg1: i32, %arg2: memref<102400xi32, #tpu.memory_space<hbm>>, %arg3: memref<102400xi32, #tpu.memory_space<hbm>>, %arg4: memref<102400xf32, #tpu.memory_space<hbm>>, %arg5: memref<17825808xf32, #tpu.memory_space<hbm>>, %arg6: memref<17825808xf32, #tpu.memory_space<hbm>>, %arg7: memref<3200xi32, #tpu.memory_space<vmem>>, %arg8: memref<3200xi32, #tpu.memory_space<vmem>>, %arg9: memref<3200xf32, #tpu.memory_space<vmem>>, %arg10: memref<25x128xi32, #tpu.memory_space<vmem>>, %arg11: memref<128xf32, #tpu.memory_space<vmem>>, %arg12: memref<!tpu.dma_semaphore, #tpu.memory_space<semaphore_mem>>, %arg13: memref<!tpu.dma_semaphore, #tpu.memory_space<semaphore_mem>>, %arg14: memref<!tpu.dma_semaphore, #tpu.memory_space<semaphore_mem>>, %arg15: memref<!tpu.dma_semaphore, #tpu.memory_space<semaphore_mem>>) attributes {dimension_semantics = [#tpu.dimension_semantics<core_parallel>, #tpu.dimension_semantics<subcore_parallel>], iteration_bounds = array<i64: 2, 16>, scalar_prefetch = 0 : i64, scratch_operands = 9 : i64, tpu.core_type = #tpu.core_type<sc_vector_subcore>, window_params = [{transform_indices = #map}, {transform_indices = #map}, {transform_indices = #map}, {transform_indices = #map}, {transform_indices = #map}]} {
    %mul3A = arith.constant 16 : i32
    %mul3A_0 = arith.muli %arg0, %mul3A : i32
    %add3A = arith.addi %mul3A_0, %arg1 : i32
    %mul3A_1 = arith.constant 3200 : i32
    %mul3A_2 = arith.muli %add3A, %mul3A_1 : i32
    "tpu.region"() ({
      %run_scoped3A = tpu.sem_alloc : memref<!tpu.dma_semaphore, #tpu.memory_space<semaphore_mem>>
      %dma_start3A_342 = tpu.memref_slice %arg2[%mul3A_2] : memref<102400xi32, #tpu.memory_space<hbm>> -> memref<3200xi32, #tpu.memory_space<hbm>>
      %dma_start3A_343 = tpu.memref_slice %arg2[%mul3A_2] : memref<102400xi32, #tpu.memory_space<hbm>> -> memref<3200xi32, #tpu.memory_space<hbm>>
      tpu.enqueue_dma source(%dma_start3A_343 : memref<3200xi32, #tpu.memory_space<hbm>>) target(%arg7 : memref<3200xi32, #tpu.memory_space<vmem>>) target_semaphore(%run_scoped3A : memref<!tpu.dma_semaphore, #tpu.memory_space<semaphore_mem>>)
      %dma_wait3A_344 = tpu.memref_slice %arg2[%mul3A_2] : memref<102400xi32, #tpu.memory_space<hbm>> -> memref<3200xi32, #tpu.memory_space<hbm>>
      %dma_wait3A_345 = tpu.memref_slice %arg2[%mul3A_2] : memref<102400xi32, #tpu.memory_space<hbm>> -> memref<3200xi32, #tpu.memory_space<hbm>>
      tpu.wait_dma2 semaphore(%run_scoped3A : memref<!tpu.dma_semaphore, #tpu.memory_space<semaphore_mem>>) src(%dma_wait3A_345 : memref<3200xi32, #tpu.memory_space<hbm>>) dst(%arg7 : memref<3200xi32, #tpu.memory_space<vmem>>)
      tpu.yield
    }) : () -> ()
    %mul3A_3 = arith.constant 3200 : i32
    %mul3A_4 = arith.muli %add3A, %mul3A_3 : i32
    "tpu.region"() ({
      %run_scoped3A = tpu.sem_alloc : memref<!tpu.dma_semaphore, #tpu.memory_space<semaphore_mem>>
      %dma_start3A_342 = tpu.memref_slice %arg3[%mul3A_4] : memref<102400xi32, #tpu.memory_space<hbm>> -> memref<3200xi32, #tpu.memory_space<hbm>>
      %dma_start3A_343 = tpu.memref_slice %arg3[%mul3A_4] : memref<102400xi32, #tpu.memory_space<hbm>> -> memref<3200xi32, #tpu.memory_space<hbm>>
      tpu.enqueue_dma source(%dma_start3A_343 : memref<3200xi32, #tpu.memory_space<hbm>>) target(%arg8 : memref<3200xi32, #tpu.memory_space<vmem>>) target_semaphore(%run_scoped3A : memref<!tpu.dma_semaphore, #tpu.memory_space<semaphore_mem>>)
      %dma_wait3A_344 = tpu.memref_slice %arg3[%mul3A_4] : memref<102400xi32, #tpu.memory_space<hbm>> -> memref<3200xi32, #tpu.memory_space<hbm>>
      %dma_wait3A_345 = tpu.memref_slice %arg3[%mul3A_4] : memref<102400xi32, #tpu.memory_space<hbm>> -> memref<3200xi32, #tpu.memory_space<hbm>>
      tpu.wait_dma2 semaphore(%run_scoped3A : memref<!tpu.dma_semaphore, #tpu.memory_space<semaphore_mem>>) src(%dma_wait3A_345 : memref<3200xi32, #tpu.memory_space<hbm>>) dst(%arg8 : memref<3200xi32, #tpu.memory_space<vmem>>)
      tpu.yield
    }) : () -> ()
    %mul3A_5 = arith.constant 3200 : i32
    %mul3A_6 = arith.muli %add3A, %mul3A_5 : i32
    "tpu.region"() ({
      %run_scoped3A = tpu.sem_alloc : memref<!tpu.dma_semaphore, #tpu.memory_space<semaphore_mem>>
      %dma_start3A_342 = tpu.memref_slice %arg4[%mul3A_6] : memref<102400xf32, #tpu.memory_space<hbm>> -> memref<3200xf32, #tpu.memory_space<hbm>>
      %dma_start3A_343 = tpu.memref_slice %arg4[%mul3A_6] : memref<102400xf32, #tpu.memory_space<hbm>> -> memref<3200xf32, #tpu.memory_space<hbm>>
      tpu.enqueue_dma source(%dma_start3A_343 : memref<3200xf32, #tpu.memory_space<hbm>>) target(%arg9 : memref<3200xf32, #tpu.memory_space<vmem>>) target_semaphore(%run_scoped3A : memref<!tpu.dma_semaphore, #tpu.memory_space<semaphore_mem>>)
      %dma_wait3A_344 = tpu.memref_slice %arg4[%mul3A_6] : memref<102400xf32, #tpu.memory_space<hbm>> -> memref<3200xf32, #tpu.memory_space<hbm>>
      %dma_wait3A_345 = tpu.memref_slice %arg4[%mul3A_6] : memref<102400xf32, #tpu.memory_space<hbm>> -> memref<3200xf32, #tpu.memory_space<hbm>>
      tpu.wait_dma2 semaphore(%run_scoped3A : memref<!tpu.dma_semaphore, #tpu.memory_space<semaphore_mem>>) src(%dma_wait3A_345 : memref<3200xf32, #tpu.memory_space<hbm>>) dst(%arg9 : memref<3200xf32, #tpu.memory_space<vmem>>)
      tpu.yield
    }) : () -> ()
    %broadcast_in_dim3A = arith.constant 1.000000e+00 : f32
    %broadcast_in_dim3A_7 = vector.broadcast %broadcast_in_dim3A : f32 to vector<16xf32>
    %swap3A = arith.constant 0 : index
    %swap3A_8 = tpu.vector_load %arg11[%swap3A] {strides = array<i32>} : memref<128xf32, #tpu.memory_space<vmem>>, vector<16xf32>,
    %swap3A_9 = vector.shape_cast %swap3A_8 : vector<16xf32> to vector<16xf32>
    %swap3A_10 = vector.shape_cast %broadcast_in_dim3A_7 : vector<16xf32> to vector<16xf32>
    tpu.vector_store %arg11[%swap3A], %swap3A_10 {strides = array<i32>} : memref<128xf32, #tpu.memory_space<vmem>>, vector<16xf32>,
    %swap3A_11 = arith.constant 16 : index
    %swap3A_12 = tpu.vector_load %arg11[%swap3A_11] {strides = array<i32>} : memref<128xf32, #tpu.memory_space<vmem>>, vector<16xf32>,
    %swap3A_13 = vector.shape_cast %swap3A_12 : vector<16xf32> to vector<16xf32>
    %swap3A_14 = vector.shape_cast %broadcast_in_dim3A_7 : vector<16xf32> to vector<16xf32>
    tpu.vector_store %arg11[%swap3A_11], %swap3A_14 {strides = array<i32>} : memref<128xf32, #tpu.memory_space<vmem>>, vector<16xf32>,
    %swap3A_15 = arith.constant 32 : index
    %swap3A_16 = tpu.vector_load %arg11[%swap3A_15] {strides = array<i32>} : memref<128xf32, #tpu.memory_space<vmem>>, vector<16xf32>,
    %swap3A_17 = vector.shape_cast %swap3A_16 : vector<16xf32> to vector<16xf32>
    %swap3A_18 = vector.shape_cast %broadcast_in_dim3A_7 : vector<16xf32> to vector<16xf32>
    tpu.vector_store %arg11[%swap3A_15], %swap3A_18 {strides = array<i32>} : memref<128xf32, #tpu.memory_space<vmem>>, vector<16xf32>,
    %swap3A_19 = arith.constant 48 : index
    %swap3A_20 = tpu.vector_load %arg11[%swap3A_19] {strides = array<i32>} : memref<128xf32, #tpu.memory_space<vmem>>, vector<16xf32>,
    %swap3A_21 = vector.shape_cast %swap3A_20 : vector<16xf32> to vector<16xf32>
    %swap3A_22 = vector.shape_cast %broadcast_in_dim3A_7 : vector<16xf32> to vector<16xf32>
    tpu.vector_store %arg11[%swap3A_19], %swap3A_22 {strides = array<i32>} : memref<128xf32, #tpu.memory_space<vmem>>, vector<16xf32>,
    %swap3A_23 = arith.constant 64 : index
    %swap3A_24 = tpu.vector_load %arg11[%swap3A_23] {strides = array<i32>} : memref<128xf32, #tpu.memory_space<vmem>>, vector<16xf32>,
    %swap3A_25 = vector.shape_cast %swap3A_24 : vector<16xf32> to vector<16xf32>
    %swap3A_26 = vector.shape_cast %broadcast_in_dim3A_7 : vector<16xf32> to vector<16xf32>
    tpu.vector_store %arg11[%swap3A_23], %swap3A_26 {strides = array<i32>} : memref<128xf32, #tpu.memory_space<vmem>>, vector<16xf32>,
    %swap3A_27 = arith.constant 80 : index
    %swap3A_28 = tpu.vector_load %arg11[%swap3A_27] {strides = array<i32>} : memref<128xf32, #tpu.memory_space<vmem>>, vector<16xf32>,
    %swap3A_29 = vector.shape_cast %swap3A_28 : vector<16xf32> to vector<16xf32>
    %swap3A_30 = vector.shape_cast %broadcast_in_dim3A_7 : vector<16xf32> to vector<16xf32>
    tpu.vector_store %arg11[%swap3A_27], %swap3A_30 {strides = array<i32>} : memref<128xf32, #tpu.memory_space<vmem>>, vector<16xf32>,
    %swap3A_31 = arith.constant 96 : index
    %swap3A_32 = tpu.vector_load %arg11[%swap3A_31] {strides = array<i32>} : memref<128xf32, #tpu.memory_space<vmem>>, vector<16xf32>,
    %swap3A_33 = vector.shape_cast %swap3A_32 : vector<16xf32> to vector<16xf32>
    %swap3A_34 = vector.shape_cast %broadcast_in_dim3A_7 : vector<16xf32> to vector<16xf32>
    tpu.vector_store %arg11[%swap3A_31], %swap3A_34 {strides = array<i32>} : memref<128xf32, #tpu.memory_space<vmem>>, vector<16xf32>,
    %swap3A_35 = arith.constant 112 : index
    %swap3A_36 = tpu.vector_load %arg11[%swap3A_35] {strides = array<i32>} : memref<128xf32, #tpu.memory_space<vmem>>, vector<16xf32>,
    %swap3A_37 = vector.shape_cast %swap3A_36 : vector<16xf32> to vector<16xf32>
    %swap3A_38 = vector.shape_cast %broadcast_in_dim3A_7 : vector<16xf32> to vector<16xf32>
    tpu.vector_store %arg11[%swap3A_35], %swap3A_38 {strides = array<i32>} : memref<128xf32, #tpu.memory_space<vmem>>, vector<16xf32>,
    %iota3A = tpu.iota {dimensions = array<i32: 0>} : vector<16xi32>
    %scan3A = arith.constant 0 : i32
    %scan3A_39 = arith.constant 0 : i32
    %scan3A_40 = arith.constant 25 : i32
    %scan3A_41 = arith.addi %scan3A_39, %scan3A_40 : i32
    %scan3A_42 = arith.constant 1 : i32
    scf.for %scan3A_342 = %scan3A_39 to %scan3A_41 step %scan3A_42  : i32 {
      %mul3A_343 = arith.constant 128 : i32
      %mul3A_344 = arith.muli %scan3A_342, %mul3A_343 : i32
      %add3A_345 = arith.constant 0 : i32
      %add3A_346 = arith.addi %mul3A_344, %add3A_345 : i32
      %get3A = arith.index_cast %add3A_346 : i32 to index
      %get3A_347 = tpu.vector_load %arg7[%get3A] {strides = array<i32>} : memref<3200xi32, #tpu.memory_space<vmem>>, vector<16xi32>,
      %get3A_348 = vector.shape_cast %get3A_347 : vector<16xi32> to vector<16xi32>
      %mul3A_349 = arith.constant 4096 : i32
      %mul3A_350 = vector.broadcast %mul3A_349 : i32 to vector<16xi32>
      %mul3A_351 = arith.muli %get3A_348, %mul3A_350 : vector<16xi32>
      %get3A_352 = arith.index_cast %add3A_346 : i32 to index
      %get3A_353 = tpu.vector_load %arg8[%get3A_352] {strides = array<i32>} : memref<3200xi32, #tpu.memory_space<vmem>>, vector<16xi32>,
      %get3A_354 = vector.shape_cast %get3A_353 : vector<16xi32> to vector<16xi32>
      %add3A_355 = arith.addi %mul3A_351, %get3A_354 : vector<16xi32>
      %get3A_356 = arith.index_cast %add3A_346 : i32 to index
      %get3A_357 = tpu.vector_load %arg9[%get3A_356] {strides = array<i32>} : memref<3200xf32, #tpu.memory_space<vmem>>, vector<16xf32>,
      %get3A_358 = vector.shape_cast %get3A_357 : vector<16xf32> to vector<16xf32>
      %gt3A = arith.constant 1.000000e-01 : f32
      %gt3A_359 = vector.broadcast %gt3A : f32 to vector<16xf32>
      %gt3A_360 = arith.cmpf ogt, %get3A_358, %gt3A_359 : vector<16xf32>
      %mul3A_361 = arith.constant 32768 : i32
      %mul3A_362 = arith.muli %add3A, %mul3A_361 : i32
      %add3A_363 = arith.constant 16777216 : i32
      %add3A_364 = arith.addi %add3A_363, %mul3A_362 : i32
      %add3A_365 = vector.broadcast %add3A_346 : i32 to vector<16xi32>
      %add3A_366 = arith.addi %add3A_365, %iota3A : vector<16xi32>
      %mul3A_367 = arith.constant 16 : i32
      %mul3A_368 = vector.broadcast %mul3A_367 : i32 to vector<16xi32>
      %mul3A_369 = arith.muli %add3A_366, %mul3A_368 : vector<16xi32>
      %and3A = arith.constant 32767 : i32
      %and3A_370 = vector.broadcast %and3A : i32 to vector<16xi32>
      %and3A_371 = arith.andi %mul3A_369, %and3A_370 : vector<16xi32>
      %add3A_372 = vector.broadcast %add3A_364 : i32 to vector<16xi32>
      %add3A_373 = arith.addi %add3A_372, %and3A_371 : vector<16xi32>
      %select_n3A = arith.select %gt3A_360, %add3A_355, %add3A_373 : vector<16xi1>, vector<16xi32>
      %swap3A_374 = arith.index_cast %scan3A_342 : i32 to index
      %swap3A_375 = arith.constant 0 : index
      %swap3A_376 = tpu.vector_load %arg10[%swap3A_374, %swap3A_375] {strides = array<i32>} : memref<25x128xi32, #tpu.memory_space<vmem>>, vector<1x16xi32>,
      %swap3A_377 = vector.shape_cast %swap3A_376 : vector<1x16xi32> to vector<16xi32>
      %swap3A_378 = vector.shape_cast %select_n3A : vector<16xi32> to vector<1x16xi32>
      tpu.vector_store %arg10[%swap3A_374, %swap3A_375], %swap3A_378 {strides = array<i32>} : memref<25x128xi32, #tpu.memory_space<vmem>>, vector<1x16xi32>,
      %mul3A_379 = arith.constant 128 : i32
      %mul3A_380 = arith.muli %scan3A_342, %mul3A_379 : i32
      %add3A_381 = arith.constant 16 : i32
      %add3A_382 = arith.addi %mul3A_380, %add3A_381 : i32
      %get3A_383 = arith.index_cast %add3A_382 : i32 to index
      %get3A_384 = tpu.vector_load %arg7[%get3A_383] {strides = array<i32>} : memref<3200xi32, #tpu.memory_space<vmem>>, vector<16xi32>,
      %get3A_385 = vector.shape_cast %get3A_384 : vector<16xi32> to vector<16xi32>
      %mul3A_386 = arith.constant 4096 : i32
      %mul3A_387 = vector.broadcast %mul3A_386 : i32 to vector<16xi32>
      %mul3A_388 = arith.muli %get3A_385, %mul3A_387 : vector<16xi32>
      %get3A_389 = arith.index_cast %add3A_382 : i32 to index
      %get3A_390 = tpu.vector_load %arg8[%get3A_389] {strides = array<i32>} : memref<3200xi32, #tpu.memory_space<vmem>>, vector<16xi32>,
      %get3A_391 = vector.shape_cast %get3A_390 : vector<16xi32> to vector<16xi32>
      %add3A_392 = arith.addi %mul3A_388, %get3A_391 : vector<16xi32>
      %get3A_393 = arith.index_cast %add3A_382 : i32 to index
      %get3A_394 = tpu.vector_load %arg9[%get3A_393] {strides = array<i32>} : memref<3200xf32, #tpu.memory_space<vmem>>, vector<16xf32>,
      %get3A_395 = vector.shape_cast %get3A_394 : vector<16xf32> to vector<16xf32>
      %gt3A_396 = arith.constant 1.000000e-01 : f32
      %gt3A_397 = vector.broadcast %gt3A_396 : f32 to vector<16xf32>
      %gt3A_398 = arith.cmpf ogt, %get3A_395, %gt3A_397 : vector<16xf32>
      %mul3A_399 = arith.constant 32768 : i32
      %mul3A_400 = arith.muli %add3A, %mul3A_399 : i32
      %add3A_401 = arith.constant 16777216 : i32
      %add3A_402 = arith.addi %add3A_401, %mul3A_400 : i32
      %add3A_403 = vector.broadcast %add3A_382 : i32 to vector<16xi32>
      %add3A_404 = arith.addi %add3A_403, %iota3A : vector<16xi32>
      %mul3A_405 = arith.constant 16 : i32
      %mul3A_406 = vector.broadcast %mul3A_405 : i32 to vector<16xi32>
      %mul3A_407 = arith.muli %add3A_404, %mul3A_406 : vector<16xi32>
      %and3A_408 = arith.constant 32767 : i32
      %and3A_409 = vector.broadcast %and3A_408 : i32 to vector<16xi32>
      %and3A_410 = arith.andi %mul3A_407, %and3A_409 : vector<16xi32>
      %add3A_411 = vector.broadcast %add3A_402 : i32 to vector<16xi32>
      %add3A_412 = arith.addi %add3A_411, %and3A_410 : vector<16xi32>
      %select_n3A_413 = arith.select %gt3A_398, %add3A_392, %add3A_412 : vector<16xi1>, vector<16xi32>
      %swap3A_414 = arith.index_cast %scan3A_342 : i32 to index
      %swap3A_415 = arith.constant 16 : index
      %swap3A_416 = tpu.vector_load %arg10[%swap3A_414, %swap3A_415] {strides = array<i32>} : memref<25x128xi32, #tpu.memory_space<vmem>>, vector<1x16xi32>,
      %swap3A_417 = vector.shape_cast %swap3A_416 : vector<1x16xi32> to vector<16xi32>
      %swap3A_418 = vector.shape_cast %select_n3A_413 : vector<16xi32> to vector<1x16xi32>
      tpu.vector_store %arg10[%swap3A_414, %swap3A_415], %swap3A_418 {strides = array<i32>} : memref<25x128xi32, #tpu.memory_space<vmem>>, vector<1x16xi32>,
      %mul3A_419 = arith.constant 128 : i32
      %mul3A_420 = arith.muli %scan3A_342, %mul3A_419 : i32
      %add3A_421 = arith.constant 32 : i32
      %add3A_422 = arith.addi %mul3A_420, %add3A_421 : i32
      %get3A_423 = arith.index_cast %add3A_422 : i32 to index
      %get3A_424 = tpu.vector_load %arg7[%get3A_423] {strides = array<i32>} : memref<3200xi32, #tpu.memory_space<vmem>>, vector<16xi32>,
      %get3A_425 = vector.shape_cast %get3A_424 : vector<16xi32> to vector<16xi32>
      %mul3A_426 = arith.constant 4096 : i32
      %mul3A_427 = vector.broadcast %mul3A_426 : i32 to vector<16xi32>
      %mul3A_428 = arith.muli %get3A_425, %mul3A_427 : vector<16xi32>
      %get3A_429 = arith.index_cast %add3A_422 : i32 to index
      %get3A_430 = tpu.vector_load %arg8[%get3A_429] {strides = array<i32>} : memref<3200xi32, #tpu.memory_space<vmem>>, vector<16xi32>,
      %get3A_431 = vector.shape_cast %get3A_430 : vector<16xi32> to vector<16xi32>
      %add3A_432 = arith.addi %mul3A_428, %get3A_431 : vector<16xi32>
      %get3A_433 = arith.index_cast %add3A_422 : i32 to index
      %get3A_434 = tpu.vector_load %arg9[%get3A_433] {strides = array<i32>} : memref<3200xf32, #tpu.memory_space<vmem>>, vector<16xf32>,
      %get3A_435 = vector.shape_cast %get3A_434 : vector<16xf32> to vector<16xf32>
      %gt3A_436 = arith.constant 1.000000e-01 : f32
      %gt3A_437 = vector.broadcast %gt3A_436 : f32 to vector<16xf32>
      %gt3A_438 = arith.cmpf ogt, %get3A_435, %gt3A_437 : vector<16xf32>
      %mul3A_439 = arith.constant 32768 : i32
      %mul3A_440 = arith.muli %add3A, %mul3A_439 : i32
      %add3A_441 = arith.constant 16777216 : i32
      %add3A_442 = arith.addi %add3A_441, %mul3A_440 : i32
      %add3A_443 = vector.broadcast %add3A_422 : i32 to vector<16xi32>
      %add3A_444 = arith.addi %add3A_443, %iota3A : vector<16xi32>
      %mul3A_445 = arith.constant 16 : i32
      %mul3A_446 = vector.broadcast %mul3A_445 : i32 to vector<16xi32>
      %mul3A_447 = arith.muli %add3A_444, %mul3A_446 : vector<16xi32>
      %and3A_448 = arith.constant 32767 : i32
      %and3A_449 = vector.broadcast %and3A_448 : i32 to vector<16xi32>
      %and3A_450 = arith.andi %mul3A_447, %and3A_449 : vector<16xi32>
      %add3A_451 = vector.broadcast %add3A_442 : i32 to vector<16xi32>
      %add3A_452 = arith.addi %add3A_451, %and3A_450 : vector<16xi32>
      %select_n3A_453 = arith.select %gt3A_438, %add3A_432, %add3A_452 : vector<16xi1>, vector<16xi32>
      %swap3A_454 = arith.index_cast %scan3A_342 : i32 to index
      %swap3A_455 = arith.constant 32 : index
      %swap3A_456 = tpu.vector_load %arg10[%swap3A_454, %swap3A_455] {strides = array<i32>} : memref<25x128xi32, #tpu.memory_space<vmem>>, vector<1x16xi32>,
      %swap3A_457 = vector.shape_cast %swap3A_456 : vector<1x16xi32> to vector<16xi32>
      %swap3A_458 = vector.shape_cast %select_n3A_453 : vector<16xi32> to vector<1x16xi32>
      tpu.vector_store %arg10[%swap3A_454, %swap3A_455], %swap3A_458 {strides = array<i32>} : memref<25x128xi32, #tpu.memory_space<vmem>>, vector<1x16xi32>,
      %mul3A_459 = arith.constant 128 : i32
      %mul3A_460 = arith.muli %scan3A_342, %mul3A_459 : i32
      %add3A_461 = arith.constant 48 : i32
      %add3A_462 = arith.addi %mul3A_460, %add3A_461 : i32
      %get3A_463 = arith.index_cast %add3A_462 : i32 to index
      %get3A_464 = tpu.vector_load %arg7[%get3A_463] {strides = array<i32>} : memref<3200xi32, #tpu.memory_space<vmem>>, vector<16xi32>,
      %get3A_465 = vector.shape_cast %get3A_464 : vector<16xi32> to vector<16xi32>
      %mul3A_466 = arith.constant 4096 : i32
      %mul3A_467 = vector.broadcast %mul3A_466 : i32 to vector<16xi32>
      %mul3A_468 = arith.muli %get3A_465, %mul3A_467 : vector<16xi32>
      %get3A_469 = arith.index_cast %add3A_462 : i32 to index
      %get3A_470 = tpu.vector_load %arg8[%get3A_469] {strides = array<i32>} : memref<3200xi32, #tpu.memory_space<vmem>>, vector<16xi32>,
      %get3A_471 = vector.shape_cast %get3A_470 : vector<16xi32> to vector<16xi32>
      %add3A_472 = arith.addi %mul3A_468, %get3A_471 : vector<16xi32>
      %get3A_473 = arith.index_cast %add3A_462 : i32 to index
      %get3A_474 = tpu.vector_load %arg9[%get3A_473] {strides = array<i32>} : memref<3200xf32, #tpu.memory_space<vmem>>, vector<16xf32>,
      %get3A_475 = vector.shape_cast %get3A_474 : vector<16xf32> to vector<16xf32>
      %gt3A_476 = arith.constant 1.000000e-01 : f32
      %gt3A_477 = vector.broadcast %gt3A_476 : f32 to vector<16xf32>
      %gt3A_478 = arith.cmpf ogt, %get3A_475, %gt3A_477 : vector<16xf32>
      %mul3A_479 = arith.constant 32768 : i32
      %mul3A_480 = arith.muli %add3A, %mul3A_479 : i32
      %add3A_481 = arith.constant 16777216 : i32
      %add3A_482 = arith.addi %add3A_481, %mul3A_480 : i32
      %add3A_483 = vector.broadcast %add3A_462 : i32 to vector<16xi32>
      %add3A_484 = arith.addi %add3A_483, %iota3A : vector<16xi32>
      %mul3A_485 = arith.constant 16 : i32
      %mul3A_486 = vector.broadcast %mul3A_485 : i32 to vector<16xi32>
      %mul3A_487 = arith.muli %add3A_484, %mul3A_486 : vector<16xi32>
      %and3A_488 = arith.constant 32767 : i32
      %and3A_489 = vector.broadcast %and3A_488 : i32 to vector<16xi32>
      %and3A_490 = arith.andi %mul3A_487, %and3A_489 : vector<16xi32>
      %add3A_491 = vector.broadcast %add3A_482 : i32 to vector<16xi32>
      %add3A_492 = arith.addi %add3A_491, %and3A_490 : vector<16xi32>
      %select_n3A_493 = arith.select %gt3A_478, %add3A_472, %add3A_492 : vector<16xi1>, vector<16xi32>
      %swap3A_494 = arith.index_cast %scan3A_342 : i32 to index
      %swap3A_495 = arith.constant 48 : index
      %swap3A_496 = tpu.vector_load %arg10[%swap3A_494, %swap3A_495] {strides = array<i32>} : memref<25x128xi32, #tpu.memory_space<vmem>>, vector<1x16xi32>,
      %swap3A_497 = vector.shape_cast %swap3A_496 : vector<1x16xi32> to vector<16xi32>
      %swap3A_498 = vector.shape_cast %select_n3A_493 : vector<16xi32> to vector<1x16xi32>
      tpu.vector_store %arg10[%swap3A_494, %swap3A_495], %swap3A_498 {strides = array<i32>} : memref<25x128xi32, #tpu.memory_space<vmem>>, vector<1x16xi32>,
      %mul3A_499 = arith.constant 128 : i32
      %mul3A_500 = arith.muli %scan3A_342, %mul3A_499 : i32
      %add3A_501 = arith.constant 64 : i32
      %add3A_502 = arith.addi %mul3A_500, %add3A_501 : i32
      %get3A_503 = arith.index_cast %add3A_502 : i32 to index
      %get3A_504 = tpu.vector_load %arg7[%get3A_503] {strides = array<i32>} : memref<3200xi32, #tpu.memory_space<vmem>>, vector<16xi32>,
      %get3A_505 = vector.shape_cast %get3A_504 : vector<16xi32> to vector<16xi32>
      %mul3A_506 = arith.constant 4096 : i32
      %mul3A_507 = vector.broadcast %mul3A_506 : i32 to vector<16xi32>
      %mul3A_508 = arith.muli %get3A_505, %mul3A_507 : vector<16xi32>
      %get3A_509 = arith.index_cast %add3A_502 : i32 to index
      %get3A_510 = tpu.vector_load %arg8[%get3A_509] {strides = array<i32>} : memref<3200xi32, #tpu.memory_space<vmem>>, vector<16xi32>,
      %get3A_511 = vector.shape_cast %get3A_510 : vector<16xi32> to vector<16xi32>
      %add3A_512 = arith.addi %mul3A_508, %get3A_511 : vector<16xi32>
      %get3A_513 = arith.index_cast %add3A_502 : i32 to index
      %get3A_514 = tpu.vector_load %arg9[%get3A_513] {strides = array<i32>} : memref<3200xf32, #tpu.memory_space<vmem>>, vector<16xf32>,
      %get3A_515 = vector.shape_cast %get3A_514 : vector<16xf32> to vector<16xf32>
      %gt3A_516 = arith.constant 1.000000e-01 : f32
      %gt3A_517 = vector.broadcast %gt3A_516 : f32 to vector<16xf32>
      %gt3A_518 = arith.cmpf ogt, %get3A_515, %gt3A_517 : vector<16xf32>
      %mul3A_519 = arith.constant 32768 : i32
      %mul3A_520 = arith.muli %add3A, %mul3A_519 : i32
      %add3A_521 = arith.constant 16777216 : i32
      %add3A_522 = arith.addi %add3A_521, %mul3A_520 : i32
      %add3A_523 = vector.broadcast %add3A_502 : i32 to vector<16xi32>
      %add3A_524 = arith.addi %add3A_523, %iota3A : vector<16xi32>
      %mul3A_525 = arith.constant 16 : i32
      %mul3A_526 = vector.broadcast %mul3A_525 : i32 to vector<16xi32>
      %mul3A_527 = arith.muli %add3A_524, %mul3A_526 : vector<16xi32>
      %and3A_528 = arith.constant 32767 : i32
      %and3A_529 = vector.broadcast %and3A_528 : i32 to vector<16xi32>
      %and3A_530 = arith.andi %mul3A_527, %and3A_529 : vector<16xi32>
      %add3A_531 = vector.broadcast %add3A_522 : i32 to vector<16xi32>
      %add3A_532 = arith.addi %add3A_531, %and3A_530 : vector<16xi32>
      %select_n3A_533 = arith.select %gt3A_518, %add3A_512, %add3A_532 : vector<16xi1>, vector<16xi32>
      %swap3A_534 = arith.index_cast %scan3A_342 : i32 to index
      %swap3A_535 = arith.constant 64 : index
      %swap3A_536 = tpu.vector_load %arg10[%swap3A_534, %swap3A_535] {strides = array<i32>} : memref<25x128xi32, #tpu.memory_space<vmem>>, vector<1x16xi32>,
      %swap3A_537 = vector.shape_cast %swap3A_536 : vector<1x16xi32> to vector<16xi32>
      %swap3A_538 = vector.shape_cast %select_n3A_533 : vector<16xi32> to vector<1x16xi32>
      tpu.vector_store %arg10[%swap3A_534, %swap3A_535], %swap3A_538 {strides = array<i32>} : memref<25x128xi32, #tpu.memory_space<vmem>>, vector<1x16xi32>,
      %mul3A_539 = arith.constant 128 : i32
      %mul3A_540 = arith.muli %scan3A_342, %mul3A_539 : i32
      %add3A_541 = arith.constant 80 : i32
      %add3A_542 = arith.addi %mul3A_540, %add3A_541 : i32
      %get3A_543 = arith.index_cast %add3A_542 : i32 to index
      %get3A_544 = tpu.vector_load %arg7[%get3A_543] {strides = array<i32>} : memref<3200xi32, #tpu.memory_space<vmem>>, vector<16xi32>,
      %get3A_545 = vector.shape_cast %get3A_544 : vector<16xi32> to vector<16xi32>
      %mul3A_546 = arith.constant 4096 : i32
      %mul3A_547 = vector.broadcast %mul3A_546 : i32 to vector<16xi32>
      %mul3A_548 = arith.muli %get3A_545, %mul3A_547 : vector<16xi32>
      %get3A_549 = arith.index_cast %add3A_542 : i32 to index
      %get3A_550 = tpu.vector_load %arg8[%get3A_549] {strides = array<i32>} : memref<3200xi32, #tpu.memory_space<vmem>>, vector<16xi32>,
      %get3A_551 = vector.shape_cast %get3A_550 : vector<16xi32> to vector<16xi32>
      %add3A_552 = arith.addi %mul3A_548, %get3A_551 : vector<16xi32>
      %get3A_553 = arith.index_cast %add3A_542 : i32 to index
      %get3A_554 = tpu.vector_load %arg9[%get3A_553] {strides = array<i32>} : memref<3200xf32, #tpu.memory_space<vmem>>, vector<16xf32>,
      %get3A_555 = vector.shape_cast %get3A_554 : vector<16xf32> to vector<16xf32>
      %gt3A_556 = arith.constant 1.000000e-01 : f32
      %gt3A_557 = vector.broadcast %gt3A_556 : f32 to vector<16xf32>
      %gt3A_558 = arith.cmpf ogt, %get3A_555, %gt3A_557 : vector<16xf32>
      %mul3A_559 = arith.constant 32768 : i32
      %mul3A_560 = arith.muli %add3A, %mul3A_559 : i32
      %add3A_561 = arith.constant 16777216 : i32
      %add3A_562 = arith.addi %add3A_561, %mul3A_560 : i32
      %add3A_563 = vector.broadcast %add3A_542 : i32 to vector<16xi32>
      %add3A_564 = arith.addi %add3A_563, %iota3A : vector<16xi32>
      %mul3A_565 = arith.constant 16 : i32
      %mul3A_566 = vector.broadcast %mul3A_565 : i32 to vector<16xi32>
      %mul3A_567 = arith.muli %add3A_564, %mul3A_566 : vector<16xi32>
      %and3A_568 = arith.constant 32767 : i32
      %and3A_569 = vector.broadcast %and3A_568 : i32 to vector<16xi32>
      %and3A_570 = arith.andi %mul3A_567, %and3A_569 : vector<16xi32>
      %add3A_571 = vector.broadcast %add3A_562 : i32 to vector<16xi32>
      %add3A_572 = arith.addi %add3A_571, %and3A_570 : vector<16xi32>
      %select_n3A_573 = arith.select %gt3A_558, %add3A_552, %add3A_572 : vector<16xi1>, vector<16xi32>
      %swap3A_574 = arith.index_cast %scan3A_342 : i32 to index
      %swap3A_575 = arith.constant 80 : index
      %swap3A_576 = tpu.vector_load %arg10[%swap3A_574, %swap3A_575] {strides = array<i32>} : memref<25x128xi32, #tpu.memory_space<vmem>>, vector<1x16xi32>,
      %swap3A_577 = vector.shape_cast %swap3A_576 : vector<1x16xi32> to vector<16xi32>
      %swap3A_578 = vector.shape_cast %select_n3A_573 : vector<16xi32> to vector<1x16xi32>
      tpu.vector_store %arg10[%swap3A_574, %swap3A_575], %swap3A_578 {strides = array<i32>} : memref<25x128xi32, #tpu.memory_space<vmem>>, vector<1x16xi32>,
      %mul3A_579 = arith.constant 128 : i32
      %mul3A_580 = arith.muli %scan3A_342, %mul3A_579 : i32
      %add3A_581 = arith.constant 96 : i32
      %add3A_582 = arith.addi %mul3A_580, %add3A_581 : i32
      %get3A_583 = arith.index_cast %add3A_582 : i32 to index
      %get3A_584 = tpu.vector_load %arg7[%get3A_583] {strides = array<i32>} : memref<3200xi32, #tpu.memory_space<vmem>>, vector<16xi32>,
      %get3A_585 = vector.shape_cast %get3A_584 : vector<16xi32> to vector<16xi32>
      %mul3A_586 = arith.constant 4096 : i32
      %mul3A_587 = vector.broadcast %mul3A_586 : i32 to vector<16xi32>
      %mul3A_588 = arith.muli %get3A_585, %mul3A_587 : vector<16xi32>
      %get3A_589 = arith.index_cast %add3A_582 : i32 to index
      %get3A_590 = tpu.vector_load %arg8[%get3A_589] {strides = array<i32>} : memref<3200xi32, #tpu.memory_space<vmem>>, vector<16xi32>,
      %get3A_591 = vector.shape_cast %get3A_590 : vector<16xi32> to vector<16xi32>
      %add3A_592 = arith.addi %mul3A_588, %get3A_591 : vector<16xi32>
      %get3A_593 = arith.index_cast %add3A_582 : i32 to index
      %get3A_594 = tpu.vector_load %arg9[%get3A_593] {strides = array<i32>} : memref<3200xf32, #tpu.memory_space<vmem>>, vector<16xf32>,
      %get3A_595 = vector.shape_cast %get3A_594 : vector<16xf32> to vector<16xf32>
      %gt3A_596 = arith.constant 1.000000e-01 : f32
      %gt3A_597 = vector.broadcast %gt3A_596 : f32 to vector<16xf32>
      %gt3A_598 = arith.cmpf ogt, %get3A_595, %gt3A_597 : vector<16xf32>
      %mul3A_599 = arith.constant 32768 : i32
      %mul3A_600 = arith.muli %add3A, %mul3A_599 : i32
      %add3A_601 = arith.constant 16777216 : i32
      %add3A_602 = arith.addi %add3A_601, %mul3A_600 : i32
      %add3A_603 = vector.broadcast %add3A_582 : i32 to vector<16xi32>
      %add3A_604 = arith.addi %add3A_603, %iota3A : vector<16xi32>
      %mul3A_605 = arith.constant 16 : i32
      %mul3A_606 = vector.broadcast %mul3A_605 : i32 to vector<16xi32>
      %mul3A_607 = arith.muli %add3A_604, %mul3A_606 : vector<16xi32>
      %and3A_608 = arith.constant 32767 : i32
      %and3A_609 = vector.broadcast %and3A_608 : i32 to vector<16xi32>
      %and3A_610 = arith.andi %mul3A_607, %and3A_609 : vector<16xi32>
      %add3A_611 = vector.broadcast %add3A_602 : i32 to vector<16xi32>
      %add3A_612 = arith.addi %add3A_611, %and3A_610 : vector<16xi32>
      %select_n3A_613 = arith.select %gt3A_598, %add3A_592, %add3A_612 : vector<16xi1>, vector<16xi32>
      %swap3A_614 = arith.index_cast %scan3A_342 : i32 to index
      %swap3A_615 = arith.constant 96 : index
      %swap3A_616 = tpu.vector_load %arg10[%swap3A_614, %swap3A_615] {strides = array<i32>} : memref<25x128xi32, #tpu.memory_space<vmem>>, vector<1x16xi32>,
      %swap3A_617 = vector.shape_cast %swap3A_616 : vector<1x16xi32> to vector<16xi32>
      %swap3A_618 = vector.shape_cast %select_n3A_613 : vector<16xi32> to vector<1x16xi32>
      tpu.vector_store %arg10[%swap3A_614, %swap3A_615], %swap3A_618 {strides = array<i32>} : memref<25x128xi32, #tpu.memory_space<vmem>>, vector<1x16xi32>,
      %mul3A_619 = arith.constant 128 : i32
      %mul3A_620 = arith.muli %scan3A_342, %mul3A_619 : i32
      %add3A_621 = arith.constant 112 : i32
      %add3A_622 = arith.addi %mul3A_620, %add3A_621 : i32
      %get3A_623 = arith.index_cast %add3A_622 : i32 to index
      %get3A_624 = tpu.vector_load %arg7[%get3A_623] {strides = array<i32>} : memref<3200xi32, #tpu.memory_space<vmem>>, vector<16xi32>,
      %get3A_625 = vector.shape_cast %get3A_624 : vector<16xi32> to vector<16xi32>
      %mul3A_626 = arith.constant 4096 : i32
      %mul3A_627 = vector.broadcast %mul3A_626 : i32 to vector<16xi32>
      %mul3A_628 = arith.muli %get3A_625, %mul3A_627 : vector<16xi32>
      %get3A_629 = arith.index_cast %add3A_622 : i32 to index
      %get3A_630 = tpu.vector_load %arg8[%get3A_629] {strides = array<i32>} : memref<3200xi32, #tpu.memory_space<vmem>>, vector<16xi32>,
      %get3A_631 = vector.shape_cast %get3A_630 : vector<16xi32> to vector<16xi32>
      %add3A_632 = arith.addi %mul3A_628, %get3A_631 : vector<16xi32>
      %get3A_633 = arith.index_cast %add3A_622 : i32 to index
      %get3A_634 = tpu.vector_load %arg9[%get3A_633] {strides = array<i32>} : memref<3200xf32, #tpu.memory_space<vmem>>, vector<16xf32>,
      %get3A_635 = vector.shape_cast %get3A_634 : vector<16xf32> to vector<16xf32>
      %gt3A_636 = arith.constant 1.000000e-01 : f32
      %gt3A_637 = vector.broadcast %gt3A_636 : f32 to vector<16xf32>
      %gt3A_638 = arith.cmpf ogt, %get3A_635, %gt3A_637 : vector<16xf32>
      %mul3A_639 = arith.constant 32768 : i32
      %mul3A_640 = arith.muli %add3A, %mul3A_639 : i32
      %add3A_641 = arith.constant 16777216 : i32
      %add3A_642 = arith.addi %add3A_641, %mul3A_640 : i32
      %add3A_643 = vector.broadcast %add3A_622 : i32 to vector<16xi32>
      %add3A_644 = arith.addi %add3A_643, %iota3A : vector<16xi32>
      %mul3A_645 = arith.constant 16 : i32
      %mul3A_646 = vector.broadcast %mul3A_645 : i32 to vector<16xi32>
      %mul3A_647 = arith.muli %add3A_644, %mul3A_646 : vector<16xi32>
      %and3A_648 = arith.constant 32767 : i32
      %and3A_649 = vector.broadcast %and3A_648 : i32 to vector<16xi32>
      %and3A_650 = arith.andi %mul3A_647, %and3A_649 : vector<16xi32>
      %add3A_651 = vector.broadcast %add3A_642 : i32 to vector<16xi32>
      %add3A_652 = arith.addi %add3A_651, %and3A_650 : vector<16xi32>
      %select_n3A_653 = arith.select %gt3A_638, %add3A_632, %add3A_652 : vector<16xi1>, vector<16xi32>
      %swap3A_654 = arith.index_cast %scan3A_342 : i32 to index
      %swap3A_655 = arith.constant 112 : index
      %swap3A_656 = tpu.vector_load %arg10[%swap3A_654, %swap3A_655] {strides = array<i32>} : memref<25x128xi32, #tpu.memory_space<vmem>>, vector<1x16xi32>,
      %swap3A_657 = vector.shape_cast %swap3A_656 : vector<1x16xi32> to vector<16xi32>
      %swap3A_658 = vector.shape_cast %select_n3A_653 : vector<16xi32> to vector<1x16xi32>
      tpu.vector_store %arg10[%swap3A_654, %swap3A_655], %swap3A_658 {strides = array<i32>} : memref<25x128xi32, #tpu.memory_space<vmem>>, vector<1x16xi32>,
    }
    %scan3A_43 = arith.constant 25 : i32
    %dma_start3A = arith.constant 0 : i32
    %dma_start3A_44 = arith.constant 0 : i32
    %dma_start3A_45 = tpu.memref_slice %arg10[%dma_start3A, %dma_start3A_44] : memref<25x128xi32, #tpu.memory_space<vmem>> -> memref<1x128xi32, #tpu.memory_space<vmem>>
    %dma_start3A_46 = tpu.memref_squeeze %dma_start3A_45 : memref<1x128xi32, #tpu.memory_space<vmem>> -> memref<128xi32, #tpu.memory_space<vmem>>
    %dma_start3A_47 = arith.constant 0 : i32
    %dma_start3A_48 = tpu.memref_slice %arg5[%dma_start3A_47] : memref<17825808xf32, #tpu.memory_space<hbm>> -> memref<17825808xf32, #tpu.memory_space<hbm>>
    tpu.enqueue_indirect_dma source(%arg11 : memref<128xf32, #tpu.memory_space<vmem>>) target(%dma_start3A_48 : memref<17825808xf32, #tpu.memory_space<hbm>>) offsets(%dma_start3A_46 : memref<128xi32, #tpu.memory_space<vmem>>) semaphore(%arg12 : memref<!tpu.dma_semaphore, #tpu.memory_space<semaphore_mem>>)
    %dma_start3A_49 = arith.constant 1 : i32
    %dma_start3A_50 = arith.constant 0 : i32
    %dma_start3A_51 = tpu.memref_slice %arg10[%dma_start3A_49, %dma_start3A_50] : memref<25x128xi32, #tpu.memory_space<vmem>> -> memref<1x128xi32, #tpu.memory_space<vmem>>
    %dma_start3A_52 = tpu.memref_squeeze %dma_start3A_51 : memref<1x128xi32, #tpu.memory_space<vmem>> -> memref<128xi32, #tpu.memory_space<vmem>>
    %dma_start3A_53 = arith.constant 0 : i32
    %dma_start3A_54 = tpu.memref_slice %arg5[%dma_start3A_53] : memref<17825808xf32, #tpu.memory_space<hbm>> -> memref<17825808xf32, #tpu.memory_space<hbm>>
    tpu.enqueue_indirect_dma source(%arg11 : memref<128xf32, #tpu.memory_space<vmem>>) target(%dma_start3A_54 : memref<17825808xf32, #tpu.memory_space<hbm>>) offsets(%dma_start3A_52 : memref<128xi32, #tpu.memory_space<vmem>>) semaphore(%arg13 : memref<!tpu.dma_semaphore, #tpu.memory_space<semaphore_mem>>)
    %dma_start3A_55 = arith.constant 2 : i32
    %dma_start3A_56 = arith.constant 0 : i32
    %dma_start3A_57 = tpu.memref_slice %arg10[%dma_start3A_55, %dma_start3A_56] : memref<25x128xi32, #tpu.memory_space<vmem>> -> memref<1x128xi32, #tpu.memory_space<vmem>>
    %dma_start3A_58 = tpu.memref_squeeze %dma_start3A_57 : memref<1x128xi32, #tpu.memory_space<vmem>> -> memref<128xi32, #tpu.memory_space<vmem>>
    %dma_start3A_59 = arith.constant 0 : i32
    %dma_start3A_60 = tpu.memref_slice %arg5[%dma_start3A_59] : memref<17825808xf32, #tpu.memory_space<hbm>> -> memref<17825808xf32, #tpu.memory_space<hbm>>
    tpu.enqueue_indirect_dma source(%arg11 : memref<128xf32, #tpu.memory_space<vmem>>) target(%dma_start3A_60 : memref<17825808xf32, #tpu.memory_space<hbm>>) offsets(%dma_start3A_58 : memref<128xi32, #tpu.memory_space<vmem>>) semaphore(%arg14 : memref<!tpu.dma_semaphore, #tpu.memory_space<semaphore_mem>>)
    %dma_start3A_61 = arith.constant 3 : i32
    %dma_start3A_62 = arith.constant 0 : i32
    %dma_start3A_63 = tpu.memref_slice %arg10[%dma_start3A_61, %dma_start3A_62] : memref<25x128xi32, #tpu.memory_space<vmem>> -> memref<1x128xi32, #tpu.memory_space<vmem>>
    %dma_start3A_64 = tpu.memref_squeeze %dma_start3A_63 : memref<1x128xi32, #tpu.memory_space<vmem>> -> memref<128xi32, #tpu.memory_space<vmem>>
    %dma_start3A_65 = arith.constant 0 : i32
    %dma_start3A_66 = tpu.memref_slice %arg5[%dma_start3A_65] : memref<17825808xf32, #tpu.memory_space<hbm>> -> memref<17825808xf32, #tpu.memory_space<hbm>>
    tpu.enqueue_indirect_dma source(%arg11 : memref<128xf32, #tpu.memory_space<vmem>>) target(%dma_start3A_66 : memref<17825808xf32, #tpu.memory_space<hbm>>) offsets(%dma_start3A_64 : memref<128xi32, #tpu.memory_space<vmem>>) semaphore(%arg15 : memref<!tpu.dma_semaphore, #tpu.memory_space<semaphore_mem>>)
    %dma_start3A_67 = arith.constant 4 : i32
    %dma_start3A_68 = arith.constant 0 : i32
    %dma_start3A_69 = tpu.memref_slice %arg10[%dma_start3A_67, %dma_start3A_68] : memref<25x128xi32, #tpu.memory_space<vmem>> -> memref<1x128xi32, #tpu.memory_space<vmem>>
    %dma_start3A_70 = tpu.memref_squeeze %dma_start3A_69 : memref<1x128xi32, #tpu.memory_space<vmem>> -> memref<128xi32, #tpu.memory_space<vmem>>
    %dma_start3A_71 = arith.constant 0 : i32
    %dma_start3A_72 = tpu.memref_slice %arg5[%dma_start3A_71] : memref<17825808xf32, #tpu.memory_space<hbm>> -> memref<17825808xf32, #tpu.memory_space<hbm>>
    tpu.enqueue_indirect_dma source(%arg11 : memref<128xf32, #tpu.memory_space<vmem>>) target(%dma_start3A_72 : memref<17825808xf32, #tpu.memory_space<hbm>>) offsets(%dma_start3A_70 : memref<128xi32, #tpu.memory_space<vmem>>) semaphore(%arg12 : memref<!tpu.dma_semaphore, #tpu.memory_space<semaphore_mem>>)
    %dma_start3A_73 = arith.constant 5 : i32
    %dma_start3A_74 = arith.constant 0 : i32
    %dma_start3A_75 = tpu.memref_slice %arg10[%dma_start3A_73, %dma_start3A_74] : memref<25x128xi32, #tpu.memory_space<vmem>> -> memref<1x128xi32, #tpu.memory_space<vmem>>
    %dma_start3A_76 = tpu.memref_squeeze %dma_start3A_75 : memref<1x128xi32, #tpu.memory_space<vmem>> -> memref<128xi32, #tpu.memory_space<vmem>>
    %dma_start3A_77 = arith.constant 0 : i32
    %dma_start3A_78 = tpu.memref_slice %arg5[%dma_start3A_77] : memref<17825808xf32, #tpu.memory_space<hbm>> -> memref<17825808xf32, #tpu.memory_space<hbm>>
    tpu.enqueue_indirect_dma source(%arg11 : memref<128xf32, #tpu.memory_space<vmem>>) target(%dma_start3A_78 : memref<17825808xf32, #tpu.memory_space<hbm>>) offsets(%dma_start3A_76 : memref<128xi32, #tpu.memory_space<vmem>>) semaphore(%arg13 : memref<!tpu.dma_semaphore, #tpu.memory_space<semaphore_mem>>)
    %dma_start3A_79 = arith.constant 6 : i32
    %dma_start3A_80 = arith.constant 0 : i32
    %dma_start3A_81 = tpu.memref_slice %arg10[%dma_start3A_79, %dma_start3A_80] : memref<25x128xi32, #tpu.memory_space<vmem>> -> memref<1x128xi32, #tpu.memory_space<vmem>>
    %dma_start3A_82 = tpu.memref_squeeze %dma_start3A_81 : memref<1x128xi32, #tpu.memory_space<vmem>> -> memref<128xi32, #tpu.memory_space<vmem>>
    %dma_start3A_83 = arith.constant 0 : i32
    %dma_start3A_84 = tpu.memref_slice %arg5[%dma_start3A_83] : memref<17825808xf32, #tpu.memory_space<hbm>> -> memref<17825808xf32, #tpu.memory_space<hbm>>
    tpu.enqueue_indirect_dma source(%arg11 : memref<128xf32, #tpu.memory_space<vmem>>) target(%dma_start3A_84 : memref<17825808xf32, #tpu.memory_space<hbm>>) offsets(%dma_start3A_82 : memref<128xi32, #tpu.memory_space<vmem>>) semaphore(%arg14 : memref<!tpu.dma_semaphore, #tpu.memory_space<semaphore_mem>>)
    %dma_start3A_85 = arith.constant 7 : i32
    %dma_start3A_86 = arith.constant 0 : i32
    %dma_start3A_87 = tpu.memref_slice %arg10[%dma_start3A_85, %dma_start3A_86] : memref<25x128xi32, #tpu.memory_space<vmem>> -> memref<1x128xi32, #tpu.memory_space<vmem>>
    %dma_start3A_88 = tpu.memref_squeeze %dma_start3A_87 : memref<1x128xi32, #tpu.memory_space<vmem>> -> memref<128xi32, #tpu.memory_space<vmem>>
    %dma_start3A_89 = arith.constant 0 : i32
    %dma_start3A_90 = tpu.memref_slice %arg5[%dma_start3A_89] : memref<17825808xf32, #tpu.memory_space<hbm>> -> memref<17825808xf32, #tpu.memory_space<hbm>>
    tpu.enqueue_indirect_dma source(%arg11 : memref<128xf32, #tpu.memory_space<vmem>>) target(%dma_start3A_90 : memref<17825808xf32, #tpu.memory_space<hbm>>) offsets(%dma_start3A_88 : memref<128xi32, #tpu.memory_space<vmem>>) semaphore(%arg15 : memref<!tpu.dma_semaphore, #tpu.memory_space<semaphore_mem>>)
    %dma_start3A_91 = arith.constant 8 : i32
    %dma_start3A_92 = arith.constant 0 : i32
    %dma_start3A_93 = tpu.memref_slice %arg10[%dma_start3A_91, %dma_start3A_92] : memref<25x128xi32, #tpu.memory_space<vmem>> -> memref<1x128xi32, #tpu.memory_space<vmem>>
    %dma_start3A_94 = tpu.memref_squeeze %dma_start3A_93 : memref<1x128xi32, #tpu.memory_space<vmem>> -> memref<128xi32, #tpu.memory_space<vmem>>
    %dma_start3A_95 = arith.constant 0 : i32
    %dma_start3A_96 = tpu.memref_slice %arg5[%dma_start3A_95] : memref<17825808xf32, #tpu.memory_space<hbm>> -> memref<17825808xf32, #tpu.memory_space<hbm>>
    tpu.enqueue_indirect_dma source(%arg11 : memref<128xf32, #tpu.memory_space<vmem>>) target(%dma_start3A_96 : memref<17825808xf32, #tpu.memory_space<hbm>>) offsets(%dma_start3A_94 : memref<128xi32, #tpu.memory_space<vmem>>) semaphore(%arg12 : memref<!tpu.dma_semaphore, #tpu.memory_space<semaphore_mem>>)
    %dma_start3A_97 = arith.constant 9 : i32
    %dma_start3A_98 = arith.constant 0 : i32
    %dma_start3A_99 = tpu.memref_slice %arg10[%dma_start3A_97, %dma_start3A_98] : memref<25x128xi32, #tpu.memory_space<vmem>> -> memref<1x128xi32, #tpu.memory_space<vmem>>
    %dma_start3A_100 = tpu.memref_squeeze %dma_start3A_99 : memref<1x128xi32, #tpu.memory_space<vmem>> -> memref<128xi32, #tpu.memory_space<vmem>>
    %dma_start3A_101 = arith.constant 0 : i32
    %dma_start3A_102 = tpu.memref_slice %arg5[%dma_start3A_101] : memref<17825808xf32, #tpu.memory_space<hbm>> -> memref<17825808xf32, #tpu.memory_space<hbm>>
    tpu.enqueue_indirect_dma source(%arg11 : memref<128xf32, #tpu.memory_space<vmem>>) target(%dma_start3A_102 : memref<17825808xf32, #tpu.memory_space<hbm>>) offsets(%dma_start3A_100 : memref<128xi32, #tpu.memory_space<vmem>>) semaphore(%arg13 : memref<!tpu.dma_semaphore, #tpu.memory_space<semaphore_mem>>)
    %dma_start3A_103 = arith.constant 10 : i32
    %dma_start3A_104 = arith.constant 0 : i32
    %dma_start3A_105 = tpu.memref_slice %arg10[%dma_start3A_103, %dma_start3A_104] : memref<25x128xi32, #tpu.memory_space<vmem>> -> memref<1x128xi32, #tpu.memory_space<vmem>>
    %dma_start3A_106 = tpu.memref_squeeze %dma_start3A_105 : memref<1x128xi32, #tpu.memory_space<vmem>> -> memref<128xi32, #tpu.memory_space<vmem>>
    %dma_start3A_107 = arith.constant 0 : i32
    %dma_start3A_108 = tpu.memref_slice %arg5[%dma_start3A_107] : memref<17825808xf32, #tpu.memory_space<hbm>> -> memref<17825808xf32, #tpu.memory_space<hbm>>
    tpu.enqueue_indirect_dma source(%arg11 : memref<128xf32, #tpu.memory_space<vmem>>) target(%dma_start3A_108 : memref<17825808xf32, #tpu.memory_space<hbm>>) offsets(%dma_start3A_106 : memref<128xi32, #tpu.memory_space<vmem>>) semaphore(%arg14 : memref<!tpu.dma_semaphore, #tpu.memory_space<semaphore_mem>>)
    %dma_start3A_109 = arith.constant 11 : i32
    %dma_start3A_110 = arith.constant 0 : i32
    %dma_start3A_111 = tpu.memref_slice %arg10[%dma_start3A_109, %dma_start3A_110] : memref<25x128xi32, #tpu.memory_space<vmem>> -> memref<1x128xi32, #tpu.memory_space<vmem>>
    %dma_start3A_112 = tpu.memref_squeeze %dma_start3A_111 : memref<1x128xi32, #tpu.memory_space<vmem>> -> memref<128xi32, #tpu.memory_space<vmem>>
    %dma_start3A_113 = arith.constant 0 : i32
    %dma_start3A_114 = tpu.memref_slice %arg5[%dma_start3A_113] : memref<17825808xf32, #tpu.memory_space<hbm>> -> memref<17825808xf32, #tpu.memory_space<hbm>>
    tpu.enqueue_indirect_dma source(%arg11 : memref<128xf32, #tpu.memory_space<vmem>>) target(%dma_start3A_114 : memref<17825808xf32, #tpu.memory_space<hbm>>) offsets(%dma_start3A_112 : memref<128xi32, #tpu.memory_space<vmem>>) semaphore(%arg15 : memref<!tpu.dma_semaphore, #tpu.memory_space<semaphore_mem>>)
    %dma_start3A_115 = arith.constant 12 : i32
    %dma_start3A_116 = arith.constant 0 : i32
    %dma_start3A_117 = tpu.memref_slice %arg10[%dma_start3A_115, %dma_start3A_116] : memref<25x128xi32, #tpu.memory_space<vmem>> -> memref<1x128xi32, #tpu.memory_space<vmem>>
    %dma_start3A_118 = tpu.memref_squeeze %dma_start3A_117 : memref<1x128xi32, #tpu.memory_space<vmem>> -> memref<128xi32, #tpu.memory_space<vmem>>
    %dma_start3A_119 = arith.constant 0 : i32
    %dma_start3A_120 = tpu.memref_slice %arg5[%dma_start3A_119] : memref<17825808xf32, #tpu.memory_space<hbm>> -> memref<17825808xf32, #tpu.memory_space<hbm>>
    tpu.enqueue_indirect_dma source(%arg11 : memref<128xf32, #tpu.memory_space<vmem>>) target(%dma_start3A_120 : memref<17825808xf32, #tpu.memory_space<hbm>>) offsets(%dma_start3A_118 : memref<128xi32, #tpu.memory_space<vmem>>) semaphore(%arg12 : memref<!tpu.dma_semaphore, #tpu.memory_space<semaphore_mem>>)
    %dma_start3A_121 = arith.constant 13 : i32
    %dma_start3A_122 = arith.constant 0 : i32
    %dma_start3A_123 = tpu.memref_slice %arg10[%dma_start3A_121, %dma_start3A_122] : memref<25x128xi32, #tpu.memory_space<vmem>> -> memref<1x128xi32, #tpu.memory_space<vmem>>
    %dma_start3A_124 = tpu.memref_squeeze %dma_start3A_123 : memref<1x128xi32, #tpu.memory_space<vmem>> -> memref<128xi32, #tpu.memory_space<vmem>>
    %dma_start3A_125 = arith.constant 0 : i32
    %dma_start3A_126 = tpu.memref_slice %arg5[%dma_start3A_125] : memref<17825808xf32, #tpu.memory_space<hbm>> -> memref<17825808xf32, #tpu.memory_space<hbm>>
    tpu.enqueue_indirect_dma source(%arg11 : memref<128xf32, #tpu.memory_space<vmem>>) target(%dma_start3A_126 : memref<17825808xf32, #tpu.memory_space<hbm>>) offsets(%dma_start3A_124 : memref<128xi32, #tpu.memory_space<vmem>>) semaphore(%arg13 : memref<!tpu.dma_semaphore, #tpu.memory_space<semaphore_mem>>)
    %dma_start3A_127 = arith.constant 14 : i32
    %dma_start3A_128 = arith.constant 0 : i32
    %dma_start3A_129 = tpu.memref_slice %arg10[%dma_start3A_127, %dma_start3A_128] : memref<25x128xi32, #tpu.memory_space<vmem>> -> memref<1x128xi32, #tpu.memory_space<vmem>>
    %dma_start3A_130 = tpu.memref_squeeze %dma_start3A_129 : memref<1x128xi32, #tpu.memory_space<vmem>> -> memref<128xi32, #tpu.memory_space<vmem>>
    %dma_start3A_131 = arith.constant 0 : i32
    %dma_start3A_132 = tpu.memref_slice %arg5[%dma_start3A_131] : memref<17825808xf32, #tpu.memory_space<hbm>> -> memref<17825808xf32, #tpu.memory_space<hbm>>
    tpu.enqueue_indirect_dma source(%arg11 : memref<128xf32, #tpu.memory_space<vmem>>) target(%dma_start3A_132 : memref<17825808xf32, #tpu.memory_space<hbm>>) offsets(%dma_start3A_130 : memref<128xi32, #tpu.memory_space<vmem>>) semaphore(%arg14 : memref<!tpu.dma_semaphore, #tpu.memory_space<semaphore_mem>>)
    %dma_start3A_133 = arith.constant 15 : i32
    %dma_start3A_134 = arith.constant 0 : i32
    %dma_start3A_135 = tpu.memref_slice %arg10[%dma_start3A_133, %dma_start3A_134] : memref<25x128xi32, #tpu.memory_space<vmem>> -> memref<1x128xi32, #tpu.memory_space<vmem>>
    %dma_start3A_136 = tpu.memref_squeeze %dma_start3A_135 : memref<1x128xi32, #tpu.memory_space<vmem>> -> memref<128xi32, #tpu.memory_space<vmem>>
    %dma_start3A_137 = arith.constant 0 : i32
    %dma_start3A_138 = tpu.memref_slice %arg5[%dma_start3A_137] : memref<17825808xf32, #tpu.memory_space<hbm>> -> memref<17825808xf32, #tpu.memory_space<hbm>>
    tpu.enqueue_indirect_dma source(%arg11 : memref<128xf32, #tpu.memory_space<vmem>>) target(%dma_start3A_138 : memref<17825808xf32, #tpu.memory_space<hbm>>) offsets(%dma_start3A_136 : memref<128xi32, #tpu.memory_space<vmem>>) semaphore(%arg15 : memref<!tpu.dma_semaphore, #tpu.memory_space<semaphore_mem>>)
    %dma_start3A_139 = arith.constant 16 : i32
    %dma_start3A_140 = arith.constant 0 : i32
    %dma_start3A_141 = tpu.memref_slice %arg10[%dma_start3A_139, %dma_start3A_140] : memref<25x128xi32, #tpu.memory_space<vmem>> -> memref<1x128xi32, #tpu.memory_space<vmem>>
    %dma_start3A_142 = tpu.memref_squeeze %dma_start3A_141 : memref<1x128xi32, #tpu.memory_space<vmem>> -> memref<128xi32, #tpu.memory_space<vmem>>
    %dma_start3A_143 = arith.constant 0 : i32
    %dma_start3A_144 = tpu.memref_slice %arg5[%dma_start3A_143] : memref<17825808xf32, #tpu.memory_space<hbm>> -> memref<17825808xf32, #tpu.memory_space<hbm>>
    tpu.enqueue_indirect_dma source(%arg11 : memref<128xf32, #tpu.memory_space<vmem>>) target(%dma_start3A_144 : memref<17825808xf32, #tpu.memory_space<hbm>>) offsets(%dma_start3A_142 : memref<128xi32, #tpu.memory_space<vmem>>) semaphore(%arg12 : memref<!tpu.dma_semaphore, #tpu.memory_space<semaphore_mem>>)
    %dma_start3A_145 = arith.constant 17 : i32
    %dma_start3A_146 = arith.constant 0 : i32
    %dma_start3A_147 = tpu.memref_slice %arg10[%dma_start3A_145, %dma_start3A_146] : memref<25x128xi32, #tpu.memory_space<vmem>> -> memref<1x128xi32, #tpu.memory_space<vmem>>
    %dma_start3A_148 = tpu.memref_squeeze %dma_start3A_147 : memref<1x128xi32, #tpu.memory_space<vmem>> -> memref<128xi32, #tpu.memory_space<vmem>>
    %dma_start3A_149 = arith.constant 0 : i32
    %dma_start3A_150 = tpu.memref_slice %arg5[%dma_start3A_149] : memref<17825808xf32, #tpu.memory_space<hbm>> -> memref<17825808xf32, #tpu.memory_space<hbm>>
    tpu.enqueue_indirect_dma source(%arg11 : memref<128xf32, #tpu.memory_space<vmem>>) target(%dma_start3A_150 : memref<17825808xf32, #tpu.memory_space<hbm>>) offsets(%dma_start3A_148 : memref<128xi32, #tpu.memory_space<vmem>>) semaphore(%arg13 : memref<!tpu.dma_semaphore, #tpu.memory_space<semaphore_mem>>)
    %dma_start3A_151 = arith.constant 18 : i32
    %dma_start3A_152 = arith.constant 0 : i32
    %dma_start3A_153 = tpu.memref_slice %arg10[%dma_start3A_151, %dma_start3A_152] : memref<25x128xi32, #tpu.memory_space<vmem>> -> memref<1x128xi32, #tpu.memory_space<vmem>>
    %dma_start3A_154 = tpu.memref_squeeze %dma_start3A_153 : memref<1x128xi32, #tpu.memory_space<vmem>> -> memref<128xi32, #tpu.memory_space<vmem>>
    %dma_start3A_155 = arith.constant 0 : i32
    %dma_start3A_156 = tpu.memref_slice %arg5[%dma_start3A_155] : memref<17825808xf32, #tpu.memory_space<hbm>> -> memref<17825808xf32, #tpu.memory_space<hbm>>
    tpu.enqueue_indirect_dma source(%arg11 : memref<128xf32, #tpu.memory_space<vmem>>) target(%dma_start3A_156 : memref<17825808xf32, #tpu.memory_space<hbm>>) offsets(%dma_start3A_154 : memref<128xi32, #tpu.memory_space<vmem>>) semaphore(%arg14 : memref<!tpu.dma_semaphore, #tpu.memory_space<semaphore_mem>>)
    %dma_start3A_157 = arith.constant 19 : i32
    %dma_start3A_158 = arith.constant 0 : i32
    %dma_start3A_159 = tpu.memref_slice %arg10[%dma_start3A_157, %dma_start3A_158] : memref<25x128xi32, #tpu.memory_space<vmem>> -> memref<1x128xi32, #tpu.memory_space<vmem>>
    %dma_start3A_160 = tpu.memref_squeeze %dma_start3A_159 : memref<1x128xi32, #tpu.memory_space<vmem>> -> memref<128xi32, #tpu.memory_space<vmem>>
    %dma_start3A_161 = arith.constant 0 : i32
    %dma_start3A_162 = tpu.memref_slice %arg5[%dma_start3A_161] : memref<17825808xf32, #tpu.memory_space<hbm>> -> memref<17825808xf32, #tpu.memory_space<hbm>>
    tpu.enqueue_indirect_dma source(%arg11 : memref<128xf32, #tpu.memory_space<vmem>>) target(%dma_start3A_162 : memref<17825808xf32, #tpu.memory_space<hbm>>) offsets(%dma_start3A_160 : memref<128xi32, #tpu.memory_space<vmem>>) semaphore(%arg15 : memref<!tpu.dma_semaphore, #tpu.memory_space<semaphore_mem>>)
    %dma_start3A_163 = arith.constant 20 : i32
    %dma_start3A_164 = arith.constant 0 : i32
    %dma_start3A_165 = tpu.memref_slice %arg10[%dma_start3A_163, %dma_start3A_164] : memref<25x128xi32, #tpu.memory_space<vmem>> -> memref<1x128xi32, #tpu.memory_space<vmem>>
    %dma_start3A_166 = tpu.memref_squeeze %dma_start3A_165 : memref<1x128xi32, #tpu.memory_space<vmem>> -> memref<128xi32, #tpu.memory_space<vmem>>
    %dma_start3A_167 = arith.constant 0 : i32
    %dma_start3A_168 = tpu.memref_slice %arg5[%dma_start3A_167] : memref<17825808xf32, #tpu.memory_space<hbm>> -> memref<17825808xf32, #tpu.memory_space<hbm>>
    tpu.enqueue_indirect_dma source(%arg11 : memref<128xf32, #tpu.memory_space<vmem>>) target(%dma_start3A_168 : memref<17825808xf32, #tpu.memory_space<hbm>>) offsets(%dma_start3A_166 : memref<128xi32, #tpu.memory_space<vmem>>) semaphore(%arg12 : memref<!tpu.dma_semaphore, #tpu.memory_space<semaphore_mem>>)
    %dma_start3A_169 = arith.constant 21 : i32
    %dma_start3A_170 = arith.constant 0 : i32
    %dma_start3A_171 = tpu.memref_slice %arg10[%dma_start3A_169, %dma_start3A_170] : memref<25x128xi32, #tpu.memory_space<vmem>> -> memref<1x128xi32, #tpu.memory_space<vmem>>
    %dma_start3A_172 = tpu.memref_squeeze %dma_start3A_171 : memref<1x128xi32, #tpu.memory_space<vmem>> -> memref<128xi32, #tpu.memory_space<vmem>>
    %dma_start3A_173 = arith.constant 0 : i32
    %dma_start3A_174 = tpu.memref_slice %arg5[%dma_start3A_173] : memref<17825808xf32, #tpu.memory_space<hbm>> -> memref<17825808xf32, #tpu.memory_space<hbm>>
    tpu.enqueue_indirect_dma source(%arg11 : memref<128xf32, #tpu.memory_space<vmem>>) target(%dma_start3A_174 : memref<17825808xf32, #tpu.memory_space<hbm>>) offsets(%dma_start3A_172 : memref<128xi32, #tpu.memory_space<vmem>>) semaphore(%arg13 : memref<!tpu.dma_semaphore, #tpu.memory_space<semaphore_mem>>)
    %dma_start3A_175 = arith.constant 22 : i32
    %dma_start3A_176 = arith.constant 0 : i32
    %dma_start3A_177 = tpu.memref_slice %arg10[%dma_start3A_175, %dma_start3A_176] : memref<25x128xi32, #tpu.memory_space<vmem>> -> memref<1x128xi32, #tpu.memory_space<vmem>>
    %dma_start3A_178 = tpu.memref_squeeze %dma_start3A_177 : memref<1x128xi32, #tpu.memory_space<vmem>> -> memref<128xi32, #tpu.memory_space<vmem>>
    %dma_start3A_179 = arith.constant 0 : i32
    %dma_start3A_180 = tpu.memref_slice %arg5[%dma_start3A_179] : memref<17825808xf32, #tpu.memory_space<hbm>> -> memref<17825808xf32, #tpu.memory_space<hbm>>
    tpu.enqueue_indirect_dma source(%arg11 : memref<128xf32, #tpu.memory_space<vmem>>) target(%dma_start3A_180 : memref<17825808xf32, #tpu.memory_space<hbm>>) offsets(%dma_start3A_178 : memref<128xi32, #tpu.memory_space<vmem>>) semaphore(%arg14 : memref<!tpu.dma_semaphore, #tpu.memory_space<semaphore_mem>>)
    %dma_start3A_181 = arith.constant 23 : i32
    %dma_start3A_182 = arith.constant 0 : i32
    %dma_start3A_183 = tpu.memref_slice %arg10[%dma_start3A_181, %dma_start3A_182] : memref<25x128xi32, #tpu.memory_space<vmem>> -> memref<1x128xi32, #tpu.memory_space<vmem>>
    %dma_start3A_184 = tpu.memref_squeeze %dma_start3A_183 : memref<1x128xi32, #tpu.memory_space<vmem>> -> memref<128xi32, #tpu.memory_space<vmem>>
    %dma_start3A_185 = arith.constant 0 : i32
    %dma_start3A_186 = tpu.memref_slice %arg5[%dma_start3A_185] : memref<17825808xf32, #tpu.memory_space<hbm>> -> memref<17825808xf32, #tpu.memory_space<hbm>>
    tpu.enqueue_indirect_dma source(%arg11 : memref<128xf32, #tpu.memory_space<vmem>>) target(%dma_start3A_186 : memref<17825808xf32, #tpu.memory_space<hbm>>) offsets(%dma_start3A_184 : memref<128xi32, #tpu.memory_space<vmem>>) semaphore(%arg15 : memref<!tpu.dma_semaphore, #tpu.memory_space<semaphore_mem>>)
    %dma_start3A_187 = arith.constant 24 : i32
    %dma_start3A_188 = arith.constant 0 : i32
    %dma_start3A_189 = tpu.memref_slice %arg10[%dma_start3A_187, %dma_start3A_188] : memref<25x128xi32, #tpu.memory_space<vmem>> -> memref<1x128xi32, #tpu.memory_space<vmem>>
    %dma_start3A_190 = tpu.memref_squeeze %dma_start3A_189 : memref<1x128xi32, #tpu.memory_space<vmem>> -> memref<128xi32, #tpu.memory_space<vmem>>
    %dma_start3A_191 = arith.constant 0 : i32
    %dma_start3A_192 = tpu.memref_slice %arg5[%dma_start3A_191] : memref<17825808xf32, #tpu.memory_space<hbm>> -> memref<17825808xf32, #tpu.memory_space<hbm>>
    tpu.enqueue_indirect_dma source(%arg11 : memref<128xf32, #tpu.memory_space<vmem>>) target(%dma_start3A_192 : memref<17825808xf32, #tpu.memory_space<hbm>>) offsets(%dma_start3A_190 : memref<128xi32, #tpu.memory_space<vmem>>) semaphore(%arg12 : memref<!tpu.dma_semaphore, #tpu.memory_space<semaphore_mem>>)
    %dma_wait3A = arith.constant 0 : i32
    %dma_wait3A_193 = arith.constant 0 : i32
    %dma_wait3A_194 = tpu.memref_slice %arg10[%dma_wait3A, %dma_wait3A_193] : memref<25x128xi32, #tpu.memory_space<vmem>> -> memref<1x128xi32, #tpu.memory_space<vmem>>
    %dma_wait3A_195 = tpu.memref_squeeze %dma_wait3A_194 : memref<1x128xi32, #tpu.memory_space<vmem>> -> memref<128xi32, #tpu.memory_space<vmem>>
    %dma_wait3A_196 = arith.constant 0 : i32
    %dma_wait3A_197 = tpu.memref_slice %arg5[%dma_wait3A_196] : memref<17825808xf32, #tpu.memory_space<hbm>> -> memref<17825808xf32, #tpu.memory_space<hbm>>
    tpu.wait_indirect_dma semaphore(%arg12 : memref<!tpu.dma_semaphore, #tpu.memory_space<semaphore_mem>>) src(%arg11 : memref<128xf32, #tpu.memory_space<vmem>>) dst(%dma_wait3A_197 : memref<17825808xf32, #tpu.memory_space<hbm>>)
    %dma_wait3A_198 = arith.constant 1 : i32
    %dma_wait3A_199 = arith.constant 0 : i32
    %dma_wait3A_200 = tpu.memref_slice %arg10[%dma_wait3A_198, %dma_wait3A_199] : memref<25x128xi32, #tpu.memory_space<vmem>> -> memref<1x128xi32, #tpu.memory_space<vmem>>
    %dma_wait3A_201 = tpu.memref_squeeze %dma_wait3A_200 : memref<1x128xi32, #tpu.memory_space<vmem>> -> memref<128xi32, #tpu.memory_space<vmem>>
    %dma_wait3A_202 = arith.constant 0 : i32
    %dma_wait3A_203 = tpu.memref_slice %arg5[%dma_wait3A_202] : memref<17825808xf32, #tpu.memory_space<hbm>> -> memref<17825808xf32, #tpu.memory_space<hbm>>
    tpu.wait_indirect_dma semaphore(%arg13 : memref<!tpu.dma_semaphore, #tpu.memory_space<semaphore_mem>>) src(%arg11 : memref<128xf32, #tpu.memory_space<vmem>>) dst(%dma_wait3A_203 : memref<17825808xf32, #tpu.memory_space<hbm>>)
    %dma_wait3A_204 = arith.constant 2 : i32
    %dma_wait3A_205 = arith.constant 0 : i32
    %dma_wait3A_206 = tpu.memref_slice %arg10[%dma_wait3A_204, %dma_wait3A_205] : memref<25x128xi32, #tpu.memory_space<vmem>> -> memref<1x128xi32, #tpu.memory_space<vmem>>
    %dma_wait3A_207 = tpu.memref_squeeze %dma_wait3A_206 : memref<1x128xi32, #tpu.memory_space<vmem>> -> memref<128xi32, #tpu.memory_space<vmem>>
    %dma_wait3A_208 = arith.constant 0 : i32
    %dma_wait3A_209 = tpu.memref_slice %arg5[%dma_wait3A_208] : memref<17825808xf32, #tpu.memory_space<hbm>> -> memref<17825808xf32, #tpu.memory_space<hbm>>
    tpu.wait_indirect_dma semaphore(%arg14 : memref<!tpu.dma_semaphore, #tpu.memory_space<semaphore_mem>>) src(%arg11 : memref<128xf32, #tpu.memory_space<vmem>>) dst(%dma_wait3A_209 : memref<17825808xf32, #tpu.memory_space<hbm>>)
    %dma_wait3A_210 = arith.constant 3 : i32
    %dma_wait3A_211 = arith.constant 0 : i32
    %dma_wait3A_212 = tpu.memref_slice %arg10[%dma_wait3A_210, %dma_wait3A_211] : memref<25x128xi32, #tpu.memory_space<vmem>> -> memref<1x128xi32, #tpu.memory_space<vmem>>
    %dma_wait3A_213 = tpu.memref_squeeze %dma_wait3A_212 : memref<1x128xi32, #tpu.memory_space<vmem>> -> memref<128xi32, #tpu.memory_space<vmem>>
    %dma_wait3A_214 = arith.constant 0 : i32
    %dma_wait3A_215 = tpu.memref_slice %arg5[%dma_wait3A_214] : memref<17825808xf32, #tpu.memory_space<hbm>> -> memref<17825808xf32, #tpu.memory_space<hbm>>
    tpu.wait_indirect_dma semaphore(%arg15 : memref<!tpu.dma_semaphore, #tpu.memory_space<semaphore_mem>>) src(%arg11 : memref<128xf32, #tpu.memory_space<vmem>>) dst(%dma_wait3A_215 : memref<17825808xf32, #tpu.memory_space<hbm>>)
    %dma_wait3A_216 = arith.constant 4 : i32
    %dma_wait3A_217 = arith.constant 0 : i32
    %dma_wait3A_218 = tpu.memref_slice %arg10[%dma_wait3A_216, %dma_wait3A_217] : memref<25x128xi32, #tpu.memory_space<vmem>> -> memref<1x128xi32, #tpu.memory_space<vmem>>
    %dma_wait3A_219 = tpu.memref_squeeze %dma_wait3A_218 : memref<1x128xi32, #tpu.memory_space<vmem>> -> memref<128xi32, #tpu.memory_space<vmem>>
    %dma_wait3A_220 = arith.constant 0 : i32
    %dma_wait3A_221 = tpu.memref_slice %arg5[%dma_wait3A_220] : memref<17825808xf32, #tpu.memory_space<hbm>> -> memref<17825808xf32, #tpu.memory_space<hbm>>
    tpu.wait_indirect_dma semaphore(%arg12 : memref<!tpu.dma_semaphore, #tpu.memory_space<semaphore_mem>>) src(%arg11 : memref<128xf32, #tpu.memory_space<vmem>>) dst(%dma_wait3A_221 : memref<17825808xf32, #tpu.memory_space<hbm>>)
    %dma_wait3A_222 = arith.constant 5 : i32
    %dma_wait3A_223 = arith.constant 0 : i32
    %dma_wait3A_224 = tpu.memref_slice %arg10[%dma_wait3A_222, %dma_wait3A_223] : memref<25x128xi32, #tpu.memory_space<vmem>> -> memref<1x128xi32, #tpu.memory_space<vmem>>
    %dma_wait3A_225 = tpu.memref_squeeze %dma_wait3A_224 : memref<1x128xi32, #tpu.memory_space<vmem>> -> memref<128xi32, #tpu.memory_space<vmem>>
    %dma_wait3A_226 = arith.constant 0 : i32
    %dma_wait3A_227 = tpu.memref_slice %arg5[%dma_wait3A_226] : memref<17825808xf32, #tpu.memory_space<hbm>> -> memref<17825808xf32, #tpu.memory_space<hbm>>
    tpu.wait_indirect_dma semaphore(%arg13 : memref<!tpu.dma_semaphore, #tpu.memory_space<semaphore_mem>>) src(%arg11 : memref<128xf32, #tpu.memory_space<vmem>>) dst(%dma_wait3A_227 : memref<17825808xf32, #tpu.memory_space<hbm>>)
    %dma_wait3A_228 = arith.constant 6 : i32
    %dma_wait3A_229 = arith.constant 0 : i32
    %dma_wait3A_230 = tpu.memref_slice %arg10[%dma_wait3A_228, %dma_wait3A_229] : memref<25x128xi32, #tpu.memory_space<vmem>> -> memref<1x128xi32, #tpu.memory_space<vmem>>
    %dma_wait3A_231 = tpu.memref_squeeze %dma_wait3A_230 : memref<1x128xi32, #tpu.memory_space<vmem>> -> memref<128xi32, #tpu.memory_space<vmem>>
    %dma_wait3A_232 = arith.constant 0 : i32
    %dma_wait3A_233 = tpu.memref_slice %arg5[%dma_wait3A_232] : memref<17825808xf32, #tpu.memory_space<hbm>> -> memref<17825808xf32, #tpu.memory_space<hbm>>
    tpu.wait_indirect_dma semaphore(%arg14 : memref<!tpu.dma_semaphore, #tpu.memory_space<semaphore_mem>>) src(%arg11 : memref<128xf32, #tpu.memory_space<vmem>>) dst(%dma_wait3A_233 : memref<17825808xf32, #tpu.memory_space<hbm>>)
    %dma_wait3A_234 = arith.constant 7 : i32
    %dma_wait3A_235 = arith.constant 0 : i32
    %dma_wait3A_236 = tpu.memref_slice %arg10[%dma_wait3A_234, %dma_wait3A_235] : memref<25x128xi32, #tpu.memory_space<vmem>> -> memref<1x128xi32, #tpu.memory_space<vmem>>
    %dma_wait3A_237 = tpu.memref_squeeze %dma_wait3A_236 : memref<1x128xi32, #tpu.memory_space<vmem>> -> memref<128xi32, #tpu.memory_space<vmem>>
    %dma_wait3A_238 = arith.constant 0 : i32
    %dma_wait3A_239 = tpu.memref_slice %arg5[%dma_wait3A_238] : memref<17825808xf32, #tpu.memory_space<hbm>> -> memref<17825808xf32, #tpu.memory_space<hbm>>
    tpu.wait_indirect_dma semaphore(%arg15 : memref<!tpu.dma_semaphore, #tpu.memory_space<semaphore_mem>>) src(%arg11 : memref<128xf32, #tpu.memory_space<vmem>>) dst(%dma_wait3A_239 : memref<17825808xf32, #tpu.memory_space<hbm>>)
    %dma_wait3A_240 = arith.constant 8 : i32
    %dma_wait3A_241 = arith.constant 0 : i32
    %dma_wait3A_242 = tpu.memref_slice %arg10[%dma_wait3A_240, %dma_wait3A_241] : memref<25x128xi32, #tpu.memory_space<vmem>> -> memref<1x128xi32, #tpu.memory_space<vmem>>
    %dma_wait3A_243 = tpu.memref_squeeze %dma_wait3A_242 : memref<1x128xi32, #tpu.memory_space<vmem>> -> memref<128xi32, #tpu.memory_space<vmem>>
    %dma_wait3A_244 = arith.constant 0 : i32
    %dma_wait3A_245 = tpu.memref_slice %arg5[%dma_wait3A_244] : memref<17825808xf32, #tpu.memory_space<hbm>> -> memref<17825808xf32, #tpu.memory_space<hbm>>
    tpu.wait_indirect_dma semaphore(%arg12 : memref<!tpu.dma_semaphore, #tpu.memory_space<semaphore_mem>>) src(%arg11 : memref<128xf32, #tpu.memory_space<vmem>>) dst(%dma_wait3A_245 : memref<17825808xf32, #tpu.memory_space<hbm>>)
    %dma_wait3A_246 = arith.constant 9 : i32
    %dma_wait3A_247 = arith.constant 0 : i32
    %dma_wait3A_248 = tpu.memref_slice %arg10[%dma_wait3A_246, %dma_wait3A_247] : memref<25x128xi32, #tpu.memory_space<vmem>> -> memref<1x128xi32, #tpu.memory_space<vmem>>
    %dma_wait3A_249 = tpu.memref_squeeze %dma_wait3A_248 : memref<1x128xi32, #tpu.memory_space<vmem>> -> memref<128xi32, #tpu.memory_space<vmem>>
    %dma_wait3A_250 = arith.constant 0 : i32
    %dma_wait3A_251 = tpu.memref_slice %arg5[%dma_wait3A_250] : memref<17825808xf32, #tpu.memory_space<hbm>> -> memref<17825808xf32, #tpu.memory_space<hbm>>
    tpu.wait_indirect_dma semaphore(%arg13 : memref<!tpu.dma_semaphore, #tpu.memory_space<semaphore_mem>>) src(%arg11 : memref<128xf32, #tpu.memory_space<vmem>>) dst(%dma_wait3A_251 : memref<17825808xf32, #tpu.memory_space<hbm>>)
    %dma_wait3A_252 = arith.constant 10 : i32
    %dma_wait3A_253 = arith.constant 0 : i32
    %dma_wait3A_254 = tpu.memref_slice %arg10[%dma_wait3A_252, %dma_wait3A_253] : memref<25x128xi32, #tpu.memory_space<vmem>> -> memref<1x128xi32, #tpu.memory_space<vmem>>
    %dma_wait3A_255 = tpu.memref_squeeze %dma_wait3A_254 : memref<1x128xi32, #tpu.memory_space<vmem>> -> memref<128xi32, #tpu.memory_space<vmem>>
    %dma_wait3A_256 = arith.constant 0 : i32
    %dma_wait3A_257 = tpu.memref_slice %arg5[%dma_wait3A_256] : memref<17825808xf32, #tpu.memory_space<hbm>> -> memref<17825808xf32, #tpu.memory_space<hbm>>
    tpu.wait_indirect_dma semaphore(%arg14 : memref<!tpu.dma_semaphore, #tpu.memory_space<semaphore_mem>>) src(%arg11 : memref<128xf32, #tpu.memory_space<vmem>>) dst(%dma_wait3A_257 : memref<17825808xf32, #tpu.memory_space<hbm>>)
    %dma_wait3A_258 = arith.constant 11 : i32
    %dma_wait3A_259 = arith.constant 0 : i32
    %dma_wait3A_260 = tpu.memref_slice %arg10[%dma_wait3A_258, %dma_wait3A_259] : memref<25x128xi32, #tpu.memory_space<vmem>> -> memref<1x128xi32, #tpu.memory_space<vmem>>
    %dma_wait3A_261 = tpu.memref_squeeze %dma_wait3A_260 : memref<1x128xi32, #tpu.memory_space<vmem>> -> memref<128xi32, #tpu.memory_space<vmem>>
    %dma_wait3A_262 = arith.constant 0 : i32
    %dma_wait3A_263 = tpu.memref_slice %arg5[%dma_wait3A_262] : memref<17825808xf32, #tpu.memory_space<hbm>> -> memref<17825808xf32, #tpu.memory_space<hbm>>
    tpu.wait_indirect_dma semaphore(%arg15 : memref<!tpu.dma_semaphore, #tpu.memory_space<semaphore_mem>>) src(%arg11 : memref<128xf32, #tpu.memory_space<vmem>>) dst(%dma_wait3A_263 : memref<17825808xf32, #tpu.memory_space<hbm>>)
    %dma_wait3A_264 = arith.constant 12 : i32
    %dma_wait3A_265 = arith.constant 0 : i32
    %dma_wait3A_266 = tpu.memref_slice %arg10[%dma_wait3A_264, %dma_wait3A_265] : memref<25x128xi32, #tpu.memory_space<vmem>> -> memref<1x128xi32, #tpu.memory_space<vmem>>
    %dma_wait3A_267 = tpu.memref_squeeze %dma_wait3A_266 : memref<1x128xi32, #tpu.memory_space<vmem>> -> memref<128xi32, #tpu.memory_space<vmem>>
    %dma_wait3A_268 = arith.constant 0 : i32
    %dma_wait3A_269 = tpu.memref_slice %arg5[%dma_wait3A_268] : memref<17825808xf32, #tpu.memory_space<hbm>> -> memref<17825808xf32, #tpu.memory_space<hbm>>
    tpu.wait_indirect_dma semaphore(%arg12 : memref<!tpu.dma_semaphore, #tpu.memory_space<semaphore_mem>>) src(%arg11 : memref<128xf32, #tpu.memory_space<vmem>>) dst(%dma_wait3A_269 : memref<17825808xf32, #tpu.memory_space<hbm>>)
    %dma_wait3A_270 = arith.constant 13 : i32
    %dma_wait3A_271 = arith.constant 0 : i32
    %dma_wait3A_272 = tpu.memref_slice %arg10[%dma_wait3A_270, %dma_wait3A_271] : memref<25x128xi32, #tpu.memory_space<vmem>> -> memref<1x128xi32, #tpu.memory_space<vmem>>
    %dma_wait3A_273 = tpu.memref_squeeze %dma_wait3A_272 : memref<1x128xi32, #tpu.memory_space<vmem>> -> memref<128xi32, #tpu.memory_space<vmem>>
    %dma_wait3A_274 = arith.constant 0 : i32
    %dma_wait3A_275 = tpu.memref_slice %arg5[%dma_wait3A_274] : memref<17825808xf32, #tpu.memory_space<hbm>> -> memref<17825808xf32, #tpu.memory_space<hbm>>
    tpu.wait_indirect_dma semaphore(%arg13 : memref<!tpu.dma_semaphore, #tpu.memory_space<semaphore_mem>>) src(%arg11 : memref<128xf32, #tpu.memory_space<vmem>>) dst(%dma_wait3A_275 : memref<17825808xf32, #tpu.memory_space<hbm>>)
    %dma_wait3A_276 = arith.constant 14 : i32
    %dma_wait3A_277 = arith.constant 0 : i32
    %dma_wait3A_278 = tpu.memref_slice %arg10[%dma_wait3A_276, %dma_wait3A_277] : memref<25x128xi32, #tpu.memory_space<vmem>> -> memref<1x128xi32, #tpu.memory_space<vmem>>
    %dma_wait3A_279 = tpu.memref_squeeze %dma_wait3A_278 : memref<1x128xi32, #tpu.memory_space<vmem>> -> memref<128xi32, #tpu.memory_space<vmem>>
    %dma_wait3A_280 = arith.constant 0 : i32
    %dma_wait3A_281 = tpu.memref_slice %arg5[%dma_wait3A_280] : memref<17825808xf32, #tpu.memory_space<hbm>> -> memref<17825808xf32, #tpu.memory_space<hbm>>
    tpu.wait_indirect_dma semaphore(%arg14 : memref<!tpu.dma_semaphore, #tpu.memory_space<semaphore_mem>>) src(%arg11 : memref<128xf32, #tpu.memory_space<vmem>>) dst(%dma_wait3A_281 : memref<17825808xf32, #tpu.memory_space<hbm>>)
    %dma_wait3A_282 = arith.constant 15 : i32
    %dma_wait3A_283 = arith.constant 0 : i32
    %dma_wait3A_284 = tpu.memref_slice %arg10[%dma_wait3A_282, %dma_wait3A_283] : memref<25x128xi32, #tpu.memory_space<vmem>> -> memref<1x128xi32, #tpu.memory_space<vmem>>
    %dma_wait3A_285 = tpu.memref_squeeze %dma_wait3A_284 : memref<1x128xi32, #tpu.memory_space<vmem>> -> memref<128xi32, #tpu.memory_space<vmem>>
    %dma_wait3A_286 = arith.constant 0 : i32
    %dma_wait3A_287 = tpu.memref_slice %arg5[%dma_wait3A_286] : memref<17825808xf32, #tpu.memory_space<hbm>> -> memref<17825808xf32, #tpu.memory_space<hbm>>
    tpu.wait_indirect_dma semaphore(%arg15 : memref<!tpu.dma_semaphore, #tpu.memory_space<semaphore_mem>>) src(%arg11 : memref<128xf32, #tpu.memory_space<vmem>>) dst(%dma_wait3A_287 : memref<17825808xf32, #tpu.memory_space<hbm>>)
    %dma_wait3A_288 = arith.constant 16 : i32
    %dma_wait3A_289 = arith.constant 0 : i32
    %dma_wait3A_290 = tpu.memref_slice %arg10[%dma_wait3A_288, %dma_wait3A_289] : memref<25x128xi32, #tpu.memory_space<vmem>> -> memref<1x128xi32, #tpu.memory_space<vmem>>
    %dma_wait3A_291 = tpu.memref_squeeze %dma_wait3A_290 : memref<1x128xi32, #tpu.memory_space<vmem>> -> memref<128xi32, #tpu.memory_space<vmem>>
    %dma_wait3A_292 = arith.constant 0 : i32
    %dma_wait3A_293 = tpu.memref_slice %arg5[%dma_wait3A_292] : memref<17825808xf32, #tpu.memory_space<hbm>> -> memref<17825808xf32, #tpu.memory_space<hbm>>
    tpu.wait_indirect_dma semaphore(%arg12 : memref<!tpu.dma_semaphore, #tpu.memory_space<semaphore_mem>>) src(%arg11 : memref<128xf32, #tpu.memory_space<vmem>>) dst(%dma_wait3A_293 : memref<17825808xf32, #tpu.memory_space<hbm>>)
    %dma_wait3A_294 = arith.constant 17 : i32
    %dma_wait3A_295 = arith.constant 0 : i32
    %dma_wait3A_296 = tpu.memref_slice %arg10[%dma_wait3A_294, %dma_wait3A_295] : memref<25x128xi32, #tpu.memory_space<vmem>> -> memref<1x128xi32, #tpu.memory_space<vmem>>
    %dma_wait3A_297 = tpu.memref_squeeze %dma_wait3A_296 : memref<1x128xi32, #tpu.memory_space<vmem>> -> memref<128xi32, #tpu.memory_space<vmem>>
    %dma_wait3A_298 = arith.constant 0 : i32
    %dma_wait3A_299 = tpu.memref_slice %arg5[%dma_wait3A_298] : memref<17825808xf32, #tpu.memory_space<hbm>> -> memref<17825808xf32, #tpu.memory_space<hbm>>
    tpu.wait_indirect_dma semaphore(%arg13 : memref<!tpu.dma_semaphore, #tpu.memory_space<semaphore_mem>>) src(%arg11 : memref<128xf32, #tpu.memory_space<vmem>>) dst(%dma_wait3A_299 : memref<17825808xf32, #tpu.memory_space<hbm>>)
    %dma_wait3A_300 = arith.constant 18 : i32
    %dma_wait3A_301 = arith.constant 0 : i32
    %dma_wait3A_302 = tpu.memref_slice %arg10[%dma_wait3A_300, %dma_wait3A_301] : memref<25x128xi32, #tpu.memory_space<vmem>> -> memref<1x128xi32, #tpu.memory_space<vmem>>
    %dma_wait3A_303 = tpu.memref_squeeze %dma_wait3A_302 : memref<1x128xi32, #tpu.memory_space<vmem>> -> memref<128xi32, #tpu.memory_space<vmem>>
    %dma_wait3A_304 = arith.constant 0 : i32
    %dma_wait3A_305 = tpu.memref_slice %arg5[%dma_wait3A_304] : memref<17825808xf32, #tpu.memory_space<hbm>> -> memref<17825808xf32, #tpu.memory_space<hbm>>
    tpu.wait_indirect_dma semaphore(%arg14 : memref<!tpu.dma_semaphore, #tpu.memory_space<semaphore_mem>>) src(%arg11 : memref<128xf32, #tpu.memory_space<vmem>>) dst(%dma_wait3A_305 : memref<17825808xf32, #tpu.memory_space<hbm>>)
    %dma_wait3A_306 = arith.constant 19 : i32
    %dma_wait3A_307 = arith.constant 0 : i32
    %dma_wait3A_308 = tpu.memref_slice %arg10[%dma_wait3A_306, %dma_wait3A_307] : memref<25x128xi32, #tpu.memory_space<vmem>> -> memref<1x128xi32, #tpu.memory_space<vmem>>
    %dma_wait3A_309 = tpu.memref_squeeze %dma_wait3A_308 : memref<1x128xi32, #tpu.memory_space<vmem>> -> memref<128xi32, #tpu.memory_space<vmem>>
    %dma_wait3A_310 = arith.constant 0 : i32
    %dma_wait3A_311 = tpu.memref_slice %arg5[%dma_wait3A_310] : memref<17825808xf32, #tpu.memory_space<hbm>> -> memref<17825808xf32, #tpu.memory_space<hbm>>
    tpu.wait_indirect_dma semaphore(%arg15 : memref<!tpu.dma_semaphore, #tpu.memory_space<semaphore_mem>>) src(%arg11 : memref<128xf32, #tpu.memory_space<vmem>>) dst(%dma_wait3A_311 : memref<17825808xf32, #tpu.memory_space<hbm>>)
    %dma_wait3A_312 = arith.constant 20 : i32
    %dma_wait3A_313 = arith.constant 0 : i32
    %dma_wait3A_314 = tpu.memref_slice %arg10[%dma_wait3A_312, %dma_wait3A_313] : memref<25x128xi32, #tpu.memory_space<vmem>> -> memref<1x128xi32, #tpu.memory_space<vmem>>
    %dma_wait3A_315 = tpu.memref_squeeze %dma_wait3A_314 : memref<1x128xi32, #tpu.memory_space<vmem>> -> memref<128xi32, #tpu.memory_space<vmem>>
    %dma_wait3A_316 = arith.constant 0 : i32
    %dma_wait3A_317 = tpu.memref_slice %arg5[%dma_wait3A_316] : memref<17825808xf32, #tpu.memory_space<hbm>> -> memref<17825808xf32, #tpu.memory_space<hbm>>
    tpu.wait_indirect_dma semaphore(%arg12 : memref<!tpu.dma_semaphore, #tpu.memory_space<semaphore_mem>>) src(%arg11 : memref<128xf32, #tpu.memory_space<vmem>>) dst(%dma_wait3A_317 : memref<17825808xf32, #tpu.memory_space<hbm>>)
    %dma_wait3A_318 = arith.constant 21 : i32
    %dma_wait3A_319 = arith.constant 0 : i32
    %dma_wait3A_320 = tpu.memref_slice %arg10[%dma_wait3A_318, %dma_wait3A_319] : memref<25x128xi32, #tpu.memory_space<vmem>> -> memref<1x128xi32, #tpu.memory_space<vmem>>
    %dma_wait3A_321 = tpu.memref_squeeze %dma_wait3A_320 : memref<1x128xi32, #tpu.memory_space<vmem>> -> memref<128xi32, #tpu.memory_space<vmem>>
    %dma_wait3A_322 = arith.constant 0 : i32
    %dma_wait3A_323 = tpu.memref_slice %arg5[%dma_wait3A_322] : memref<17825808xf32, #tpu.memory_space<hbm>> -> memref<17825808xf32, #tpu.memory_space<hbm>>
    tpu.wait_indirect_dma semaphore(%arg13 : memref<!tpu.dma_semaphore, #tpu.memory_space<semaphore_mem>>) src(%arg11 : memref<128xf32, #tpu.memory_space<vmem>>) dst(%dma_wait3A_323 : memref<17825808xf32, #tpu.memory_space<hbm>>)
    %dma_wait3A_324 = arith.constant 22 : i32
    %dma_wait3A_325 = arith.constant 0 : i32
    %dma_wait3A_326 = tpu.memref_slice %arg10[%dma_wait3A_324, %dma_wait3A_325] : memref<25x128xi32, #tpu.memory_space<vmem>> -> memref<1x128xi32, #tpu.memory_space<vmem>>
    %dma_wait3A_327 = tpu.memref_squeeze %dma_wait3A_326 : memref<1x128xi32, #tpu.memory_space<vmem>> -> memref<128xi32, #tpu.memory_space<vmem>>
    %dma_wait3A_328 = arith.constant 0 : i32
    %dma_wait3A_329 = tpu.memref_slice %arg5[%dma_wait3A_328] : memref<17825808xf32, #tpu.memory_space<hbm>> -> memref<17825808xf32, #tpu.memory_space<hbm>>
    tpu.wait_indirect_dma semaphore(%arg14 : memref<!tpu.dma_semaphore, #tpu.memory_space<semaphore_mem>>) src(%arg11 : memref<128xf32, #tpu.memory_space<vmem>>) dst(%dma_wait3A_329 : memref<17825808xf32, #tpu.memory_space<hbm>>)
    %dma_wait3A_330 = arith.constant 23 : i32
    %dma_wait3A_331 = arith.constant 0 : i32
    %dma_wait3A_332 = tpu.memref_slice %arg10[%dma_wait3A_330, %dma_wait3A_331] : memref<25x128xi32, #tpu.memory_space<vmem>> -> memref<1x128xi32, #tpu.memory_space<vmem>>
    %dma_wait3A_333 = tpu.memref_squeeze %dma_wait3A_332 : memref<1x128xi32, #tpu.memory_space<vmem>> -> memref<128xi32, #tpu.memory_space<vmem>>
    %dma_wait3A_334 = arith.constant 0 : i32
    %dma_wait3A_335 = tpu.memref_slice %arg5[%dma_wait3A_334] : memref<17825808xf32, #tpu.memory_space<hbm>> -> memref<17825808xf32, #tpu.memory_space<hbm>>
    tpu.wait_indirect_dma semaphore(%arg15 : memref<!tpu.dma_semaphore, #tpu.memory_space<semaphore_mem>>) src(%arg11 : memref<128xf32, #tpu.memory_space<vmem>>) dst(%dma_wait3A_335 : memref<17825808xf32, #tpu.memory_space<hbm>>)
    %dma_wait3A_336 = arith.constant 24 : i32
    %dma_wait3A_337 = arith.constant 0 : i32
    %dma_wait3A_338 = tpu.memref_slice %arg10[%dma_wait3A_336, %dma_wait3A_337] : memref<25x128xi32, #tpu.memory_space<vmem>> -> memref<1x128xi32, #tpu.memory_space<vmem>>
    %dma_wait3A_339 = tpu.memref_squeeze %dma_wait3A_338 : memref<1x128xi32, #tpu.memory_space<vmem>> -> memref<128xi32, #tpu.memory_space<vmem>>
    %dma_wait3A_340 = arith.constant 0 : i32
    %dma_wait3A_341 = tpu.memref_slice %arg5[%dma_wait3A_340] : memref<17825808xf32, #tpu.memory_space<hbm>> -> memref<17825808xf32, #tpu.memory_space<hbm>>
    tpu.wait_indirect_dma semaphore(%arg12 : memref<!tpu.dma_semaphore, #tpu.memory_space<semaphore_mem>>) src(%arg11 : memref<128xf32, #tpu.memory_space<vmem>>) dst(%dma_wait3A_341 : memref<17825808xf32, #tpu.memory_space<hbm>>)
    return
  }
}

#map = affine_map<(d0, d1) -> (0)>
#map1 = affine_map<(d0, d1) -> (0, 0)>
module attributes {stable_mosaic.version = 14 : i64} {
  func.func @new_body(%arg0: i32, %arg1: i32, %arg2: memref<53248xi32, #tpu.memory_space<hbm>>, %arg3: memref<53248xi32, #tpu.memory_space<hbm>>, %arg4: memref<17825808xf32, #tpu.memory_space<hbm>>, %arg5: memref<32x16xf32, #tpu.memory_space<hbm>>, %arg6: memref<17825808xf32, #tpu.memory_space<hbm>>, %arg7: memref<1664xi32, #tpu.memory_space<vmem>>, %arg8: memref<1664xi32, #tpu.memory_space<vmem>>, %arg9: memref<13x128xi32, #tpu.memory_space<vmem>>, %arg10: memref<13x128xf32, #tpu.memory_space<vmem>>, %arg11: memref<16xf32, #tpu.memory_space<vmem>>, %arg12: memref<!tpu.dma_semaphore, #tpu.memory_space<semaphore_mem>>, %arg13: memref<!tpu.dma_semaphore, #tpu.memory_space<semaphore_mem>>) attributes {dimension_semantics = [#tpu.dimension_semantics<core_parallel>, #tpu.dimension_semantics<subcore_parallel>], iteration_bounds = array<i64: 2, 16>, scalar_prefetch = 0 : i64, scratch_operands = 7 : i64, tpu.core_type = #tpu.core_type<sc_vector_subcore>, window_params = [{transform_indices = #map}, {transform_indices = #map}, {transform_indices = #map}, {transform_indices = #map1}, {transform_indices = #map}]} {
    %mul3A = arith.constant 16 : i32
    %mul3A_0 = arith.muli %arg0, %mul3A : i32
    %add3A = arith.addi %mul3A_0, %arg1 : i32
    %mul3A_1 = arith.constant 1664 : i32
    %mul3A_2 = arith.muli %add3A, %mul3A_1 : i32
    "tpu.region"() ({
      %run_scoped3A = tpu.sem_alloc : memref<!tpu.dma_semaphore, #tpu.memory_space<semaphore_mem>>
      %dma_start3A_278 = tpu.memref_slice %arg2[%mul3A_2] : memref<53248xi32, #tpu.memory_space<hbm>> -> memref<1664xi32, #tpu.memory_space<hbm>>
      %dma_start3A_279 = tpu.memref_slice %arg2[%mul3A_2] : memref<53248xi32, #tpu.memory_space<hbm>> -> memref<1664xi32, #tpu.memory_space<hbm>>
      tpu.enqueue_dma source(%dma_start3A_279 : memref<1664xi32, #tpu.memory_space<hbm>>) target(%arg7 : memref<1664xi32, #tpu.memory_space<vmem>>) target_semaphore(%run_scoped3A : memref<!tpu.dma_semaphore, #tpu.memory_space<semaphore_mem>>)
      %dma_wait3A_280 = tpu.memref_slice %arg2[%mul3A_2] : memref<53248xi32, #tpu.memory_space<hbm>> -> memref<1664xi32, #tpu.memory_space<hbm>>
      %dma_wait3A_281 = tpu.memref_slice %arg2[%mul3A_2] : memref<53248xi32, #tpu.memory_space<hbm>> -> memref<1664xi32, #tpu.memory_space<hbm>>
      tpu.wait_dma2 semaphore(%run_scoped3A : memref<!tpu.dma_semaphore, #tpu.memory_space<semaphore_mem>>) src(%dma_wait3A_281 : memref<1664xi32, #tpu.memory_space<hbm>>) dst(%arg7 : memref<1664xi32, #tpu.memory_space<vmem>>)
      tpu.yield
    }) : () -> ()
    %mul3A_3 = arith.constant 1664 : i32
    %mul3A_4 = arith.muli %add3A, %mul3A_3 : i32
    "tpu.region"() ({
      %run_scoped3A = tpu.sem_alloc : memref<!tpu.dma_semaphore, #tpu.memory_space<semaphore_mem>>
      %dma_start3A_278 = tpu.memref_slice %arg3[%mul3A_4] : memref<53248xi32, #tpu.memory_space<hbm>> -> memref<1664xi32, #tpu.memory_space<hbm>>
      %dma_start3A_279 = tpu.memref_slice %arg3[%mul3A_4] : memref<53248xi32, #tpu.memory_space<hbm>> -> memref<1664xi32, #tpu.memory_space<hbm>>
      tpu.enqueue_dma source(%dma_start3A_279 : memref<1664xi32, #tpu.memory_space<hbm>>) target(%arg8 : memref<1664xi32, #tpu.memory_space<vmem>>) target_semaphore(%run_scoped3A : memref<!tpu.dma_semaphore, #tpu.memory_space<semaphore_mem>>)
      %dma_wait3A_280 = tpu.memref_slice %arg3[%mul3A_4] : memref<53248xi32, #tpu.memory_space<hbm>> -> memref<1664xi32, #tpu.memory_space<hbm>>
      %dma_wait3A_281 = tpu.memref_slice %arg3[%mul3A_4] : memref<53248xi32, #tpu.memory_space<hbm>> -> memref<1664xi32, #tpu.memory_space<hbm>>
      tpu.wait_dma2 semaphore(%run_scoped3A : memref<!tpu.dma_semaphore, #tpu.memory_space<semaphore_mem>>) src(%dma_wait3A_281 : memref<1664xi32, #tpu.memory_space<hbm>>) dst(%arg8 : memref<1664xi32, #tpu.memory_space<vmem>>)
      tpu.yield
    }) : () -> ()
    %scan3A = arith.constant 0 : i32
    %scan3A_5 = arith.constant 0 : i32
    %scan3A_6 = arith.constant 13 : i32
    %scan3A_7 = arith.addi %scan3A_5, %scan3A_6 : i32
    %scan3A_8 = arith.constant 1 : i32
    scf.for %scan3A_278 = %scan3A_5 to %scan3A_7 step %scan3A_8  : i32 {
      %mul3A_279 = arith.constant 128 : i32
      %mul3A_280 = arith.muli %scan3A_278, %mul3A_279 : i32
      %add3A_281 = arith.constant 0 : i32
      %add3A_282 = arith.addi %mul3A_280, %add3A_281 : i32
      %get3A = arith.index_cast %add3A_282 : i32 to index
      %get3A_283 = tpu.vector_load %arg7[%get3A] {strides = array<i32>} : memref<1664xi32, #tpu.memory_space<vmem>>, vector<16xi32>,
      %get3A_284 = vector.shape_cast %get3A_283 : vector<16xi32> to vector<16xi32>
      %mul3A_285 = arith.constant 4096 : i32
      %mul3A_286 = vector.broadcast %mul3A_285 : i32 to vector<16xi32>
      %mul3A_287 = arith.muli %get3A_284, %mul3A_286 : vector<16xi32>
      %get3A_288 = arith.index_cast %add3A_282 : i32 to index
      %get3A_289 = tpu.vector_load %arg8[%get3A_288] {strides = array<i32>} : memref<1664xi32, #tpu.memory_space<vmem>>, vector<16xi32>,
      %get3A_290 = vector.shape_cast %get3A_289 : vector<16xi32> to vector<16xi32>
      %add3A_291 = arith.addi %mul3A_287, %get3A_290 : vector<16xi32>
      %swap3A_292 = arith.index_cast %scan3A_278 : i32 to index
      %swap3A_293 = arith.constant 0 : index
      %swap3A_294 = tpu.vector_load %arg9[%swap3A_292, %swap3A_293] {strides = array<i32>} : memref<13x128xi32, #tpu.memory_space<vmem>>, vector<1x16xi32>,
      %swap3A_295 = vector.shape_cast %swap3A_294 : vector<1x16xi32> to vector<16xi32>
      %swap3A_296 = vector.shape_cast %add3A_291 : vector<16xi32> to vector<1x16xi32>
      tpu.vector_store %arg9[%swap3A_292, %swap3A_293], %swap3A_296 {strides = array<i32>} : memref<13x128xi32, #tpu.memory_space<vmem>>, vector<1x16xi32>,
      %mul3A_297 = arith.constant 128 : i32
      %mul3A_298 = arith.muli %scan3A_278, %mul3A_297 : i32
      %add3A_299 = arith.constant 16 : i32
      %add3A_300 = arith.addi %mul3A_298, %add3A_299 : i32
      %get3A_301 = arith.index_cast %add3A_300 : i32 to index
      %get3A_302 = tpu.vector_load %arg7[%get3A_301] {strides = array<i32>} : memref<1664xi32, #tpu.memory_space<vmem>>, vector<16xi32>,
      %get3A_303 = vector.shape_cast %get3A_302 : vector<16xi32> to vector<16xi32>
      %mul3A_304 = arith.constant 4096 : i32
      %mul3A_305 = vector.broadcast %mul3A_304 : i32 to vector<16xi32>
      %mul3A_306 = arith.muli %get3A_303, %mul3A_305 : vector<16xi32>
      %get3A_307 = arith.index_cast %add3A_300 : i32 to index
      %get3A_308 = tpu.vector_load %arg8[%get3A_307] {strides = array<i32>} : memref<1664xi32, #tpu.memory_space<vmem>>, vector<16xi32>,
      %get3A_309 = vector.shape_cast %get3A_308 : vector<16xi32> to vector<16xi32>
      %add3A_310 = arith.addi %mul3A_306, %get3A_309 : vector<16xi32>
      %swap3A_311 = arith.index_cast %scan3A_278 : i32 to index
      %swap3A_312 = arith.constant 16 : index
      %swap3A_313 = tpu.vector_load %arg9[%swap3A_311, %swap3A_312] {strides = array<i32>} : memref<13x128xi32, #tpu.memory_space<vmem>>, vector<1x16xi32>,
      %swap3A_314 = vector.shape_cast %swap3A_313 : vector<1x16xi32> to vector<16xi32>
      %swap3A_315 = vector.shape_cast %add3A_310 : vector<16xi32> to vector<1x16xi32>
      tpu.vector_store %arg9[%swap3A_311, %swap3A_312], %swap3A_315 {strides = array<i32>} : memref<13x128xi32, #tpu.memory_space<vmem>>, vector<1x16xi32>,
      %mul3A_316 = arith.constant 128 : i32
      %mul3A_317 = arith.muli %scan3A_278, %mul3A_316 : i32
      %add3A_318 = arith.constant 32 : i32
      %add3A_319 = arith.addi %mul3A_317, %add3A_318 : i32
      %get3A_320 = arith.index_cast %add3A_319 : i32 to index
      %get3A_321 = tpu.vector_load %arg7[%get3A_320] {strides = array<i32>} : memref<1664xi32, #tpu.memory_space<vmem>>, vector<16xi32>,
      %get3A_322 = vector.shape_cast %get3A_321 : vector<16xi32> to vector<16xi32>
      %mul3A_323 = arith.constant 4096 : i32
      %mul3A_324 = vector.broadcast %mul3A_323 : i32 to vector<16xi32>
      %mul3A_325 = arith.muli %get3A_322, %mul3A_324 : vector<16xi32>
      %get3A_326 = arith.index_cast %add3A_319 : i32 to index
      %get3A_327 = tpu.vector_load %arg8[%get3A_326] {strides = array<i32>} : memref<1664xi32, #tpu.memory_space<vmem>>, vector<16xi32>,
      %get3A_328 = vector.shape_cast %get3A_327 : vector<16xi32> to vector<16xi32>
      %add3A_329 = arith.addi %mul3A_325, %get3A_328 : vector<16xi32>
      %swap3A_330 = arith.index_cast %scan3A_278 : i32 to index
      %swap3A_331 = arith.constant 32 : index
      %swap3A_332 = tpu.vector_load %arg9[%swap3A_330, %swap3A_331] {strides = array<i32>} : memref<13x128xi32, #tpu.memory_space<vmem>>, vector<1x16xi32>,
      %swap3A_333 = vector.shape_cast %swap3A_332 : vector<1x16xi32> to vector<16xi32>
      %swap3A_334 = vector.shape_cast %add3A_329 : vector<16xi32> to vector<1x16xi32>
      tpu.vector_store %arg9[%swap3A_330, %swap3A_331], %swap3A_334 {strides = array<i32>} : memref<13x128xi32, #tpu.memory_space<vmem>>, vector<1x16xi32>,
      %mul3A_335 = arith.constant 128 : i32
      %mul3A_336 = arith.muli %scan3A_278, %mul3A_335 : i32
      %add3A_337 = arith.constant 48 : i32
      %add3A_338 = arith.addi %mul3A_336, %add3A_337 : i32
      %get3A_339 = arith.index_cast %add3A_338 : i32 to index
      %get3A_340 = tpu.vector_load %arg7[%get3A_339] {strides = array<i32>} : memref<1664xi32, #tpu.memory_space<vmem>>, vector<16xi32>,
      %get3A_341 = vector.shape_cast %get3A_340 : vector<16xi32> to vector<16xi32>
      %mul3A_342 = arith.constant 4096 : i32
      %mul3A_343 = vector.broadcast %mul3A_342 : i32 to vector<16xi32>
      %mul3A_344 = arith.muli %get3A_341, %mul3A_343 : vector<16xi32>
      %get3A_345 = arith.index_cast %add3A_338 : i32 to index
      %get3A_346 = tpu.vector_load %arg8[%get3A_345] {strides = array<i32>} : memref<1664xi32, #tpu.memory_space<vmem>>, vector<16xi32>,
      %get3A_347 = vector.shape_cast %get3A_346 : vector<16xi32> to vector<16xi32>
      %add3A_348 = arith.addi %mul3A_344, %get3A_347 : vector<16xi32>
      %swap3A_349 = arith.index_cast %scan3A_278 : i32 to index
      %swap3A_350 = arith.constant 48 : index
      %swap3A_351 = tpu.vector_load %arg9[%swap3A_349, %swap3A_350] {strides = array<i32>} : memref<13x128xi32, #tpu.memory_space<vmem>>, vector<1x16xi32>,
      %swap3A_352 = vector.shape_cast %swap3A_351 : vector<1x16xi32> to vector<16xi32>
      %swap3A_353 = vector.shape_cast %add3A_348 : vector<16xi32> to vector<1x16xi32>
      tpu.vector_store %arg9[%swap3A_349, %swap3A_350], %swap3A_353 {strides = array<i32>} : memref<13x128xi32, #tpu.memory_space<vmem>>, vector<1x16xi32>,
      %mul3A_354 = arith.constant 128 : i32
      %mul3A_355 = arith.muli %scan3A_278, %mul3A_354 : i32
      %add3A_356 = arith.constant 64 : i32
      %add3A_357 = arith.addi %mul3A_355, %add3A_356 : i32
      %get3A_358 = arith.index_cast %add3A_357 : i32 to index
      %get3A_359 = tpu.vector_load %arg7[%get3A_358] {strides = array<i32>} : memref<1664xi32, #tpu.memory_space<vmem>>, vector<16xi32>,
      %get3A_360 = vector.shape_cast %get3A_359 : vector<16xi32> to vector<16xi32>
      %mul3A_361 = arith.constant 4096 : i32
      %mul3A_362 = vector.broadcast %mul3A_361 : i32 to vector<16xi32>
      %mul3A_363 = arith.muli %get3A_360, %mul3A_362 : vector<16xi32>
      %get3A_364 = arith.index_cast %add3A_357 : i32 to index
      %get3A_365 = tpu.vector_load %arg8[%get3A_364] {strides = array<i32>} : memref<1664xi32, #tpu.memory_space<vmem>>, vector<16xi32>,
      %get3A_366 = vector.shape_cast %get3A_365 : vector<16xi32> to vector<16xi32>
      %add3A_367 = arith.addi %mul3A_363, %get3A_366 : vector<16xi32>
      %swap3A_368 = arith.index_cast %scan3A_278 : i32 to index
      %swap3A_369 = arith.constant 64 : index
      %swap3A_370 = tpu.vector_load %arg9[%swap3A_368, %swap3A_369] {strides = array<i32>} : memref<13x128xi32, #tpu.memory_space<vmem>>, vector<1x16xi32>,
      %swap3A_371 = vector.shape_cast %swap3A_370 : vector<1x16xi32> to vector<16xi32>
      %swap3A_372 = vector.shape_cast %add3A_367 : vector<16xi32> to vector<1x16xi32>
      tpu.vector_store %arg9[%swap3A_368, %swap3A_369], %swap3A_372 {strides = array<i32>} : memref<13x128xi32, #tpu.memory_space<vmem>>, vector<1x16xi32>,
      %mul3A_373 = arith.constant 128 : i32
      %mul3A_374 = arith.muli %scan3A_278, %mul3A_373 : i32
      %add3A_375 = arith.constant 80 : i32
      %add3A_376 = arith.addi %mul3A_374, %add3A_375 : i32
      %get3A_377 = arith.index_cast %add3A_376 : i32 to index
      %get3A_378 = tpu.vector_load %arg7[%get3A_377] {strides = array<i32>} : memref<1664xi32, #tpu.memory_space<vmem>>, vector<16xi32>,
      %get3A_379 = vector.shape_cast %get3A_378 : vector<16xi32> to vector<16xi32>
      %mul3A_380 = arith.constant 4096 : i32
      %mul3A_381 = vector.broadcast %mul3A_380 : i32 to vector<16xi32>
      %mul3A_382 = arith.muli %get3A_379, %mul3A_381 : vector<16xi32>
      %get3A_383 = arith.index_cast %add3A_376 : i32 to index
      %get3A_384 = tpu.vector_load %arg8[%get3A_383] {strides = array<i32>} : memref<1664xi32, #tpu.memory_space<vmem>>, vector<16xi32>,
      %get3A_385 = vector.shape_cast %get3A_384 : vector<16xi32> to vector<16xi32>
      %add3A_386 = arith.addi %mul3A_382, %get3A_385 : vector<16xi32>
      %swap3A_387 = arith.index_cast %scan3A_278 : i32 to index
      %swap3A_388 = arith.constant 80 : index
      %swap3A_389 = tpu.vector_load %arg9[%swap3A_387, %swap3A_388] {strides = array<i32>} : memref<13x128xi32, #tpu.memory_space<vmem>>, vector<1x16xi32>,
      %swap3A_390 = vector.shape_cast %swap3A_389 : vector<1x16xi32> to vector<16xi32>
      %swap3A_391 = vector.shape_cast %add3A_386 : vector<16xi32> to vector<1x16xi32>
      tpu.vector_store %arg9[%swap3A_387, %swap3A_388], %swap3A_391 {strides = array<i32>} : memref<13x128xi32, #tpu.memory_space<vmem>>, vector<1x16xi32>,
      %mul3A_392 = arith.constant 128 : i32
      %mul3A_393 = arith.muli %scan3A_278, %mul3A_392 : i32
      %add3A_394 = arith.constant 96 : i32
      %add3A_395 = arith.addi %mul3A_393, %add3A_394 : i32
      %get3A_396 = arith.index_cast %add3A_395 : i32 to index
      %get3A_397 = tpu.vector_load %arg7[%get3A_396] {strides = array<i32>} : memref<1664xi32, #tpu.memory_space<vmem>>, vector<16xi32>,
      %get3A_398 = vector.shape_cast %get3A_397 : vector<16xi32> to vector<16xi32>
      %mul3A_399 = arith.constant 4096 : i32
      %mul3A_400 = vector.broadcast %mul3A_399 : i32 to vector<16xi32>
      %mul3A_401 = arith.muli %get3A_398, %mul3A_400 : vector<16xi32>
      %get3A_402 = arith.index_cast %add3A_395 : i32 to index
      %get3A_403 = tpu.vector_load %arg8[%get3A_402] {strides = array<i32>} : memref<1664xi32, #tpu.memory_space<vmem>>, vector<16xi32>,
      %get3A_404 = vector.shape_cast %get3A_403 : vector<16xi32> to vector<16xi32>
      %add3A_405 = arith.addi %mul3A_401, %get3A_404 : vector<16xi32>
      %swap3A_406 = arith.index_cast %scan3A_278 : i32 to index
      %swap3A_407 = arith.constant 96 : index
      %swap3A_408 = tpu.vector_load %arg9[%swap3A_406, %swap3A_407] {strides = array<i32>} : memref<13x128xi32, #tpu.memory_space<vmem>>, vector<1x16xi32>,
      %swap3A_409 = vector.shape_cast %swap3A_408 : vector<1x16xi32> to vector<16xi32>
      %swap3A_410 = vector.shape_cast %add3A_405 : vector<16xi32> to vector<1x16xi32>
      tpu.vector_store %arg9[%swap3A_406, %swap3A_407], %swap3A_410 {strides = array<i32>} : memref<13x128xi32, #tpu.memory_space<vmem>>, vector<1x16xi32>,
      %mul3A_411 = arith.constant 128 : i32
      %mul3A_412 = arith.muli %scan3A_278, %mul3A_411 : i32
      %add3A_413 = arith.constant 112 : i32
      %add3A_414 = arith.addi %mul3A_412, %add3A_413 : i32
      %get3A_415 = arith.index_cast %add3A_414 : i32 to index
      %get3A_416 = tpu.vector_load %arg7[%get3A_415] {strides = array<i32>} : memref<1664xi32, #tpu.memory_space<vmem>>, vector<16xi32>,
      %get3A_417 = vector.shape_cast %get3A_416 : vector<16xi32> to vector<16xi32>
      %mul3A_418 = arith.constant 4096 : i32
      %mul3A_419 = vector.broadcast %mul3A_418 : i32 to vector<16xi32>
      %mul3A_420 = arith.muli %get3A_417, %mul3A_419 : vector<16xi32>
      %get3A_421 = arith.index_cast %add3A_414 : i32 to index
      %get3A_422 = tpu.vector_load %arg8[%get3A_421] {strides = array<i32>} : memref<1664xi32, #tpu.memory_space<vmem>>, vector<16xi32>,
      %get3A_423 = vector.shape_cast %get3A_422 : vector<16xi32> to vector<16xi32>
      %add3A_424 = arith.addi %mul3A_420, %get3A_423 : vector<16xi32>
      %swap3A_425 = arith.index_cast %scan3A_278 : i32 to index
      %swap3A_426 = arith.constant 112 : index
      %swap3A_427 = tpu.vector_load %arg9[%swap3A_425, %swap3A_426] {strides = array<i32>} : memref<13x128xi32, #tpu.memory_space<vmem>>, vector<1x16xi32>,
      %swap3A_428 = vector.shape_cast %swap3A_427 : vector<1x16xi32> to vector<16xi32>
      %swap3A_429 = vector.shape_cast %add3A_424 : vector<16xi32> to vector<1x16xi32>
      tpu.vector_store %arg9[%swap3A_425, %swap3A_426], %swap3A_429 {strides = array<i32>} : memref<13x128xi32, #tpu.memory_space<vmem>>, vector<1x16xi32>,
    }
    %scan3A_9 = arith.constant 13 : i32
    %dma_start3A = arith.constant 0 : i32
    %dma_start3A_10 = arith.constant 0 : i32
    %dma_start3A_11 = arith.constant 0 : i32
    %dma_start3A_12 = tpu.memref_slice %arg10[%dma_start3A_10, %dma_start3A_11] : memref<13x128xf32, #tpu.memory_space<vmem>> -> memref<1x128xf32, #tpu.memory_space<vmem>>
    %dma_start3A_13 = tpu.memref_squeeze %dma_start3A_12 : memref<1x128xf32, #tpu.memory_space<vmem>> -> memref<128xf32, #tpu.memory_space<vmem>>
    %dma_start3A_14 = arith.constant 0 : i32
    %dma_start3A_15 = tpu.memref_slice %arg9[%dma_start3A, %dma_start3A_14] : memref<13x128xi32, #tpu.memory_space<vmem>> -> memref<1x128xi32, #tpu.memory_space<vmem>>
    %dma_start3A_16 = tpu.memref_squeeze %dma_start3A_15 : memref<1x128xi32, #tpu.memory_space<vmem>> -> memref<128xi32, #tpu.memory_space<vmem>>
    %dma_start3A_17 = arith.constant 0 : i32
    %dma_start3A_18 = tpu.memref_slice %arg4[%dma_start3A_17] : memref<17825808xf32, #tpu.memory_space<hbm>> -> memref<17825808xf32, #tpu.memory_space<hbm>>
    tpu.enqueue_indirect_dma source(%dma_start3A_18 : memref<17825808xf32, #tpu.memory_space<hbm>>) target(%dma_start3A_13 : memref<128xf32, #tpu.memory_space<vmem>>) offsets(%dma_start3A_16 : memref<128xi32, #tpu.memory_space<vmem>>) semaphore(%arg12 : memref<!tpu.dma_semaphore, #tpu.memory_space<semaphore_mem>>)
    %dma_start3A_19 = arith.constant 1 : i32
    %dma_start3A_20 = arith.constant 1 : i32
    %dma_start3A_21 = arith.constant 0 : i32
    %dma_start3A_22 = tpu.memref_slice %arg10[%dma_start3A_20, %dma_start3A_21] : memref<13x128xf32, #tpu.memory_space<vmem>> -> memref<1x128xf32, #tpu.memory_space<vmem>>
    %dma_start3A_23 = tpu.memref_squeeze %dma_start3A_22 : memref<1x128xf32, #tpu.memory_space<vmem>> -> memref<128xf32, #tpu.memory_space<vmem>>
    %dma_start3A_24 = arith.constant 0 : i32
    %dma_start3A_25 = tpu.memref_slice %arg9[%dma_start3A_19, %dma_start3A_24] : memref<13x128xi32, #tpu.memory_space<vmem>> -> memref<1x128xi32, #tpu.memory_space<vmem>>
    %dma_start3A_26 = tpu.memref_squeeze %dma_start3A_25 : memref<1x128xi32, #tpu.memory_space<vmem>> -> memref<128xi32, #tpu.memory_space<vmem>>
    %dma_start3A_27 = arith.constant 0 : i32
    %dma_start3A_28 = tpu.memref_slice %arg4[%dma_start3A_27] : memref<17825808xf32, #tpu.memory_space<hbm>> -> memref<17825808xf32, #tpu.memory_space<hbm>>
    tpu.enqueue_indirect_dma source(%dma_start3A_28 : memref<17825808xf32, #tpu.memory_space<hbm>>) target(%dma_start3A_23 : memref<128xf32, #tpu.memory_space<vmem>>) offsets(%dma_start3A_26 : memref<128xi32, #tpu.memory_space<vmem>>) semaphore(%arg13 : memref<!tpu.dma_semaphore, #tpu.memory_space<semaphore_mem>>)
    %dma_start3A_29 = arith.constant 2 : i32
    %dma_start3A_30 = arith.constant 2 : i32
    %dma_start3A_31 = arith.constant 0 : i32
    %dma_start3A_32 = tpu.memref_slice %arg10[%dma_start3A_30, %dma_start3A_31] : memref<13x128xf32, #tpu.memory_space<vmem>> -> memref<1x128xf32, #tpu.memory_space<vmem>>
    %dma_start3A_33 = tpu.memref_squeeze %dma_start3A_32 : memref<1x128xf32, #tpu.memory_space<vmem>> -> memref<128xf32, #tpu.memory_space<vmem>>
    %dma_start3A_34 = arith.constant 0 : i32
    %dma_start3A_35 = tpu.memref_slice %arg9[%dma_start3A_29, %dma_start3A_34] : memref<13x128xi32, #tpu.memory_space<vmem>> -> memref<1x128xi32, #tpu.memory_space<vmem>>
    %dma_start3A_36 = tpu.memref_squeeze %dma_start3A_35 : memref<1x128xi32, #tpu.memory_space<vmem>> -> memref<128xi32, #tpu.memory_space<vmem>>
    %dma_start3A_37 = arith.constant 0 : i32
    %dma_start3A_38 = tpu.memref_slice %arg4[%dma_start3A_37] : memref<17825808xf32, #tpu.memory_space<hbm>> -> memref<17825808xf32, #tpu.memory_space<hbm>>
    tpu.enqueue_indirect_dma source(%dma_start3A_38 : memref<17825808xf32, #tpu.memory_space<hbm>>) target(%dma_start3A_33 : memref<128xf32, #tpu.memory_space<vmem>>) offsets(%dma_start3A_36 : memref<128xi32, #tpu.memory_space<vmem>>) semaphore(%arg12 : memref<!tpu.dma_semaphore, #tpu.memory_space<semaphore_mem>>)
    %dma_start3A_39 = arith.constant 3 : i32
    %dma_start3A_40 = arith.constant 3 : i32
    %dma_start3A_41 = arith.constant 0 : i32
    %dma_start3A_42 = tpu.memref_slice %arg10[%dma_start3A_40, %dma_start3A_41] : memref<13x128xf32, #tpu.memory_space<vmem>> -> memref<1x128xf32, #tpu.memory_space<vmem>>
    %dma_start3A_43 = tpu.memref_squeeze %dma_start3A_42 : memref<1x128xf32, #tpu.memory_space<vmem>> -> memref<128xf32, #tpu.memory_space<vmem>>
    %dma_start3A_44 = arith.constant 0 : i32
    %dma_start3A_45 = tpu.memref_slice %arg9[%dma_start3A_39, %dma_start3A_44] : memref<13x128xi32, #tpu.memory_space<vmem>> -> memref<1x128xi32, #tpu.memory_space<vmem>>
    %dma_start3A_46 = tpu.memref_squeeze %dma_start3A_45 : memref<1x128xi32, #tpu.memory_space<vmem>> -> memref<128xi32, #tpu.memory_space<vmem>>
    %dma_start3A_47 = arith.constant 0 : i32
    %dma_start3A_48 = tpu.memref_slice %arg4[%dma_start3A_47] : memref<17825808xf32, #tpu.memory_space<hbm>> -> memref<17825808xf32, #tpu.memory_space<hbm>>
    tpu.enqueue_indirect_dma source(%dma_start3A_48 : memref<17825808xf32, #tpu.memory_space<hbm>>) target(%dma_start3A_43 : memref<128xf32, #tpu.memory_space<vmem>>) offsets(%dma_start3A_46 : memref<128xi32, #tpu.memory_space<vmem>>) semaphore(%arg13 : memref<!tpu.dma_semaphore, #tpu.memory_space<semaphore_mem>>)
    %dma_start3A_49 = arith.constant 4 : i32
    %dma_start3A_50 = arith.constant 4 : i32
    %dma_start3A_51 = arith.constant 0 : i32
    %dma_start3A_52 = tpu.memref_slice %arg10[%dma_start3A_50, %dma_start3A_51] : memref<13x128xf32, #tpu.memory_space<vmem>> -> memref<1x128xf32, #tpu.memory_space<vmem>>
    %dma_start3A_53 = tpu.memref_squeeze %dma_start3A_52 : memref<1x128xf32, #tpu.memory_space<vmem>> -> memref<128xf32, #tpu.memory_space<vmem>>
    %dma_start3A_54 = arith.constant 0 : i32
    %dma_start3A_55 = tpu.memref_slice %arg9[%dma_start3A_49, %dma_start3A_54] : memref<13x128xi32, #tpu.memory_space<vmem>> -> memref<1x128xi32, #tpu.memory_space<vmem>>
    %dma_start3A_56 = tpu.memref_squeeze %dma_start3A_55 : memref<1x128xi32, #tpu.memory_space<vmem>> -> memref<128xi32, #tpu.memory_space<vmem>>
    %dma_start3A_57 = arith.constant 0 : i32
    %dma_start3A_58 = tpu.memref_slice %arg4[%dma_start3A_57] : memref<17825808xf32, #tpu.memory_space<hbm>> -> memref<17825808xf32, #tpu.memory_space<hbm>>
    tpu.enqueue_indirect_dma source(%dma_start3A_58 : memref<17825808xf32, #tpu.memory_space<hbm>>) target(%dma_start3A_53 : memref<128xf32, #tpu.memory_space<vmem>>) offsets(%dma_start3A_56 : memref<128xi32, #tpu.memory_space<vmem>>) semaphore(%arg12 : memref<!tpu.dma_semaphore, #tpu.memory_space<semaphore_mem>>)
    %dma_start3A_59 = arith.constant 5 : i32
    %dma_start3A_60 = arith.constant 5 : i32
    %dma_start3A_61 = arith.constant 0 : i32
    %dma_start3A_62 = tpu.memref_slice %arg10[%dma_start3A_60, %dma_start3A_61] : memref<13x128xf32, #tpu.memory_space<vmem>> -> memref<1x128xf32, #tpu.memory_space<vmem>>
    %dma_start3A_63 = tpu.memref_squeeze %dma_start3A_62 : memref<1x128xf32, #tpu.memory_space<vmem>> -> memref<128xf32, #tpu.memory_space<vmem>>
    %dma_start3A_64 = arith.constant 0 : i32
    %dma_start3A_65 = tpu.memref_slice %arg9[%dma_start3A_59, %dma_start3A_64] : memref<13x128xi32, #tpu.memory_space<vmem>> -> memref<1x128xi32, #tpu.memory_space<vmem>>
    %dma_start3A_66 = tpu.memref_squeeze %dma_start3A_65 : memref<1x128xi32, #tpu.memory_space<vmem>> -> memref<128xi32, #tpu.memory_space<vmem>>
    %dma_start3A_67 = arith.constant 0 : i32
    %dma_start3A_68 = tpu.memref_slice %arg4[%dma_start3A_67] : memref<17825808xf32, #tpu.memory_space<hbm>> -> memref<17825808xf32, #tpu.memory_space<hbm>>
    tpu.enqueue_indirect_dma source(%dma_start3A_68 : memref<17825808xf32, #tpu.memory_space<hbm>>) target(%dma_start3A_63 : memref<128xf32, #tpu.memory_space<vmem>>) offsets(%dma_start3A_66 : memref<128xi32, #tpu.memory_space<vmem>>) semaphore(%arg13 : memref<!tpu.dma_semaphore, #tpu.memory_space<semaphore_mem>>)
    %dma_start3A_69 = arith.constant 6 : i32
    %dma_start3A_70 = arith.constant 6 : i32
    %dma_start3A_71 = arith.constant 0 : i32
    %dma_start3A_72 = tpu.memref_slice %arg10[%dma_start3A_70, %dma_start3A_71] : memref<13x128xf32, #tpu.memory_space<vmem>> -> memref<1x128xf32, #tpu.memory_space<vmem>>
    %dma_start3A_73 = tpu.memref_squeeze %dma_start3A_72 : memref<1x128xf32, #tpu.memory_space<vmem>> -> memref<128xf32, #tpu.memory_space<vmem>>
    %dma_start3A_74 = arith.constant 0 : i32
    %dma_start3A_75 = tpu.memref_slice %arg9[%dma_start3A_69, %dma_start3A_74] : memref<13x128xi32, #tpu.memory_space<vmem>> -> memref<1x128xi32, #tpu.memory_space<vmem>>
    %dma_start3A_76 = tpu.memref_squeeze %dma_start3A_75 : memref<1x128xi32, #tpu.memory_space<vmem>> -> memref<128xi32, #tpu.memory_space<vmem>>
    %dma_start3A_77 = arith.constant 0 : i32
    %dma_start3A_78 = tpu.memref_slice %arg4[%dma_start3A_77] : memref<17825808xf32, #tpu.memory_space<hbm>> -> memref<17825808xf32, #tpu.memory_space<hbm>>
    tpu.enqueue_indirect_dma source(%dma_start3A_78 : memref<17825808xf32, #tpu.memory_space<hbm>>) target(%dma_start3A_73 : memref<128xf32, #tpu.memory_space<vmem>>) offsets(%dma_start3A_76 : memref<128xi32, #tpu.memory_space<vmem>>) semaphore(%arg12 : memref<!tpu.dma_semaphore, #tpu.memory_space<semaphore_mem>>)
    %dma_start3A_79 = arith.constant 7 : i32
    %dma_start3A_80 = arith.constant 7 : i32
    %dma_start3A_81 = arith.constant 0 : i32
    %dma_start3A_82 = tpu.memref_slice %arg10[%dma_start3A_80, %dma_start3A_81] : memref<13x128xf32, #tpu.memory_space<vmem>> -> memref<1x128xf32, #tpu.memory_space<vmem>>
    %dma_start3A_83 = tpu.memref_squeeze %dma_start3A_82 : memref<1x128xf32, #tpu.memory_space<vmem>> -> memref<128xf32, #tpu.memory_space<vmem>>
    %dma_start3A_84 = arith.constant 0 : i32
    %dma_start3A_85 = tpu.memref_slice %arg9[%dma_start3A_79, %dma_start3A_84] : memref<13x128xi32, #tpu.memory_space<vmem>> -> memref<1x128xi32, #tpu.memory_space<vmem>>
    %dma_start3A_86 = tpu.memref_squeeze %dma_start3A_85 : memref<1x128xi32, #tpu.memory_space<vmem>> -> memref<128xi32, #tpu.memory_space<vmem>>
    %dma_start3A_87 = arith.constant 0 : i32
    %dma_start3A_88 = tpu.memref_slice %arg4[%dma_start3A_87] : memref<17825808xf32, #tpu.memory_space<hbm>> -> memref<17825808xf32, #tpu.memory_space<hbm>>
    tpu.enqueue_indirect_dma source(%dma_start3A_88 : memref<17825808xf32, #tpu.memory_space<hbm>>) target(%dma_start3A_83 : memref<128xf32, #tpu.memory_space<vmem>>) offsets(%dma_start3A_86 : memref<128xi32, #tpu.memory_space<vmem>>) semaphore(%arg13 : memref<!tpu.dma_semaphore, #tpu.memory_space<semaphore_mem>>)
    %dma_start3A_89 = arith.constant 8 : i32
    %dma_start3A_90 = arith.constant 8 : i32
    %dma_start3A_91 = arith.constant 0 : i32
    %dma_start3A_92 = tpu.memref_slice %arg10[%dma_start3A_90, %dma_start3A_91] : memref<13x128xf32, #tpu.memory_space<vmem>> -> memref<1x128xf32, #tpu.memory_space<vmem>>
    %dma_start3A_93 = tpu.memref_squeeze %dma_start3A_92 : memref<1x128xf32, #tpu.memory_space<vmem>> -> memref<128xf32, #tpu.memory_space<vmem>>
    %dma_start3A_94 = arith.constant 0 : i32
    %dma_start3A_95 = tpu.memref_slice %arg9[%dma_start3A_89, %dma_start3A_94] : memref<13x128xi32, #tpu.memory_space<vmem>> -> memref<1x128xi32, #tpu.memory_space<vmem>>
    %dma_start3A_96 = tpu.memref_squeeze %dma_start3A_95 : memref<1x128xi32, #tpu.memory_space<vmem>> -> memref<128xi32, #tpu.memory_space<vmem>>
    %dma_start3A_97 = arith.constant 0 : i32
    %dma_start3A_98 = tpu.memref_slice %arg4[%dma_start3A_97] : memref<17825808xf32, #tpu.memory_space<hbm>> -> memref<17825808xf32, #tpu.memory_space<hbm>>
    tpu.enqueue_indirect_dma source(%dma_start3A_98 : memref<17825808xf32, #tpu.memory_space<hbm>>) target(%dma_start3A_93 : memref<128xf32, #tpu.memory_space<vmem>>) offsets(%dma_start3A_96 : memref<128xi32, #tpu.memory_space<vmem>>) semaphore(%arg12 : memref<!tpu.dma_semaphore, #tpu.memory_space<semaphore_mem>>)
    %dma_start3A_99 = arith.constant 9 : i32
    %dma_start3A_100 = arith.constant 9 : i32
    %dma_start3A_101 = arith.constant 0 : i32
    %dma_start3A_102 = tpu.memref_slice %arg10[%dma_start3A_100, %dma_start3A_101] : memref<13x128xf32, #tpu.memory_space<vmem>> -> memref<1x128xf32, #tpu.memory_space<vmem>>
    %dma_start3A_103 = tpu.memref_squeeze %dma_start3A_102 : memref<1x128xf32, #tpu.memory_space<vmem>> -> memref<128xf32, #tpu.memory_space<vmem>>
    %dma_start3A_104 = arith.constant 0 : i32
    %dma_start3A_105 = tpu.memref_slice %arg9[%dma_start3A_99, %dma_start3A_104] : memref<13x128xi32, #tpu.memory_space<vmem>> -> memref<1x128xi32, #tpu.memory_space<vmem>>
    %dma_start3A_106 = tpu.memref_squeeze %dma_start3A_105 : memref<1x128xi32, #tpu.memory_space<vmem>> -> memref<128xi32, #tpu.memory_space<vmem>>
    %dma_start3A_107 = arith.constant 0 : i32
    %dma_start3A_108 = tpu.memref_slice %arg4[%dma_start3A_107] : memref<17825808xf32, #tpu.memory_space<hbm>> -> memref<17825808xf32, #tpu.memory_space<hbm>>
    tpu.enqueue_indirect_dma source(%dma_start3A_108 : memref<17825808xf32, #tpu.memory_space<hbm>>) target(%dma_start3A_103 : memref<128xf32, #tpu.memory_space<vmem>>) offsets(%dma_start3A_106 : memref<128xi32, #tpu.memory_space<vmem>>) semaphore(%arg13 : memref<!tpu.dma_semaphore, #tpu.memory_space<semaphore_mem>>)
    %dma_start3A_109 = arith.constant 10 : i32
    %dma_start3A_110 = arith.constant 10 : i32
    %dma_start3A_111 = arith.constant 0 : i32
    %dma_start3A_112 = tpu.memref_slice %arg10[%dma_start3A_110, %dma_start3A_111] : memref<13x128xf32, #tpu.memory_space<vmem>> -> memref<1x128xf32, #tpu.memory_space<vmem>>
    %dma_start3A_113 = tpu.memref_squeeze %dma_start3A_112 : memref<1x128xf32, #tpu.memory_space<vmem>> -> memref<128xf32, #tpu.memory_space<vmem>>
    %dma_start3A_114 = arith.constant 0 : i32
    %dma_start3A_115 = tpu.memref_slice %arg9[%dma_start3A_109, %dma_start3A_114] : memref<13x128xi32, #tpu.memory_space<vmem>> -> memref<1x128xi32, #tpu.memory_space<vmem>>
    %dma_start3A_116 = tpu.memref_squeeze %dma_start3A_115 : memref<1x128xi32, #tpu.memory_space<vmem>> -> memref<128xi32, #tpu.memory_space<vmem>>
    %dma_start3A_117 = arith.constant 0 : i32
    %dma_start3A_118 = tpu.memref_slice %arg4[%dma_start3A_117] : memref<17825808xf32, #tpu.memory_space<hbm>> -> memref<17825808xf32, #tpu.memory_space<hbm>>
    tpu.enqueue_indirect_dma source(%dma_start3A_118 : memref<17825808xf32, #tpu.memory_space<hbm>>) target(%dma_start3A_113 : memref<128xf32, #tpu.memory_space<vmem>>) offsets(%dma_start3A_116 : memref<128xi32, #tpu.memory_space<vmem>>) semaphore(%arg12 : memref<!tpu.dma_semaphore, #tpu.memory_space<semaphore_mem>>)
    %dma_start3A_119 = arith.constant 11 : i32
    %dma_start3A_120 = arith.constant 11 : i32
    %dma_start3A_121 = arith.constant 0 : i32
    %dma_start3A_122 = tpu.memref_slice %arg10[%dma_start3A_120, %dma_start3A_121] : memref<13x128xf32, #tpu.memory_space<vmem>> -> memref<1x128xf32, #tpu.memory_space<vmem>>
    %dma_start3A_123 = tpu.memref_squeeze %dma_start3A_122 : memref<1x128xf32, #tpu.memory_space<vmem>> -> memref<128xf32, #tpu.memory_space<vmem>>
    %dma_start3A_124 = arith.constant 0 : i32
    %dma_start3A_125 = tpu.memref_slice %arg9[%dma_start3A_119, %dma_start3A_124] : memref<13x128xi32, #tpu.memory_space<vmem>> -> memref<1x128xi32, #tpu.memory_space<vmem>>
    %dma_start3A_126 = tpu.memref_squeeze %dma_start3A_125 : memref<1x128xi32, #tpu.memory_space<vmem>> -> memref<128xi32, #tpu.memory_space<vmem>>
    %dma_start3A_127 = arith.constant 0 : i32
    %dma_start3A_128 = tpu.memref_slice %arg4[%dma_start3A_127] : memref<17825808xf32, #tpu.memory_space<hbm>> -> memref<17825808xf32, #tpu.memory_space<hbm>>
    tpu.enqueue_indirect_dma source(%dma_start3A_128 : memref<17825808xf32, #tpu.memory_space<hbm>>) target(%dma_start3A_123 : memref<128xf32, #tpu.memory_space<vmem>>) offsets(%dma_start3A_126 : memref<128xi32, #tpu.memory_space<vmem>>) semaphore(%arg13 : memref<!tpu.dma_semaphore, #tpu.memory_space<semaphore_mem>>)
    %dma_start3A_129 = arith.constant 12 : i32
    %dma_start3A_130 = arith.constant 12 : i32
    %dma_start3A_131 = arith.constant 0 : i32
    %dma_start3A_132 = tpu.memref_slice %arg10[%dma_start3A_130, %dma_start3A_131] : memref<13x128xf32, #tpu.memory_space<vmem>> -> memref<1x128xf32, #tpu.memory_space<vmem>>
    %dma_start3A_133 = tpu.memref_squeeze %dma_start3A_132 : memref<1x128xf32, #tpu.memory_space<vmem>> -> memref<128xf32, #tpu.memory_space<vmem>>
    %dma_start3A_134 = arith.constant 0 : i32
    %dma_start3A_135 = tpu.memref_slice %arg9[%dma_start3A_129, %dma_start3A_134] : memref<13x128xi32, #tpu.memory_space<vmem>> -> memref<1x128xi32, #tpu.memory_space<vmem>>
    %dma_start3A_136 = tpu.memref_squeeze %dma_start3A_135 : memref<1x128xi32, #tpu.memory_space<vmem>> -> memref<128xi32, #tpu.memory_space<vmem>>
    %dma_start3A_137 = arith.constant 0 : i32
    %dma_start3A_138 = tpu.memref_slice %arg4[%dma_start3A_137] : memref<17825808xf32, #tpu.memory_space<hbm>> -> memref<17825808xf32, #tpu.memory_space<hbm>>
    tpu.enqueue_indirect_dma source(%dma_start3A_138 : memref<17825808xf32, #tpu.memory_space<hbm>>) target(%dma_start3A_133 : memref<128xf32, #tpu.memory_space<vmem>>) offsets(%dma_start3A_136 : memref<128xi32, #tpu.memory_space<vmem>>) semaphore(%arg12 : memref<!tpu.dma_semaphore, #tpu.memory_space<semaphore_mem>>)
    %dma_wait3A = arith.constant 0 : i32
    %dma_wait3A_139 = arith.constant 0 : i32
    %dma_wait3A_140 = arith.constant 0 : i32
    %dma_wait3A_141 = tpu.memref_slice %arg10[%dma_wait3A_139, %dma_wait3A_140] : memref<13x128xf32, #tpu.memory_space<vmem>> -> memref<1x128xf32, #tpu.memory_space<vmem>>
    %dma_wait3A_142 = tpu.memref_squeeze %dma_wait3A_141 : memref<1x128xf32, #tpu.memory_space<vmem>> -> memref<128xf32, #tpu.memory_space<vmem>>
    %dma_wait3A_143 = arith.constant 0 : i32
    %dma_wait3A_144 = tpu.memref_slice %arg9[%dma_wait3A, %dma_wait3A_143] : memref<13x128xi32, #tpu.memory_space<vmem>> -> memref<1x128xi32, #tpu.memory_space<vmem>>
    %dma_wait3A_145 = tpu.memref_squeeze %dma_wait3A_144 : memref<1x128xi32, #tpu.memory_space<vmem>> -> memref<128xi32, #tpu.memory_space<vmem>>
    %dma_wait3A_146 = arith.constant 0 : i32
    %dma_wait3A_147 = tpu.memref_slice %arg4[%dma_wait3A_146] : memref<17825808xf32, #tpu.memory_space<hbm>> -> memref<17825808xf32, #tpu.memory_space<hbm>>
    tpu.wait_indirect_dma semaphore(%arg12 : memref<!tpu.dma_semaphore, #tpu.memory_space<semaphore_mem>>) src(%dma_wait3A_147 : memref<17825808xf32, #tpu.memory_space<hbm>>) dst(%dma_wait3A_142 : memref<128xf32, #tpu.memory_space<vmem>>)
    %dma_wait3A_148 = arith.constant 1 : i32
    %dma_wait3A_149 = arith.constant 1 : i32
    %dma_wait3A_150 = arith.constant 0 : i32
    %dma_wait3A_151 = tpu.memref_slice %arg10[%dma_wait3A_149, %dma_wait3A_150] : memref<13x128xf32, #tpu.memory_space<vmem>> -> memref<1x128xf32, #tpu.memory_space<vmem>>
    %dma_wait3A_152 = tpu.memref_squeeze %dma_wait3A_151 : memref<1x128xf32, #tpu.memory_space<vmem>> -> memref<128xf32, #tpu.memory_space<vmem>>
    %dma_wait3A_153 = arith.constant 0 : i32
    %dma_wait3A_154 = tpu.memref_slice %arg9[%dma_wait3A_148, %dma_wait3A_153] : memref<13x128xi32, #tpu.memory_space<vmem>> -> memref<1x128xi32, #tpu.memory_space<vmem>>
    %dma_wait3A_155 = tpu.memref_squeeze %dma_wait3A_154 : memref<1x128xi32, #tpu.memory_space<vmem>> -> memref<128xi32, #tpu.memory_space<vmem>>
    %dma_wait3A_156 = arith.constant 0 : i32
    %dma_wait3A_157 = tpu.memref_slice %arg4[%dma_wait3A_156] : memref<17825808xf32, #tpu.memory_space<hbm>> -> memref<17825808xf32, #tpu.memory_space<hbm>>
    tpu.wait_indirect_dma semaphore(%arg13 : memref<!tpu.dma_semaphore, #tpu.memory_space<semaphore_mem>>) src(%dma_wait3A_157 : memref<17825808xf32, #tpu.memory_space<hbm>>) dst(%dma_wait3A_152 : memref<128xf32, #tpu.memory_space<vmem>>)
    %dma_wait3A_158 = arith.constant 2 : i32
    %dma_wait3A_159 = arith.constant 2 : i32
    %dma_wait3A_160 = arith.constant 0 : i32
    %dma_wait3A_161 = tpu.memref_slice %arg10[%dma_wait3A_159, %dma_wait3A_160] : memref<13x128xf32, #tpu.memory_space<vmem>> -> memref<1x128xf32, #tpu.memory_space<vmem>>
    %dma_wait3A_162 = tpu.memref_squeeze %dma_wait3A_161 : memref<1x128xf32, #tpu.memory_space<vmem>> -> memref<128xf32, #tpu.memory_space<vmem>>
    %dma_wait3A_163 = arith.constant 0 : i32
    %dma_wait3A_164 = tpu.memref_slice %arg9[%dma_wait3A_158, %dma_wait3A_163] : memref<13x128xi32, #tpu.memory_space<vmem>> -> memref<1x128xi32, #tpu.memory_space<vmem>>
    %dma_wait3A_165 = tpu.memref_squeeze %dma_wait3A_164 : memref<1x128xi32, #tpu.memory_space<vmem>> -> memref<128xi32, #tpu.memory_space<vmem>>
    %dma_wait3A_166 = arith.constant 0 : i32
    %dma_wait3A_167 = tpu.memref_slice %arg4[%dma_wait3A_166] : memref<17825808xf32, #tpu.memory_space<hbm>> -> memref<17825808xf32, #tpu.memory_space<hbm>>
    tpu.wait_indirect_dma semaphore(%arg12 : memref<!tpu.dma_semaphore, #tpu.memory_space<semaphore_mem>>) src(%dma_wait3A_167 : memref<17825808xf32, #tpu.memory_space<hbm>>) dst(%dma_wait3A_162 : memref<128xf32, #tpu.memory_space<vmem>>)
    %dma_wait3A_168 = arith.constant 3 : i32
    %dma_wait3A_169 = arith.constant 3 : i32
    %dma_wait3A_170 = arith.constant 0 : i32
    %dma_wait3A_171 = tpu.memref_slice %arg10[%dma_wait3A_169, %dma_wait3A_170] : memref<13x128xf32, #tpu.memory_space<vmem>> -> memref<1x128xf32, #tpu.memory_space<vmem>>
    %dma_wait3A_172 = tpu.memref_squeeze %dma_wait3A_171 : memref<1x128xf32, #tpu.memory_space<vmem>> -> memref<128xf32, #tpu.memory_space<vmem>>
    %dma_wait3A_173 = arith.constant 0 : i32
    %dma_wait3A_174 = tpu.memref_slice %arg9[%dma_wait3A_168, %dma_wait3A_173] : memref<13x128xi32, #tpu.memory_space<vmem>> -> memref<1x128xi32, #tpu.memory_space<vmem>>
    %dma_wait3A_175 = tpu.memref_squeeze %dma_wait3A_174 : memref<1x128xi32, #tpu.memory_space<vmem>> -> memref<128xi32, #tpu.memory_space<vmem>>
    %dma_wait3A_176 = arith.constant 0 : i32
    %dma_wait3A_177 = tpu.memref_slice %arg4[%dma_wait3A_176] : memref<17825808xf32, #tpu.memory_space<hbm>> -> memref<17825808xf32, #tpu.memory_space<hbm>>
    tpu.wait_indirect_dma semaphore(%arg13 : memref<!tpu.dma_semaphore, #tpu.memory_space<semaphore_mem>>) src(%dma_wait3A_177 : memref<17825808xf32, #tpu.memory_space<hbm>>) dst(%dma_wait3A_172 : memref<128xf32, #tpu.memory_space<vmem>>)
    %dma_wait3A_178 = arith.constant 4 : i32
    %dma_wait3A_179 = arith.constant 4 : i32
    %dma_wait3A_180 = arith.constant 0 : i32
    %dma_wait3A_181 = tpu.memref_slice %arg10[%dma_wait3A_179, %dma_wait3A_180] : memref<13x128xf32, #tpu.memory_space<vmem>> -> memref<1x128xf32, #tpu.memory_space<vmem>>
    %dma_wait3A_182 = tpu.memref_squeeze %dma_wait3A_181 : memref<1x128xf32, #tpu.memory_space<vmem>> -> memref<128xf32, #tpu.memory_space<vmem>>
    %dma_wait3A_183 = arith.constant 0 : i32
    %dma_wait3A_184 = tpu.memref_slice %arg9[%dma_wait3A_178, %dma_wait3A_183] : memref<13x128xi32, #tpu.memory_space<vmem>> -> memref<1x128xi32, #tpu.memory_space<vmem>>
    %dma_wait3A_185 = tpu.memref_squeeze %dma_wait3A_184 : memref<1x128xi32, #tpu.memory_space<vmem>> -> memref<128xi32, #tpu.memory_space<vmem>>
    %dma_wait3A_186 = arith.constant 0 : i32
    %dma_wait3A_187 = tpu.memref_slice %arg4[%dma_wait3A_186] : memref<17825808xf32, #tpu.memory_space<hbm>> -> memref<17825808xf32, #tpu.memory_space<hbm>>
    tpu.wait_indirect_dma semaphore(%arg12 : memref<!tpu.dma_semaphore, #tpu.memory_space<semaphore_mem>>) src(%dma_wait3A_187 : memref<17825808xf32, #tpu.memory_space<hbm>>) dst(%dma_wait3A_182 : memref<128xf32, #tpu.memory_space<vmem>>)
    %dma_wait3A_188 = arith.constant 5 : i32
    %dma_wait3A_189 = arith.constant 5 : i32
    %dma_wait3A_190 = arith.constant 0 : i32
    %dma_wait3A_191 = tpu.memref_slice %arg10[%dma_wait3A_189, %dma_wait3A_190] : memref<13x128xf32, #tpu.memory_space<vmem>> -> memref<1x128xf32, #tpu.memory_space<vmem>>
    %dma_wait3A_192 = tpu.memref_squeeze %dma_wait3A_191 : memref<1x128xf32, #tpu.memory_space<vmem>> -> memref<128xf32, #tpu.memory_space<vmem>>
    %dma_wait3A_193 = arith.constant 0 : i32
    %dma_wait3A_194 = tpu.memref_slice %arg9[%dma_wait3A_188, %dma_wait3A_193] : memref<13x128xi32, #tpu.memory_space<vmem>> -> memref<1x128xi32, #tpu.memory_space<vmem>>
    %dma_wait3A_195 = tpu.memref_squeeze %dma_wait3A_194 : memref<1x128xi32, #tpu.memory_space<vmem>> -> memref<128xi32, #tpu.memory_space<vmem>>
    %dma_wait3A_196 = arith.constant 0 : i32
    %dma_wait3A_197 = tpu.memref_slice %arg4[%dma_wait3A_196] : memref<17825808xf32, #tpu.memory_space<hbm>> -> memref<17825808xf32, #tpu.memory_space<hbm>>
    tpu.wait_indirect_dma semaphore(%arg13 : memref<!tpu.dma_semaphore, #tpu.memory_space<semaphore_mem>>) src(%dma_wait3A_197 : memref<17825808xf32, #tpu.memory_space<hbm>>) dst(%dma_wait3A_192 : memref<128xf32, #tpu.memory_space<vmem>>)
    %dma_wait3A_198 = arith.constant 6 : i32
    %dma_wait3A_199 = arith.constant 6 : i32
    %dma_wait3A_200 = arith.constant 0 : i32
    %dma_wait3A_201 = tpu.memref_slice %arg10[%dma_wait3A_199, %dma_wait3A_200] : memref<13x128xf32, #tpu.memory_space<vmem>> -> memref<1x128xf32, #tpu.memory_space<vmem>>
    %dma_wait3A_202 = tpu.memref_squeeze %dma_wait3A_201 : memref<1x128xf32, #tpu.memory_space<vmem>> -> memref<128xf32, #tpu.memory_space<vmem>>
    %dma_wait3A_203 = arith.constant 0 : i32
    %dma_wait3A_204 = tpu.memref_slice %arg9[%dma_wait3A_198, %dma_wait3A_203] : memref<13x128xi32, #tpu.memory_space<vmem>> -> memref<1x128xi32, #tpu.memory_space<vmem>>
    %dma_wait3A_205 = tpu.memref_squeeze %dma_wait3A_204 : memref<1x128xi32, #tpu.memory_space<vmem>> -> memref<128xi32, #tpu.memory_space<vmem>>
    %dma_wait3A_206 = arith.constant 0 : i32
    %dma_wait3A_207 = tpu.memref_slice %arg4[%dma_wait3A_206] : memref<17825808xf32, #tpu.memory_space<hbm>> -> memref<17825808xf32, #tpu.memory_space<hbm>>
    tpu.wait_indirect_dma semaphore(%arg12 : memref<!tpu.dma_semaphore, #tpu.memory_space<semaphore_mem>>) src(%dma_wait3A_207 : memref<17825808xf32, #tpu.memory_space<hbm>>) dst(%dma_wait3A_202 : memref<128xf32, #tpu.memory_space<vmem>>)
    %dma_wait3A_208 = arith.constant 7 : i32
    %dma_wait3A_209 = arith.constant 7 : i32
    %dma_wait3A_210 = arith.constant 0 : i32
    %dma_wait3A_211 = tpu.memref_slice %arg10[%dma_wait3A_209, %dma_wait3A_210] : memref<13x128xf32, #tpu.memory_space<vmem>> -> memref<1x128xf32, #tpu.memory_space<vmem>>
    %dma_wait3A_212 = tpu.memref_squeeze %dma_wait3A_211 : memref<1x128xf32, #tpu.memory_space<vmem>> -> memref<128xf32, #tpu.memory_space<vmem>>
    %dma_wait3A_213 = arith.constant 0 : i32
    %dma_wait3A_214 = tpu.memref_slice %arg9[%dma_wait3A_208, %dma_wait3A_213] : memref<13x128xi32, #tpu.memory_space<vmem>> -> memref<1x128xi32, #tpu.memory_space<vmem>>
    %dma_wait3A_215 = tpu.memref_squeeze %dma_wait3A_214 : memref<1x128xi32, #tpu.memory_space<vmem>> -> memref<128xi32, #tpu.memory_space<vmem>>
    %dma_wait3A_216 = arith.constant 0 : i32
    %dma_wait3A_217 = tpu.memref_slice %arg4[%dma_wait3A_216] : memref<17825808xf32, #tpu.memory_space<hbm>> -> memref<17825808xf32, #tpu.memory_space<hbm>>
    tpu.wait_indirect_dma semaphore(%arg13 : memref<!tpu.dma_semaphore, #tpu.memory_space<semaphore_mem>>) src(%dma_wait3A_217 : memref<17825808xf32, #tpu.memory_space<hbm>>) dst(%dma_wait3A_212 : memref<128xf32, #tpu.memory_space<vmem>>)
    %dma_wait3A_218 = arith.constant 8 : i32
    %dma_wait3A_219 = arith.constant 8 : i32
    %dma_wait3A_220 = arith.constant 0 : i32
    %dma_wait3A_221 = tpu.memref_slice %arg10[%dma_wait3A_219, %dma_wait3A_220] : memref<13x128xf32, #tpu.memory_space<vmem>> -> memref<1x128xf32, #tpu.memory_space<vmem>>
    %dma_wait3A_222 = tpu.memref_squeeze %dma_wait3A_221 : memref<1x128xf32, #tpu.memory_space<vmem>> -> memref<128xf32, #tpu.memory_space<vmem>>
    %dma_wait3A_223 = arith.constant 0 : i32
    %dma_wait3A_224 = tpu.memref_slice %arg9[%dma_wait3A_218, %dma_wait3A_223] : memref<13x128xi32, #tpu.memory_space<vmem>> -> memref<1x128xi32, #tpu.memory_space<vmem>>
    %dma_wait3A_225 = tpu.memref_squeeze %dma_wait3A_224 : memref<1x128xi32, #tpu.memory_space<vmem>> -> memref<128xi32, #tpu.memory_space<vmem>>
    %dma_wait3A_226 = arith.constant 0 : i32
    %dma_wait3A_227 = tpu.memref_slice %arg4[%dma_wait3A_226] : memref<17825808xf32, #tpu.memory_space<hbm>> -> memref<17825808xf32, #tpu.memory_space<hbm>>
    tpu.wait_indirect_dma semaphore(%arg12 : memref<!tpu.dma_semaphore, #tpu.memory_space<semaphore_mem>>) src(%dma_wait3A_227 : memref<17825808xf32, #tpu.memory_space<hbm>>) dst(%dma_wait3A_222 : memref<128xf32, #tpu.memory_space<vmem>>)
    %dma_wait3A_228 = arith.constant 9 : i32
    %dma_wait3A_229 = arith.constant 9 : i32
    %dma_wait3A_230 = arith.constant 0 : i32
    %dma_wait3A_231 = tpu.memref_slice %arg10[%dma_wait3A_229, %dma_wait3A_230] : memref<13x128xf32, #tpu.memory_space<vmem>> -> memref<1x128xf32, #tpu.memory_space<vmem>>
    %dma_wait3A_232 = tpu.memref_squeeze %dma_wait3A_231 : memref<1x128xf32, #tpu.memory_space<vmem>> -> memref<128xf32, #tpu.memory_space<vmem>>
    %dma_wait3A_233 = arith.constant 0 : i32
    %dma_wait3A_234 = tpu.memref_slice %arg9[%dma_wait3A_228, %dma_wait3A_233] : memref<13x128xi32, #tpu.memory_space<vmem>> -> memref<1x128xi32, #tpu.memory_space<vmem>>
    %dma_wait3A_235 = tpu.memref_squeeze %dma_wait3A_234 : memref<1x128xi32, #tpu.memory_space<vmem>> -> memref<128xi32, #tpu.memory_space<vmem>>
    %dma_wait3A_236 = arith.constant 0 : i32
    %dma_wait3A_237 = tpu.memref_slice %arg4[%dma_wait3A_236] : memref<17825808xf32, #tpu.memory_space<hbm>> -> memref<17825808xf32, #tpu.memory_space<hbm>>
    tpu.wait_indirect_dma semaphore(%arg13 : memref<!tpu.dma_semaphore, #tpu.memory_space<semaphore_mem>>) src(%dma_wait3A_237 : memref<17825808xf32, #tpu.memory_space<hbm>>) dst(%dma_wait3A_232 : memref<128xf32, #tpu.memory_space<vmem>>)
    %dma_wait3A_238 = arith.constant 10 : i32
    %dma_wait3A_239 = arith.constant 10 : i32
    %dma_wait3A_240 = arith.constant 0 : i32
    %dma_wait3A_241 = tpu.memref_slice %arg10[%dma_wait3A_239, %dma_wait3A_240] : memref<13x128xf32, #tpu.memory_space<vmem>> -> memref<1x128xf32, #tpu.memory_space<vmem>>
    %dma_wait3A_242 = tpu.memref_squeeze %dma_wait3A_241 : memref<1x128xf32, #tpu.memory_space<vmem>> -> memref<128xf32, #tpu.memory_space<vmem>>
    %dma_wait3A_243 = arith.constant 0 : i32
    %dma_wait3A_244 = tpu.memref_slice %arg9[%dma_wait3A_238, %dma_wait3A_243] : memref<13x128xi32, #tpu.memory_space<vmem>> -> memref<1x128xi32, #tpu.memory_space<vmem>>
    %dma_wait3A_245 = tpu.memref_squeeze %dma_wait3A_244 : memref<1x128xi32, #tpu.memory_space<vmem>> -> memref<128xi32, #tpu.memory_space<vmem>>
    %dma_wait3A_246 = arith.constant 0 : i32
    %dma_wait3A_247 = tpu.memref_slice %arg4[%dma_wait3A_246] : memref<17825808xf32, #tpu.memory_space<hbm>> -> memref<17825808xf32, #tpu.memory_space<hbm>>
    tpu.wait_indirect_dma semaphore(%arg12 : memref<!tpu.dma_semaphore, #tpu.memory_space<semaphore_mem>>) src(%dma_wait3A_247 : memref<17825808xf32, #tpu.memory_space<hbm>>) dst(%dma_wait3A_242 : memref<128xf32, #tpu.memory_space<vmem>>)
    %dma_wait3A_248 = arith.constant 11 : i32
    %dma_wait3A_249 = arith.constant 11 : i32
    %dma_wait3A_250 = arith.constant 0 : i32
    %dma_wait3A_251 = tpu.memref_slice %arg10[%dma_wait3A_249, %dma_wait3A_250] : memref<13x128xf32, #tpu.memory_space<vmem>> -> memref<1x128xf32, #tpu.memory_space<vmem>>
    %dma_wait3A_252 = tpu.memref_squeeze %dma_wait3A_251 : memref<1x128xf32, #tpu.memory_space<vmem>> -> memref<128xf32, #tpu.memory_space<vmem>>
    %dma_wait3A_253 = arith.constant 0 : i32
    %dma_wait3A_254 = tpu.memref_slice %arg9[%dma_wait3A_248, %dma_wait3A_253] : memref<13x128xi32, #tpu.memory_space<vmem>> -> memref<1x128xi32, #tpu.memory_space<vmem>>
    %dma_wait3A_255 = tpu.memref_squeeze %dma_wait3A_254 : memref<1x128xi32, #tpu.memory_space<vmem>> -> memref<128xi32, #tpu.memory_space<vmem>>
    %dma_wait3A_256 = arith.constant 0 : i32
    %dma_wait3A_257 = tpu.memref_slice %arg4[%dma_wait3A_256] : memref<17825808xf32, #tpu.memory_space<hbm>> -> memref<17825808xf32, #tpu.memory_space<hbm>>
    tpu.wait_indirect_dma semaphore(%arg13 : memref<!tpu.dma_semaphore, #tpu.memory_space<semaphore_mem>>) src(%dma_wait3A_257 : memref<17825808xf32, #tpu.memory_space<hbm>>) dst(%dma_wait3A_252 : memref<128xf32, #tpu.memory_space<vmem>>)
    %dma_wait3A_258 = arith.constant 12 : i32
    %dma_wait3A_259 = arith.constant 12 : i32
    %dma_wait3A_260 = arith.constant 0 : i32
    %dma_wait3A_261 = tpu.memref_slice %arg10[%dma_wait3A_259, %dma_wait3A_260] : memref<13x128xf32, #tpu.memory_space<vmem>> -> memref<1x128xf32, #tpu.memory_space<vmem>>
    %dma_wait3A_262 = tpu.memref_squeeze %dma_wait3A_261 : memref<1x128xf32, #tpu.memory_space<vmem>> -> memref<128xf32, #tpu.memory_space<vmem>>
    %dma_wait3A_263 = arith.constant 0 : i32
    %dma_wait3A_264 = tpu.memref_slice %arg9[%dma_wait3A_258, %dma_wait3A_263] : memref<13x128xi32, #tpu.memory_space<vmem>> -> memref<1x128xi32, #tpu.memory_space<vmem>>
    %dma_wait3A_265 = tpu.memref_squeeze %dma_wait3A_264 : memref<1x128xi32, #tpu.memory_space<vmem>> -> memref<128xi32, #tpu.memory_space<vmem>>
    %dma_wait3A_266 = arith.constant 0 : i32
    %dma_wait3A_267 = tpu.memref_slice %arg4[%dma_wait3A_266] : memref<17825808xf32, #tpu.memory_space<hbm>> -> memref<17825808xf32, #tpu.memory_space<hbm>>
    tpu.wait_indirect_dma semaphore(%arg12 : memref<!tpu.dma_semaphore, #tpu.memory_space<semaphore_mem>>) src(%dma_wait3A_267 : memref<17825808xf32, #tpu.memory_space<hbm>>) dst(%dma_wait3A_262 : memref<128xf32, #tpu.memory_space<vmem>>)
    %broadcast_in_dim3A = arith.constant 0.000000e+00 : f32
    %broadcast_in_dim3A_268 = vector.broadcast %broadcast_in_dim3A : f32 to vector<16xf32>
    %scan3A_269 = arith.constant 0 : i32
    %scan3A_270 = arith.constant 13 : i32
    %scan3A_271 = arith.addi %scan3A_269, %scan3A_270 : i32
    %scan3A_272 = arith.constant 1 : i32
    %scan3A_273 = scf.for %scan3A_278 = %scan3A_269 to %scan3A_271 step %scan3A_272 iter_args(%scan3A_279 = %broadcast_in_dim3A_268) -> (vector<16xf32>)  : i32 {
      %get3A = arith.index_cast %scan3A_278 : i32 to index
      %get3A_280 = arith.constant 0 : index
      %get3A_281 = tpu.vector_load %arg10[%get3A, %get3A_280] {strides = array<i32>} : memref<13x128xf32, #tpu.memory_space<vmem>>, vector<1x16xf32>,
      %get3A_282 = vector.shape_cast %get3A_281 : vector<1x16xf32> to vector<16xf32>
      %add3A_283 = arith.addf %scan3A_279, %get3A_282 : vector<16xf32>
      %get3A_284 = arith.index_cast %scan3A_278 : i32 to index
      %get3A_285 = arith.constant 16 : index
      %get3A_286 = tpu.vector_load %arg10[%get3A_284, %get3A_285] {strides = array<i32>} : memref<13x128xf32, #tpu.memory_space<vmem>>, vector<1x16xf32>,
      %get3A_287 = vector.shape_cast %get3A_286 : vector<1x16xf32> to vector<16xf32>
      %add3A_288 = arith.addf %add3A_283, %get3A_287 : vector<16xf32>
      %get3A_289 = arith.index_cast %scan3A_278 : i32 to index
      %get3A_290 = arith.constant 32 : index
      %get3A_291 = tpu.vector_load %arg10[%get3A_289, %get3A_290] {strides = array<i32>} : memref<13x128xf32, #tpu.memory_space<vmem>>, vector<1x16xf32>,
      %get3A_292 = vector.shape_cast %get3A_291 : vector<1x16xf32> to vector<16xf32>
      %add3A_293 = arith.addf %add3A_288, %get3A_292 : vector<16xf32>
      %get3A_294 = arith.index_cast %scan3A_278 : i32 to index
      %get3A_295 = arith.constant 48 : index
      %get3A_296 = tpu.vector_load %arg10[%get3A_294, %get3A_295] {strides = array<i32>} : memref<13x128xf32, #tpu.memory_space<vmem>>, vector<1x16xf32>,
      %get3A_297 = vector.shape_cast %get3A_296 : vector<1x16xf32> to vector<16xf32>
      %add3A_298 = arith.addf %add3A_293, %get3A_297 : vector<16xf32>
      %get3A_299 = arith.index_cast %scan3A_278 : i32 to index
      %get3A_300 = arith.constant 64 : index
      %get3A_301 = tpu.vector_load %arg10[%get3A_299, %get3A_300] {strides = array<i32>} : memref<13x128xf32, #tpu.memory_space<vmem>>, vector<1x16xf32>,
      %get3A_302 = vector.shape_cast %get3A_301 : vector<1x16xf32> to vector<16xf32>
      %add3A_303 = arith.addf %add3A_298, %get3A_302 : vector<16xf32>
      %get3A_304 = arith.index_cast %scan3A_278 : i32 to index
      %get3A_305 = arith.constant 80 : index
      %get3A_306 = tpu.vector_load %arg10[%get3A_304, %get3A_305] {strides = array<i32>} : memref<13x128xf32, #tpu.memory_space<vmem>>, vector<1x16xf32>,
      %get3A_307 = vector.shape_cast %get3A_306 : vector<1x16xf32> to vector<16xf32>
      %add3A_308 = arith.addf %add3A_303, %get3A_307 : vector<16xf32>
      %get3A_309 = arith.index_cast %scan3A_278 : i32 to index
      %get3A_310 = arith.constant 96 : index
      %get3A_311 = tpu.vector_load %arg10[%get3A_309, %get3A_310] {strides = array<i32>} : memref<13x128xf32, #tpu.memory_space<vmem>>, vector<1x16xf32>,
      %get3A_312 = vector.shape_cast %get3A_311 : vector<1x16xf32> to vector<16xf32>
      %add3A_313 = arith.addf %add3A_308, %get3A_312 : vector<16xf32>
      %get3A_314 = arith.index_cast %scan3A_278 : i32 to index
      %get3A_315 = arith.constant 112 : index
      %get3A_316 = tpu.vector_load %arg10[%get3A_314, %get3A_315] {strides = array<i32>} : memref<13x128xf32, #tpu.memory_space<vmem>>, vector<1x16xf32>,
      %get3A_317 = vector.shape_cast %get3A_316 : vector<1x16xf32> to vector<16xf32>
      %add3A_318 = arith.addf %add3A_313, %get3A_317 : vector<16xf32>
      scf.yield %add3A_318 : vector<16xf32>
    }
    %scan3A_274 = arith.constant 13 : i32
    %swap3A = arith.constant 0 : index
    %swap3A_275 = tpu.vector_load %arg11[%swap3A] {strides = array<i32>} : memref<16xf32, #tpu.memory_space<vmem>>, vector<16xf32>,
    %swap3A_276 = vector.shape_cast %swap3A_275 : vector<16xf32> to vector<16xf32>
    %swap3A_277 = vector.shape_cast %scan3A_273 : vector<16xf32> to vector<16xf32>
    tpu.vector_store %arg11[%swap3A], %swap3A_277 {strides = array<i32>} : memref<16xf32, #tpu.memory_space<vmem>>, vector<16xf32>,
    "tpu.region"() ({
      %run_scoped3A = tpu.sem_alloc : memref<!tpu.dma_semaphore, #tpu.memory_space<semaphore_mem>>
      %dma_start3A_278 = arith.constant 0 : i32
      %dma_start3A_279 = tpu.memref_slice %arg5[%add3A, %dma_start3A_278] : memref<32x16xf32, #tpu.memory_space<hbm>> -> memref<1x16xf32, #tpu.memory_space<hbm>>
      %dma_start3A_280 = tpu.memref_squeeze %dma_start3A_279 : memref<1x16xf32, #tpu.memory_space<hbm>> -> memref<16xf32, #tpu.memory_space<hbm>>
      %dma_start3A_281 = arith.constant 0 : i32
      %dma_start3A_282 = tpu.memref_slice %arg5[%add3A, %dma_start3A_281] : memref<32x16xf32, #tpu.memory_space<hbm>> -> memref<1x16xf32, #tpu.memory_space<hbm>>
      %dma_start3A_283 = tpu.memref_squeeze %dma_start3A_282 : memref<1x16xf32, #tpu.memory_space<hbm>> -> memref<16xf32, #tpu.memory_space<hbm>>
      tpu.enqueue_dma source(%arg11 : memref<16xf32, #tpu.memory_space<vmem>>) target(%dma_start3A_283 : memref<16xf32, #tpu.memory_space<hbm>>) target_semaphore(%run_scoped3A : memref<!tpu.dma_semaphore, #tpu.memory_space<semaphore_mem>>)
      %dma_wait3A_284 = arith.constant 0 : i32
      %dma_wait3A_285 = tpu.memref_slice %arg5[%add3A, %dma_wait3A_284] : memref<32x16xf32, #tpu.memory_space<hbm>> -> memref<1x16xf32, #tpu.memory_space<hbm>>
      %dma_wait3A_286 = tpu.memref_squeeze %dma_wait3A_285 : memref<1x16xf32, #tpu.memory_space<hbm>> -> memref<16xf32, #tpu.memory_space<hbm>>
      %dma_wait3A_287 = arith.constant 0 : i32
      %dma_wait3A_288 = tpu.memref_slice %arg5[%add3A, %dma_wait3A_287] : memref<32x16xf32, #tpu.memory_space<hbm>> -> memref<1x16xf32, #tpu.memory_space<hbm>>
      %dma_wait3A_289 = tpu.memref_squeeze %dma_wait3A_288 : memref<1x16xf32, #tpu.memory_space<hbm>> -> memref<16xf32, #tpu.memory_space<hbm>>
      tpu.wait_dma2 semaphore(%run_scoped3A : memref<!tpu.dma_semaphore, #tpu.memory_space<semaphore_mem>>) src(%arg11 : memref<16xf32, #tpu.memory_space<vmem>>) dst(%dma_wait3A_289 : memref<16xf32, #tpu.memory_space<hbm>>)
      tpu.yield
    }) : () -> ()
    return
  }
}

module attributes {stable_mosaic.version = 14 : i64} {
  func.func @_tc_body(%arg0: memref<8x50176xf32, #tpu.memory_space<vmem>>, %arg1: memref<8x50176xf32, #tpu.memory_space<vmem>>, %arg2: memref<8x30208xf32, #tpu.memory_space<vmem>>, %arg3: memref<4x4xf32, #tpu.memory_space<smem>>, %arg4: memref<4x4xf32, #tpu.memory_space<smem>>, %arg5: memref<4x4xf32, #tpu.memory_space<smem>>, %arg6: memref<4x4xf32, #tpu.memory_space<smem>>, %arg7: memref<8x128xf32, #tpu.memory_space<vmem>>) attributes {dimension_semantics = [], scalar_prefetch = 0 : i64, scratch_operands = 0 : i64, tpu.core_type = #tpu.core_type<tc>} {
    %get3A = arith.constant 0 : index
    %get3A_0 = arith.constant 0 : index
    %get3A_1 = memref.load %arg3[%get3A, %get3A_0] : memref<4x4xf32, #tpu.memory_space<smem>>
    %get3A_2 = arith.constant 0 : index
    %get3A_3 = arith.constant 1 : index
    %get3A_4 = memref.load %arg3[%get3A_2, %get3A_3] : memref<4x4xf32, #tpu.memory_space<smem>>
    %get3A_5 = arith.constant 0 : index
    %get3A_6 = arith.constant 2 : index
    %get3A_7 = memref.load %arg3[%get3A_5, %get3A_6] : memref<4x4xf32, #tpu.memory_space<smem>>
    %get3A_8 = arith.constant 0 : index
    %get3A_9 = arith.constant 3 : index
    %get3A_10 = memref.load %arg3[%get3A_8, %get3A_9] : memref<4x4xf32, #tpu.memory_space<smem>>
    %get3A_11 = arith.constant 1 : index
    %get3A_12 = arith.constant 0 : index
    %get3A_13 = memref.load %arg3[%get3A_11, %get3A_12] : memref<4x4xf32, #tpu.memory_space<smem>>
    %get3A_14 = arith.constant 1 : index
    %get3A_15 = arith.constant 1 : index
    %get3A_16 = memref.load %arg3[%get3A_14, %get3A_15] : memref<4x4xf32, #tpu.memory_space<smem>>
    %get3A_17 = arith.constant 1 : index
    %get3A_18 = arith.constant 2 : index
    %get3A_19 = memref.load %arg3[%get3A_17, %get3A_18] : memref<4x4xf32, #tpu.memory_space<smem>>
    %get3A_20 = arith.constant 1 : index
    %get3A_21 = arith.constant 3 : index
    %get3A_22 = memref.load %arg3[%get3A_20, %get3A_21] : memref<4x4xf32, #tpu.memory_space<smem>>
    %get3A_23 = arith.constant 2 : index
    %get3A_24 = arith.constant 0 : index
    %get3A_25 = memref.load %arg3[%get3A_23, %get3A_24] : memref<4x4xf32, #tpu.memory_space<smem>>
    %get3A_26 = arith.constant 2 : index
    %get3A_27 = arith.constant 1 : index
    %get3A_28 = memref.load %arg3[%get3A_26, %get3A_27] : memref<4x4xf32, #tpu.memory_space<smem>>
    %get3A_29 = arith.constant 2 : index
    %get3A_30 = arith.constant 2 : index
    %get3A_31 = memref.load %arg3[%get3A_29, %get3A_30] : memref<4x4xf32, #tpu.memory_space<smem>>
    %get3A_32 = arith.constant 2 : index
    %get3A_33 = arith.constant 3 : index
    %get3A_34 = memref.load %arg3[%get3A_32, %get3A_33] : memref<4x4xf32, #tpu.memory_space<smem>>
    %get3A_35 = arith.constant 0 : index
    %get3A_36 = arith.constant 0 : index
    %get3A_37 = memref.load %arg4[%get3A_35, %get3A_36] : memref<4x4xf32, #tpu.memory_space<smem>>
    %get3A_38 = arith.constant 0 : index
    %get3A_39 = arith.constant 1 : index
    %get3A_40 = memref.load %arg4[%get3A_38, %get3A_39] : memref<4x4xf32, #tpu.memory_space<smem>>
    %get3A_41 = arith.constant 0 : index
    %get3A_42 = arith.constant 2 : index
    %get3A_43 = memref.load %arg4[%get3A_41, %get3A_42] : memref<4x4xf32, #tpu.memory_space<smem>>
    %get3A_44 = arith.constant 0 : index
    %get3A_45 = arith.constant 3 : index
    %get3A_46 = memref.load %arg4[%get3A_44, %get3A_45] : memref<4x4xf32, #tpu.memory_space<smem>>
    %get3A_47 = arith.constant 1 : index
    %get3A_48 = arith.constant 0 : index
    %get3A_49 = memref.load %arg4[%get3A_47, %get3A_48] : memref<4x4xf32, #tpu.memory_space<smem>>
    %get3A_50 = arith.constant 1 : index
    %get3A_51 = arith.constant 1 : index
    %get3A_52 = memref.load %arg4[%get3A_50, %get3A_51] : memref<4x4xf32, #tpu.memory_space<smem>>
    %get3A_53 = arith.constant 1 : index
    %get3A_54 = arith.constant 2 : index
    %get3A_55 = memref.load %arg4[%get3A_53, %get3A_54] : memref<4x4xf32, #tpu.memory_space<smem>>
    %get3A_56 = arith.constant 1 : index
    %get3A_57 = arith.constant 3 : index
    %get3A_58 = memref.load %arg4[%get3A_56, %get3A_57] : memref<4x4xf32, #tpu.memory_space<smem>>
    %get3A_59 = arith.constant 2 : index
    %get3A_60 = arith.constant 0 : index
    %get3A_61 = memref.load %arg4[%get3A_59, %get3A_60] : memref<4x4xf32, #tpu.memory_space<smem>>
    %get3A_62 = arith.constant 2 : index
    %get3A_63 = arith.constant 1 : index
    %get3A_64 = memref.load %arg4[%get3A_62, %get3A_63] : memref<4x4xf32, #tpu.memory_space<smem>>
    %get3A_65 = arith.constant 2 : index
    %get3A_66 = arith.constant 2 : index
    %get3A_67 = memref.load %arg4[%get3A_65, %get3A_66] : memref<4x4xf32, #tpu.memory_space<smem>>
    %get3A_68 = arith.constant 2 : index
    %get3A_69 = arith.constant 3 : index
    %get3A_70 = memref.load %arg4[%get3A_68, %get3A_69] : memref<4x4xf32, #tpu.memory_space<smem>>
    %get3A_71 = arith.constant 0 : index
    %get3A_72 = arith.constant 0 : index
    %get3A_73 = vector.load %arg1[%get3A_71, %get3A_72] : memref<8x50176xf32, #tpu.memory_space<vmem>>, vector<1x50176xf32>
    %get3A_74 = arith.constant 1 : index
    %get3A_75 = arith.constant 0 : index
    %get3A_76 = vector.load %arg1[%get3A_74, %get3A_75] : memref<8x50176xf32, #tpu.memory_space<vmem>>, vector<1x50176xf32>
    %get3A_77 = arith.constant 2 : index
    %get3A_78 = arith.constant 0 : index
    %get3A_79 = vector.load %arg1[%get3A_77, %get3A_78] : memref<8x50176xf32, #tpu.memory_space<vmem>>, vector<1x50176xf32>
    %mul3A = vector.broadcast %get3A_1 : f32 to vector<1x50176xf32>
    %mul3A_80 = arith.mulf %mul3A, %get3A_73 : vector<1x50176xf32>
    %mul3A_81 = vector.broadcast %get3A_4 : f32 to vector<1x50176xf32>
    %mul3A_82 = arith.mulf %mul3A_81, %get3A_76 : vector<1x50176xf32>
    %add3A = arith.addf %mul3A_80, %mul3A_82 : vector<1x50176xf32>
    %mul3A_83 = vector.broadcast %get3A_7 : f32 to vector<1x50176xf32>
    %mul3A_84 = arith.mulf %mul3A_83, %get3A_79 : vector<1x50176xf32>
    %add3A_85 = arith.addf %add3A, %mul3A_84 : vector<1x50176xf32>
    %add3A_86 = vector.broadcast %get3A_10 : f32 to vector<1x50176xf32>
    %add3A_87 = arith.addf %add3A_85, %add3A_86 : vector<1x50176xf32>
    %mul3A_88 = vector.broadcast %get3A_13 : f32 to vector<1x50176xf32>
    %mul3A_89 = arith.mulf %mul3A_88, %get3A_73 : vector<1x50176xf32>
    %mul3A_90 = vector.broadcast %get3A_16 : f32 to vector<1x50176xf32>
    %mul3A_91 = arith.mulf %mul3A_90, %get3A_76 : vector<1x50176xf32>
    %add3A_92 = arith.addf %mul3A_89, %mul3A_91 : vector<1x50176xf32>
    %mul3A_93 = vector.broadcast %get3A_19 : f32 to vector<1x50176xf32>
    %mul3A_94 = arith.mulf %mul3A_93, %get3A_79 : vector<1x50176xf32>
    %add3A_95 = arith.addf %add3A_92, %mul3A_94 : vector<1x50176xf32>
    %add3A_96 = vector.broadcast %get3A_22 : f32 to vector<1x50176xf32>
    %add3A_97 = arith.addf %add3A_95, %add3A_96 : vector<1x50176xf32>
    %mul3A_98 = vector.broadcast %get3A_25 : f32 to vector<1x50176xf32>
    %mul3A_99 = arith.mulf %mul3A_98, %get3A_73 : vector<1x50176xf32>
    %mul3A_100 = vector.broadcast %get3A_28 : f32 to vector<1x50176xf32>
    %mul3A_101 = arith.mulf %mul3A_100, %get3A_76 : vector<1x50176xf32>
    %add3A_102 = arith.addf %mul3A_99, %mul3A_101 : vector<1x50176xf32>
    %mul3A_103 = vector.broadcast %get3A_31 : f32 to vector<1x50176xf32>
    %mul3A_104 = arith.mulf %mul3A_103, %get3A_79 : vector<1x50176xf32>
    %add3A_105 = arith.addf %add3A_102, %mul3A_104 : vector<1x50176xf32>
    %add3A_106 = vector.broadcast %get3A_34 : f32 to vector<1x50176xf32>
    %add3A_107 = arith.addf %add3A_105, %add3A_106 : vector<1x50176xf32>
    %get3A_108 = arith.constant 0 : index
    %get3A_109 = arith.constant 0 : index
    %get3A_110 = vector.load %arg0[%get3A_108, %get3A_109] : memref<8x50176xf32, #tpu.memory_space<vmem>>, vector<1x50176xf32>
    %sub3A = arith.subf %get3A_110, %add3A_87 : vector<1x50176xf32>
    %get3A_111 = arith.constant 1 : index
    %get3A_112 = arith.constant 0 : index
    %get3A_113 = vector.load %arg0[%get3A_111, %get3A_112] : memref<8x50176xf32, #tpu.memory_space<vmem>>, vector<1x50176xf32>
    %sub3A_114 = arith.subf %get3A_113, %add3A_97 : vector<1x50176xf32>
    %get3A_115 = arith.constant 2 : index
    %get3A_116 = arith.constant 0 : index
    %get3A_117 = vector.load %arg0[%get3A_115, %get3A_116] : memref<8x50176xf32, #tpu.memory_space<vmem>>, vector<1x50176xf32>
    %sub3A_118 = arith.subf %get3A_117, %add3A_107 : vector<1x50176xf32>
    %mul3A_119 = arith.mulf %sub3A, %sub3A : vector<1x50176xf32>
    %mul3A_120 = arith.mulf %sub3A_114, %sub3A_114 : vector<1x50176xf32>
    %add3A_121 = arith.addf %mul3A_119, %mul3A_120 : vector<1x50176xf32>
    %mul3A_122 = arith.mulf %sub3A_118, %sub3A_118 : vector<1x50176xf32>
    %add3A_123 = arith.addf %add3A_121, %mul3A_122 : vector<1x50176xf32>
    %sqrt3A = math.sqrt %add3A_123 : vector<1x50176xf32>
    %iota3A = tpu.iota {dimensions = array<i32: 1>} : vector<1x50176xi32>
    %lt3A = arith.constant 1.000000e-01 : f32
    %lt3A_124 = vector.broadcast %lt3A : f32 to vector<1x50176xf32>
    %lt3A_125 = arith.cmpf olt, %sqrt3A, %lt3A_124 : vector<1x50176xf32>
    %lt3A_126 = arith.constant 50000 : i32
    %lt3A_127 = vector.broadcast %lt3A_126 : i32 to vector<1x50176xi32>
    %lt3A_128 = arith.cmpi slt, %iota3A, %lt3A_127 : vector<1x50176xi32>
    %and3A = arith.andi %lt3A_125, %lt3A_128 : vector<1x50176xi1>
    %jit3A = arith.constant 1.000000e+00 : f32
    %jit3A_129 = arith.constant 0.000000e+00 : f32
    %broadcast_in_dim3A = vector.broadcast %jit3A : f32 to vector<1x50176xf32>
    %broadcast_in_dim3A_130 = vector.broadcast %jit3A_129 : f32 to vector<1x50176xf32>
    %select_n3A = arith.select %and3A, %broadcast_in_dim3A, %broadcast_in_dim3A_130 : vector<1x50176xi1>, vector<1x50176xf32>
    %reduce_sum3A = vector.shape_cast %select_n3A : vector<1x50176xf32> to vector<1x1x50176xf32>
    %reduce_sum3A_131 = arith.constant dense<0.000000e+00> : vector<1xf32>
    %reduce_sum3A_132 = vector.multi_reduction <add>, %reduce_sum3A, %reduce_sum3A_131 [1, 2] : vector<1x1x50176xf32> to vector<1xf32>
    %reduce_sum3A_133 = vector.shape_cast %reduce_sum3A_132 : vector<1xf32> to vector<1x1x1xf32>
    %reduce_sum3A_134 = vector.extract %reduce_sum3A_133[0, 0, 0] : f32 from vector<1x1x1xf32>
    %mul3A_135 = arith.constant 2.000000e-05 : f32
    %mul3A_136 = arith.mulf %reduce_sum3A_134, %mul3A_135 : f32
    %get3A_137 = arith.constant 0 : index
    %get3A_138 = arith.constant 0 : index
    %get3A_139 = memref.load %arg5[%get3A_137, %get3A_138] : memref<4x4xf32, #tpu.memory_space<smem>>
    %get3A_140 = arith.constant 0 : index
    %get3A_141 = arith.constant 1 : index
    %get3A_142 = memref.load %arg5[%get3A_140, %get3A_141] : memref<4x4xf32, #tpu.memory_space<smem>>
    %get3A_143 = arith.constant 0 : index
    %get3A_144 = arith.constant 2 : index
    %get3A_145 = memref.load %arg5[%get3A_143, %get3A_144] : memref<4x4xf32, #tpu.memory_space<smem>>
    %get3A_146 = arith.constant 1 : index
    %get3A_147 = arith.constant 0 : index
    %get3A_148 = memref.load %arg5[%get3A_146, %get3A_147] : memref<4x4xf32, #tpu.memory_space<smem>>
    %get3A_149 = arith.constant 1 : index
    %get3A_150 = arith.constant 1 : index
    %get3A_151 = memref.load %arg5[%get3A_149, %get3A_150] : memref<4x4xf32, #tpu.memory_space<smem>>
    %get3A_152 = arith.constant 1 : index
    %get3A_153 = arith.constant 2 : index
    %get3A_154 = memref.load %arg5[%get3A_152, %get3A_153] : memref<4x4xf32, #tpu.memory_space<smem>>
    %get3A_155 = arith.constant 2 : index
    %get3A_156 = arith.constant 0 : index
    %get3A_157 = memref.load %arg5[%get3A_155, %get3A_156] : memref<4x4xf32, #tpu.memory_space<smem>>
    %get3A_158 = arith.constant 2 : index
    %get3A_159 = arith.constant 1 : index
    %get3A_160 = memref.load %arg5[%get3A_158, %get3A_159] : memref<4x4xf32, #tpu.memory_space<smem>>
    %get3A_161 = arith.constant 2 : index
    %get3A_162 = arith.constant 2 : index
    %get3A_163 = memref.load %arg5[%get3A_161, %get3A_162] : memref<4x4xf32, #tpu.memory_space<smem>>
    %get3A_164 = arith.constant 0 : index
    %get3A_165 = arith.constant 0 : index
    %get3A_166 = memref.load %arg6[%get3A_164, %get3A_165] : memref<4x4xf32, #tpu.memory_space<smem>>
    %get3A_167 = arith.constant 0 : index
    %get3A_168 = arith.constant 1 : index
    %get3A_169 = memref.load %arg6[%get3A_167, %get3A_168] : memref<4x4xf32, #tpu.memory_space<smem>>
    %get3A_170 = arith.constant 0 : index
    %get3A_171 = arith.constant 2 : index
    %get3A_172 = memref.load %arg6[%get3A_170, %get3A_171] : memref<4x4xf32, #tpu.memory_space<smem>>
    %get3A_173 = arith.constant 1 : index
    %get3A_174 = arith.constant 0 : index
    %get3A_175 = memref.load %arg6[%get3A_173, %get3A_174] : memref<4x4xf32, #tpu.memory_space<smem>>
    %get3A_176 = arith.constant 1 : index
    %get3A_177 = arith.constant 1 : index
    %get3A_178 = memref.load %arg6[%get3A_176, %get3A_177] : memref<4x4xf32, #tpu.memory_space<smem>>
    %get3A_179 = arith.constant 1 : index
    %get3A_180 = arith.constant 2 : index
    %get3A_181 = memref.load %arg6[%get3A_179, %get3A_180] : memref<4x4xf32, #tpu.memory_space<smem>>
    %get3A_182 = arith.constant 2 : index
    %get3A_183 = arith.constant 0 : index
    %get3A_184 = memref.load %arg6[%get3A_182, %get3A_183] : memref<4x4xf32, #tpu.memory_space<smem>>
    %get3A_185 = arith.constant 2 : index
    %get3A_186 = arith.constant 1 : index
    %get3A_187 = memref.load %arg6[%get3A_185, %get3A_186] : memref<4x4xf32, #tpu.memory_space<smem>>
    %get3A_188 = arith.constant 2 : index
    %get3A_189 = arith.constant 2 : index
    %get3A_190 = memref.load %arg6[%get3A_188, %get3A_189] : memref<4x4xf32, #tpu.memory_space<smem>>
    %mul3A_191 = arith.mulf %get3A_139, %get3A_166 : f32
    %add3A_192 = arith.constant 0.000000e+00 : f32
    %add3A_193 = arith.addf %add3A_192, %mul3A_191 : f32
    %mul3A_194 = arith.mulf %get3A_142, %get3A_169 : f32
    %add3A_195 = arith.addf %add3A_193, %mul3A_194 : f32
    %mul3A_196 = arith.mulf %get3A_145, %get3A_172 : f32
    %add3A_197 = arith.addf %add3A_195, %mul3A_196 : f32
    %mul3A_198 = arith.mulf %get3A_148, %get3A_175 : f32
    %add3A_199 = arith.addf %add3A_197, %mul3A_198 : f32
    %mul3A_200 = arith.mulf %get3A_151, %get3A_178 : f32
    %add3A_201 = arith.addf %add3A_199, %mul3A_200 : f32
    %mul3A_202 = arith.mulf %get3A_154, %get3A_181 : f32
    %add3A_203 = arith.addf %add3A_201, %mul3A_202 : f32
    %mul3A_204 = arith.mulf %get3A_157, %get3A_184 : f32
    %add3A_205 = arith.addf %add3A_203, %mul3A_204 : f32
    %mul3A_206 = arith.mulf %get3A_160, %get3A_187 : f32
    %add3A_207 = arith.addf %add3A_205, %mul3A_206 : f32
    %mul3A_208 = arith.mulf %get3A_163, %get3A_190 : f32
    %add3A_209 = arith.addf %add3A_207, %mul3A_208 : f32
    %sub3A_210 = arith.constant 1.000000e+00 : f32
    %sub3A_211 = arith.subf %add3A_209, %sub3A_210 : f32
    %mul3A_212 = arith.constant 5.000000e-01 : f32
    %mul3A_213 = arith.mulf %mul3A_212, %sub3A_211 : f32
    %jit3A_214 = arith.constant -0.99999988 : f32
    %jit3A_215 = arith.constant 0.99999988 : f32
    %max3A = arith.maximumf %jit3A_214, %mul3A_213 : f32
    %min3A = arith.minimumf %jit3A_215, %max3A : f32
    %broadcast_in_dim3A_216 = vector.broadcast %min3A : f32 to vector<8x128xf32>
    %abs3A = math.absf %broadcast_in_dim3A_216 : vector<8x128xf32>
    %mul3A_217 = arith.constant -0.0012624911 : f32
    %mul3A_218 = vector.broadcast %mul3A_217 : f32 to vector<8x128xf32>
    %mul3A_219 = arith.mulf %mul3A_218, %abs3A : vector<8x128xf32>
    %add3A_220 = arith.constant 6.670090e-03 : f32
    %add3A_221 = vector.broadcast %add3A_220 : f32 to vector<8x128xf32>
    %add3A_222 = arith.addf %mul3A_219, %add3A_221 : vector<8x128xf32>
    %mul3A_223 = arith.mulf %add3A_222, %abs3A : vector<8x128xf32>
    %sub3A_224 = arith.constant 0.0170881264 : f32
    %sub3A_225 = vector.broadcast %sub3A_224 : f32 to vector<8x128xf32>
    %sub3A_226 = arith.subf %mul3A_223, %sub3A_225 : vector<8x128xf32>
    %mul3A_227 = arith.mulf %sub3A_226, %abs3A : vector<8x128xf32>
    %add3A_228 = arith.constant 0.0308918804 : f32
    %add3A_229 = vector.broadcast %add3A_228 : f32 to vector<8x128xf32>
    %add3A_230 = arith.addf %mul3A_227, %add3A_229 : vector<8x128xf32>
    %mul3A_231 = arith.mulf %add3A_230, %abs3A : vector<8x128xf32>
    %sub3A_232 = arith.constant 0.0501743034 : f32
    %sub3A_233 = vector.broadcast %sub3A_232 : f32 to vector<8x128xf32>
    %sub3A_234 = arith.subf %mul3A_231, %sub3A_233 : vector<8x128xf32>
    %mul3A_235 = arith.mulf %sub3A_234, %abs3A : vector<8x128xf32>
    %add3A_236 = arith.constant 0.0889789909 : f32
    %add3A_237 = vector.broadcast %add3A_236 : f32 to vector<8x128xf32>
    %add3A_238 = arith.addf %mul3A_235, %add3A_237 : vector<8x128xf32>
    %mul3A_239 = arith.mulf %add3A_238, %abs3A : vector<8x128xf32>
    %sub3A_240 = arith.constant 0.214598805 : f32
    %sub3A_241 = vector.broadcast %sub3A_240 : f32 to vector<8x128xf32>
    %sub3A_242 = arith.subf %mul3A_239, %sub3A_241 : vector<8x128xf32>
    %mul3A_243 = arith.mulf %sub3A_242, %abs3A : vector<8x128xf32>
    %add3A_244 = arith.constant 1.57079625 : f32
    %add3A_245 = vector.broadcast %add3A_244 : f32 to vector<8x128xf32>
    %add3A_246 = arith.addf %mul3A_243, %add3A_245 : vector<8x128xf32>
    %sub3A_247 = arith.constant 1.000000e+00 : f32
    %sub3A_248 = vector.broadcast %sub3A_247 : f32 to vector<8x128xf32>
    %sub3A_249 = arith.subf %sub3A_248, %abs3A : vector<8x128xf32>
    %max3A_250 = arith.constant 0.000000e+00 : f32
    %max3A_251 = vector.broadcast %max3A_250 : f32 to vector<8x128xf32>
    %max3A_252 = arith.maximumf %sub3A_249, %max3A_251 : vector<8x128xf32>
    %sqrt3A_253 = math.sqrt %max3A_252 : vector<8x128xf32>
    %mul3A_254 = arith.mulf %sqrt3A_253, %add3A_246 : vector<8x128xf32>
    %lt3A_255 = arith.constant 0.000000e+00 : f32
    %lt3A_256 = vector.broadcast %lt3A_255 : f32 to vector<8x128xf32>
    %lt3A_257 = arith.cmpf olt, %broadcast_in_dim3A_216, %lt3A_256 : vector<8x128xf32>
    %sub3A_258 = arith.constant 3.14159274 : f32
    %sub3A_259 = vector.broadcast %sub3A_258 : f32 to vector<8x128xf32>
    %sub3A_260 = arith.subf %sub3A_259, %mul3A_254 : vector<8x128xf32>
    %select_n3A_261 = arith.select %lt3A_257, %sub3A_260, %mul3A_254 : vector<8x128xi1>, vector<8x128xf32>
    %mul3A_262 = arith.constant 57.2957802 : f32
    %mul3A_263 = vector.broadcast %mul3A_262 : f32 to vector<8x128xf32>
    %mul3A_264 = arith.mulf %select_n3A_261, %mul3A_263 : vector<8x128xf32>
    %sub3A_265 = arith.subf %get3A_10, %get3A_46 : f32
    %integer_pow3A = arith.mulf %sub3A_265, %sub3A_265 : f32
    %sub3A_266 = arith.subf %get3A_22, %get3A_58 : f32
    %integer_pow3A_267 = arith.mulf %sub3A_266, %sub3A_266 : f32
    %add3A_268 = arith.addf %integer_pow3A, %integer_pow3A_267 : f32
    %sub3A_269 = arith.subf %get3A_34, %get3A_70 : f32
    %integer_pow3A_270 = arith.mulf %sub3A_269, %sub3A_269 : f32
    %add3A_271 = arith.addf %add3A_268, %integer_pow3A_270 : f32
    %broadcast_in_dim3A_272 = vector.broadcast %add3A_271 : f32 to vector<8x128xf32>
    %sqrt3A_273 = math.sqrt %broadcast_in_dim3A_272 : vector<8x128xf32>
    %mul3A_274 = arith.mulf %get3A_1, %get3A_37 : f32
    %add3A_275 = arith.constant 0.000000e+00 : f32
    %add3A_276 = arith.addf %add3A_275, %mul3A_274 : f32
    %mul3A_277 = arith.mulf %get3A_13, %get3A_49 : f32
    %add3A_278 = arith.addf %add3A_276, %mul3A_277 : f32
    %mul3A_279 = arith.mulf %get3A_25, %get3A_61 : f32
    %add3A_280 = arith.addf %add3A_278, %mul3A_279 : f32
    %mul3A_281 = arith.mulf %get3A_1, %get3A_40 : f32
    %add3A_282 = arith.constant 0.000000e+00 : f32
    %add3A_283 = arith.addf %add3A_282, %mul3A_281 : f32
    %mul3A_284 = arith.mulf %get3A_13, %get3A_52 : f32
    %add3A_285 = arith.addf %add3A_283, %mul3A_284 : f32
    %mul3A_286 = arith.mulf %get3A_25, %get3A_64 : f32
    %add3A_287 = arith.addf %add3A_285, %mul3A_286 : f32
    %mul3A_288 = arith.mulf %get3A_1, %get3A_43 : f32
    %add3A_289 = arith.constant 0.000000e+00 : f32
    %add3A_290 = arith.addf %add3A_289, %mul3A_288 : f32
    %mul3A_291 = arith.mulf %get3A_13, %get3A_55 : f32
    %add3A_292 = arith.addf %add3A_290, %mul3A_291 : f32
    %mul3A_293 = arith.mulf %get3A_25, %get3A_67 : f32
    %add3A_294 = arith.addf %add3A_292, %mul3A_293 : f32
    %mul3A_295 = arith.mulf %get3A_4, %get3A_37 : f32
    %add3A_296 = arith.constant 0.000000e+00 : f32
    %add3A_297 = arith.addf %add3A_296, %mul3A_295 : f32
    %mul3A_298 = arith.mulf %get3A_16, %get3A_49 : f32
    %add3A_299 = arith.addf %add3A_297, %mul3A_298 : f32
    %mul3A_300 = arith.mulf %get3A_28, %get3A_61 : f32
    %add3A_301 = arith.addf %add3A_299, %mul3A_300 : f32
    %mul3A_302 = arith.mulf %get3A_4, %get3A_40 : f32
    %add3A_303 = arith.constant 0.000000e+00 : f32
    %add3A_304 = arith.addf %add3A_303, %mul3A_302 : f32
    %mul3A_305 = arith.mulf %get3A_16, %get3A_52 : f32
    %add3A_306 = arith.addf %add3A_304, %mul3A_305 : f32
    %mul3A_307 = arith.mulf %get3A_28, %get3A_64 : f32
    %add3A_308 = arith.addf %add3A_306, %mul3A_307 : f32
    %mul3A_309 = arith.mulf %get3A_4, %get3A_43 : f32
    %add3A_310 = arith.constant 0.000000e+00 : f32
    %add3A_311 = arith.addf %add3A_310, %mul3A_309 : f32
    %mul3A_312 = arith.mulf %get3A_16, %get3A_55 : f32
    %add3A_313 = arith.addf %add3A_311, %mul3A_312 : f32
    %mul3A_314 = arith.mulf %get3A_28, %get3A_67 : f32
    %add3A_315 = arith.addf %add3A_313, %mul3A_314 : f32
    %mul3A_316 = arith.mulf %get3A_7, %get3A_37 : f32
    %add3A_317 = arith.constant 0.000000e+00 : f32
    %add3A_318 = arith.addf %add3A_317, %mul3A_316 : f32
    %mul3A_319 = arith.mulf %get3A_19, %get3A_49 : f32
    %add3A_320 = arith.addf %add3A_318, %mul3A_319 : f32
    %mul3A_321 = arith.mulf %get3A_31, %get3A_61 : f32
    %add3A_322 = arith.addf %add3A_320, %mul3A_321 : f32
    %mul3A_323 = arith.mulf %get3A_7, %get3A_40 : f32
    %add3A_324 = arith.constant 0.000000e+00 : f32
    %add3A_325 = arith.addf %add3A_324, %mul3A_323 : f32
    %mul3A_326 = arith.mulf %get3A_19, %get3A_52 : f32
    %add3A_327 = arith.addf %add3A_325, %mul3A_326 : f32
    %mul3A_328 = arith.mulf %get3A_31, %get3A_64 : f32
    %add3A_329 = arith.addf %add3A_327, %mul3A_328 : f32
    %mul3A_330 = arith.mulf %get3A_7, %get3A_43 : f32
    %add3A_331 = arith.constant 0.000000e+00 : f32
    %add3A_332 = arith.addf %add3A_331, %mul3A_330 : f32
    %mul3A_333 = arith.mulf %get3A_19, %get3A_55 : f32
    %add3A_334 = arith.addf %add3A_332, %mul3A_333 : f32
    %mul3A_335 = arith.mulf %get3A_31, %get3A_67 : f32
    %add3A_336 = arith.addf %add3A_334, %mul3A_335 : f32
    %sub3A_337 = arith.subf %get3A_46, %get3A_10 : f32
    %mul3A_338 = arith.mulf %get3A_1, %sub3A_337 : f32
    %add3A_339 = arith.constant 0.000000e+00 : f32
    %add3A_340 = arith.addf %add3A_339, %mul3A_338 : f32
    %sub3A_341 = arith.subf %get3A_58, %get3A_22 : f32
    %mul3A_342 = arith.mulf %get3A_13, %sub3A_341 : f32
    %add3A_343 = arith.addf %add3A_340, %mul3A_342 : f32
    %sub3A_344 = arith.subf %get3A_70, %get3A_34 : f32
    %mul3A_345 = arith.mulf %get3A_25, %sub3A_344 : f32
    %add3A_346 = arith.addf %add3A_343, %mul3A_345 : f32
    %sub3A_347 = arith.subf %get3A_46, %get3A_10 : f32
    %mul3A_348 = arith.mulf %get3A_4, %sub3A_347 : f32
    %add3A_349 = arith.constant 0.000000e+00 : f32
    %add3A_350 = arith.addf %add3A_349, %mul3A_348 : f32
    %sub3A_351 = arith.subf %get3A_58, %get3A_22 : f32
    %mul3A_352 = arith.mulf %get3A_16, %sub3A_351 : f32
    %add3A_353 = arith.addf %add3A_350, %mul3A_352 : f32
    %sub3A_354 = arith.subf %get3A_70, %get3A_34 : f32
    %mul3A_355 = arith.mulf %get3A_28, %sub3A_354 : f32
    %add3A_356 = arith.addf %add3A_353, %mul3A_355 : f32
    %sub3A_357 = arith.subf %get3A_46, %get3A_10 : f32
    %mul3A_358 = arith.mulf %get3A_7, %sub3A_357 : f32
    %add3A_359 = arith.constant 0.000000e+00 : f32
    %add3A_360 = arith.addf %add3A_359, %mul3A_358 : f32
    %sub3A_361 = arith.subf %get3A_58, %get3A_22 : f32
    %mul3A_362 = arith.mulf %get3A_19, %sub3A_361 : f32
    %add3A_363 = arith.addf %add3A_360, %mul3A_362 : f32
    %sub3A_364 = arith.subf %get3A_70, %get3A_34 : f32
    %mul3A_365 = arith.mulf %get3A_31, %sub3A_364 : f32
    %add3A_366 = arith.addf %add3A_363, %mul3A_365 : f32
    %get3A_367 = arith.constant 0 : index
    %get3A_368 = arith.constant 0 : index
    %get3A_369 = vector.load %arg2[%get3A_367, %get3A_368] : memref<8x30208xf32, #tpu.memory_space<vmem>>, vector<1x30208xf32>
    %get3A_370 = arith.constant 1 : index
    %get3A_371 = arith.constant 0 : index
    %get3A_372 = vector.load %arg2[%get3A_370, %get3A_371] : memref<8x30208xf32, #tpu.memory_space<vmem>>, vector<1x30208xf32>
    %get3A_373 = arith.constant 2 : index
    %get3A_374 = arith.constant 0 : index
    %get3A_375 = vector.load %arg2[%get3A_373, %get3A_374] : memref<8x30208xf32, #tpu.memory_space<vmem>>, vector<1x30208xf32>
    %mul3A_376 = vector.broadcast %add3A_280 : f32 to vector<1x30208xf32>
    %mul3A_377 = arith.mulf %mul3A_376, %get3A_369 : vector<1x30208xf32>
    %mul3A_378 = vector.broadcast %add3A_287 : f32 to vector<1x30208xf32>
    %mul3A_379 = arith.mulf %mul3A_378, %get3A_372 : vector<1x30208xf32>
    %add3A_380 = arith.addf %mul3A_377, %mul3A_379 : vector<1x30208xf32>
    %mul3A_381 = vector.broadcast %add3A_294 : f32 to vector<1x30208xf32>
    %mul3A_382 = arith.mulf %mul3A_381, %get3A_375 : vector<1x30208xf32>
    %add3A_383 = arith.addf %add3A_380, %mul3A_382 : vector<1x30208xf32>
    %add3A_384 = vector.broadcast %add3A_346 : f32 to vector<1x30208xf32>
    %add3A_385 = arith.addf %add3A_383, %add3A_384 : vector<1x30208xf32>
    %sub3A_386 = arith.subf %add3A_385, %get3A_369 : vector<1x30208xf32>
    %mul3A_387 = vector.broadcast %add3A_301 : f32 to vector<1x30208xf32>
    %mul3A_388 = arith.mulf %mul3A_387, %get3A_369 : vector<1x30208xf32>
    %mul3A_389 = vector.broadcast %add3A_308 : f32 to vector<1x30208xf32>
    %mul3A_390 = arith.mulf %mul3A_389, %get3A_372 : vector<1x30208xf32>
    %add3A_391 = arith.addf %mul3A_388, %mul3A_390 : vector<1x30208xf32>
    %mul3A_392 = vector.broadcast %add3A_315 : f32 to vector<1x30208xf32>
    %mul3A_393 = arith.mulf %mul3A_392, %get3A_375 : vector<1x30208xf32>
    %add3A_394 = arith.addf %add3A_391, %mul3A_393 : vector<1x30208xf32>
    %add3A_395 = vector.broadcast %add3A_356 : f32 to vector<1x30208xf32>
    %add3A_396 = arith.addf %add3A_394, %add3A_395 : vector<1x30208xf32>
    %sub3A_397 = arith.subf %add3A_396, %get3A_372 : vector<1x30208xf32>
    %mul3A_398 = vector.broadcast %add3A_322 : f32 to vector<1x30208xf32>
    %mul3A_399 = arith.mulf %mul3A_398, %get3A_369 : vector<1x30208xf32>
    %mul3A_400 = vector.broadcast %add3A_329 : f32 to vector<1x30208xf32>
    %mul3A_401 = arith.mulf %mul3A_400, %get3A_372 : vector<1x30208xf32>
    %add3A_402 = arith.addf %mul3A_399, %mul3A_401 : vector<1x30208xf32>
    %mul3A_403 = vector.broadcast %add3A_336 : f32 to vector<1x30208xf32>
    %mul3A_404 = arith.mulf %mul3A_403, %get3A_375 : vector<1x30208xf32>
    %add3A_405 = arith.addf %add3A_402, %mul3A_404 : vector<1x30208xf32>
    %add3A_406 = vector.broadcast %add3A_366 : f32 to vector<1x30208xf32>
    %add3A_407 = arith.addf %add3A_405, %add3A_406 : vector<1x30208xf32>
    %sub3A_408 = arith.subf %add3A_407, %get3A_375 : vector<1x30208xf32>
    %mul3A_409 = arith.mulf %sub3A_386, %sub3A_386 : vector<1x30208xf32>
    %mul3A_410 = arith.mulf %sub3A_397, %sub3A_397 : vector<1x30208xf32>
    %add3A_411 = arith.addf %mul3A_409, %mul3A_410 : vector<1x30208xf32>
    %mul3A_412 = arith.mulf %sub3A_408, %sub3A_408 : vector<1x30208xf32>
    %add3A_413 = arith.addf %add3A_411, %mul3A_412 : vector<1x30208xf32>
    %sqrt3A_414 = math.sqrt %add3A_413 : vector<1x30208xf32>
    %iota3A_415 = tpu.iota {dimensions = array<i32: 1>} : vector<1x30208xi32>
    %lt3A_416 = arith.constant 30000 : i32
    %lt3A_417 = vector.broadcast %lt3A_416 : i32 to vector<1x30208xi32>
    %lt3A_418 = arith.cmpi slt, %iota3A_415, %lt3A_417 : vector<1x30208xi32>
    %jit3A_419 = arith.constant 0.000000e+00 : f32
    %broadcast_in_dim3A_420 = vector.broadcast %jit3A_419 : f32 to vector<1x30208xf32>
    %select_n3A_421 = arith.select %lt3A_418, %sqrt3A_414, %broadcast_in_dim3A_420 : vector<1x30208xi1>, vector<1x30208xf32>
    %reduce_sum3A_422 = vector.shape_cast %select_n3A_421 : vector<1x30208xf32> to vector<1x1x30208xf32>
    %reduce_sum3A_423 = arith.constant dense<0.000000e+00> : vector<1xf32>
    %reduce_sum3A_424 = vector.multi_reduction <add>, %reduce_sum3A_422, %reduce_sum3A_423 [1, 2] : vector<1x1x30208xf32> to vector<1xf32>
    %reduce_sum3A_425 = vector.shape_cast %reduce_sum3A_424 : vector<1xf32> to vector<1x1x1xf32>
    %reduce_sum3A_426 = vector.extract %reduce_sum3A_425[0, 0, 0] : f32 from vector<1x1x1xf32>
    %mul3A_427 = arith.constant 3.33333337E-5 : f32
    %mul3A_428 = arith.mulf %reduce_sum3A_426, %mul3A_427 : f32
    %lt3A_429 = arith.constant 2.000000e-01 : f32
    %lt3A_430 = arith.cmpf olt, %mul3A_428, %lt3A_429 : f32
    %jit3A_431 = arith.constant 1.000000e+00 : f32
    %jit3A_432 = arith.constant 0.000000e+00 : f32
    %select_n3A_433 = arith.select %lt3A_430, %jit3A_431, %jit3A_432 : f32
    %iota3A_434 = tpu.iota {dimensions = array<i32: 1>} : vector<8x128xi32>
    %eq3A = arith.constant 1 : i32
    %eq3A_435 = vector.broadcast %eq3A : i32 to vector<8x128xi32>
    %eq3A_436 = arith.cmpi eq, %iota3A_434, %eq3A_435 : vector<8x128xi32>
    %jit3A_437 = arith.constant 0.000000e+00 : f32
    %broadcast_in_dim3A_438 = vector.broadcast %mul3A_136 : f32 to vector<8x128xf32>
    %broadcast_in_dim3A_439 = vector.broadcast %jit3A_437 : f32 to vector<8x128xf32>
    %select_n3A_440 = arith.select %eq3A_436, %broadcast_in_dim3A_438, %broadcast_in_dim3A_439 : vector<8x128xi1>, vector<8x128xf32>
    %eq3A_441 = arith.constant 2 : i32
    %eq3A_442 = vector.broadcast %eq3A_441 : i32 to vector<8x128xi32>
    %eq3A_443 = arith.cmpi eq, %iota3A_434, %eq3A_442 : vector<8x128xi32>
    %jit3A_444 = arith.constant 0.000000e+00 : f32
    %broadcast_in_dim3A_445 = vector.broadcast %jit3A_444 : f32 to vector<8x128xf32>
    %select_n3A_446 = arith.select %eq3A_443, %mul3A_264, %broadcast_in_dim3A_445 : vector<8x128xi1>, vector<8x128xf32>
    %add3A_447 = arith.addf %select_n3A_440, %select_n3A_446 : vector<8x128xf32>
    %eq3A_448 = arith.constant 3 : i32
    %eq3A_449 = vector.broadcast %eq3A_448 : i32 to vector<8x128xi32>
    %eq3A_450 = arith.cmpi eq, %iota3A_434, %eq3A_449 : vector<8x128xi32>
    %jit3A_451 = arith.constant 0.000000e+00 : f32
    %broadcast_in_dim3A_452 = vector.broadcast %jit3A_451 : f32 to vector<8x128xf32>
    %select_n3A_453 = arith.select %eq3A_450, %sqrt3A_273, %broadcast_in_dim3A_452 : vector<8x128xi1>, vector<8x128xf32>
    %add3A_454 = arith.addf %add3A_447, %select_n3A_453 : vector<8x128xf32>
    %eq3A_455 = arith.constant 4 : i32
    %eq3A_456 = vector.broadcast %eq3A_455 : i32 to vector<8x128xi32>
    %eq3A_457 = arith.cmpi eq, %iota3A_434, %eq3A_456 : vector<8x128xi32>
    %jit3A_458 = arith.constant 0.000000e+00 : f32
    %broadcast_in_dim3A_459 = vector.broadcast %mul3A_428 : f32 to vector<8x128xf32>
    %broadcast_in_dim3A_460 = vector.broadcast %jit3A_458 : f32 to vector<8x128xf32>
    %select_n3A_461 = arith.select %eq3A_457, %broadcast_in_dim3A_459, %broadcast_in_dim3A_460 : vector<8x128xi1>, vector<8x128xf32>
    %add3A_462 = arith.addf %add3A_454, %select_n3A_461 : vector<8x128xf32>
    %eq3A_463 = arith.constant 5 : i32
    %eq3A_464 = vector.broadcast %eq3A_463 : i32 to vector<8x128xi32>
    %eq3A_465 = arith.cmpi eq, %iota3A_434, %eq3A_464 : vector<8x128xi32>
    %jit3A_466 = arith.constant 0.000000e+00 : f32
    %broadcast_in_dim3A_467 = vector.broadcast %select_n3A_433 : f32 to vector<8x128xf32>
    %broadcast_in_dim3A_468 = vector.broadcast %jit3A_466 : f32 to vector<8x128xf32>
    %select_n3A_469 = arith.select %eq3A_465, %broadcast_in_dim3A_467, %broadcast_in_dim3A_468 : vector<8x128xi1>, vector<8x128xf32>
    %add3A_470 = arith.addf %add3A_462, %select_n3A_469 : vector<8x128xf32>
    %swap3A = arith.constant 0 : index
    %swap3A_471 = arith.constant 0 : index
    %swap3A_472 = vector.load %arg7[%swap3A, %swap3A_471] : memref<8x128xf32, #tpu.memory_space<vmem>>, vector<8x128xf32>
    tpu.vector_store %arg7[%swap3A, %swap3A_471], %add3A_470 {strides = array<i32>} : memref<8x128xf32, #tpu.memory_space<vmem>>, vector<8x128xf32>,
    return
  }
}

module attributes {stable_mosaic.version = 14 : i64} {
  func.func @_final_body(%arg0: memref<8x128xf32, #tpu.memory_space<vmem>>, %arg1: memref<32x16xf32, #tpu.memory_space<vmem>>, %arg2: memref<8x128xf32, #tpu.memory_space<vmem>>) attributes {dimension_semantics = [], scalar_prefetch = 0 : i64, scratch_operands = 0 : i64, tpu.core_type = #tpu.core_type<tc>} {
    %get3A = arith.constant 0 : index
    %get3A_0 = arith.constant 0 : index
    %get3A_1 = vector.load %arg1[%get3A, %get3A_0] : memref<32x16xf32, #tpu.memory_space<vmem>>, vector<32x16xf32>
    %reduce_sum3A = vector.shape_cast %get3A_1 : vector<32x16xf32> to vector<1x32x16xf32>
    %reduce_sum3A_2 = arith.constant dense<0.000000e+00> : vector<1xf32>
    %reduce_sum3A_3 = vector.multi_reduction <add>, %reduce_sum3A, %reduce_sum3A_2 [1, 2] : vector<1x32x16xf32> to vector<1xf32>
    %reduce_sum3A_4 = vector.shape_cast %reduce_sum3A_3 : vector<1xf32> to vector<1x1x1xf32>
    %reduce_sum3A_5 = vector.extract %reduce_sum3A_4[0, 0, 0] : f32 from vector<1x1x1xf32>
    %mul3A = arith.constant 2.000000e-05 : f32
    %mul3A_6 = arith.mulf %reduce_sum3A_5, %mul3A : f32
    %iota3A = tpu.iota {dimensions = array<i32: 1>} : vector<8x128xi32>
    %get3A_7 = arith.constant 0 : index
    %get3A_8 = arith.constant 0 : index
    %get3A_9 = vector.load %arg0[%get3A_7, %get3A_8] : memref<8x128xf32, #tpu.memory_space<vmem>>, vector<8x128xf32>
    %eq3A = arith.constant 0 : i32
    %eq3A_10 = vector.broadcast %eq3A : i32 to vector<8x128xi32>
    %eq3A_11 = arith.cmpi eq, %iota3A, %eq3A_10 : vector<8x128xi32>
    %jit3A = arith.constant 0.000000e+00 : f32
    %broadcast_in_dim3A = vector.broadcast %mul3A_6 : f32 to vector<8x128xf32>
    %broadcast_in_dim3A_12 = vector.broadcast %jit3A : f32 to vector<8x128xf32>
    %select_n3A = arith.select %eq3A_11, %broadcast_in_dim3A, %broadcast_in_dim3A_12 : vector<8x128xi1>, vector<8x128xf32>
    %add3A = arith.addf %get3A_9, %select_n3A : vector<8x128xf32>
    %swap3A = arith.constant 0 : index
    %swap3A_13 = arith.constant 0 : index
    %swap3A_14 = vector.load %arg2[%swap3A, %swap3A_13] : memref<8x128xf32, #tpu.memory_space<vmem>>, vector<8x128xf32>
    tpu.vector_store %arg2[%swap3A, %swap3A_13], %add3A {strides = array<i32>} : memref<8x128xf32, #tpu.memory_space<vmem>>, vector<8x128xf32>,
    return
  }
}

</mosaic_0001>

<sc_bundles>
// kernel: kernel.6.cloned.1.call-start
scs
__scs_entry_jumppad:
0x0: {  	(pc) =	sbr.rel $0x88, $3  }
0x1: {  	(tag) =	ssettag $0x0;
	lr =	simm.s32 $0x1  }
0x2: {  	[smem:$0x3F98] =	sst lr;
	_ =	strace $0xD0000000  }
0x3: {  	_ = 	snop  }
0x4: {  	_ = 	snop  }
0x5: {  	_ = 	snop  }
0x6: {  	_ = 	snop  }
0x7: {  	_ = 	snop  }
__scs_overlays_trampoline_lowered:
0x8: {  	[smem:$0x3FA7] =	sst s0  }
0x9: {  	[smem:$0x3FA8] =	sst s1  }
0xa: {  	[smem:$0x3FA9] =	sst s2  }
0xb: {  	[smem:$0x3FAA] =	sst s3  }
0xc: {  	[smem:$0x3FAB] =	sst s4  }
0xd: {  	[smem:$0x3FAC] =	sst s5  }
0xe: {  	[smem:$0x3FAD] =	sst s6  }
0xf: {  	[smem:$0x3FAE] =	sst s7  }
0x10: {  	[smem:$0x3FAF] =	sst s8  }
0x11: {  	[smem:$0x3FB0] =	sst s9;
	s0 =	simm.s32 @!p0 $0x0  }
0x12: {  	s1 =	sld [smem:$0x3F96];
	s0 =	simm.s32 @p0 $0x1  }
0x13: {  	[smem:$0x3FB1] =	sst s0;
	s0 =	simm.s32 @!p1 $0x0  }
0x14: {  	s2 =	sld [smem:$0x3F95];
	s0 =	simm.s32 @p1 $0x1  }
0x15: {  	[smem:$0x3FB2] =	sst s0;
	s0 =	simm.s32 @!p2 $0x0  }
0x16: {  	s3 =	sld [smem:$0x3FDB];
	s0 =	simm.s32 @p2 $0x1  }
0x17: {  	s4 =	simm.s32 $0x1BF5;
	[smem:$0x3FB4] =	sst s0  }
0x18: {  	s0 =	sld [smem:$0x3F97];
	_ =	swait.ge [sflag:s4], $0x0  }
0x19: {  	s7 =	sld [smem:$0x3F98]  }
0x1a: {  	s8 =	sadd.s32 $0xFFFFE003, lr  }
0x1b: {  	s9 =	sadd.s32 $0xFFFFFEF7, lr;
	s5 =	simm.s32 $0xFFFFFFFF;
	p2 =	slt.u32 s8, $0xFFFFF086  }
0x1c: {  	p1 =	slt.u32 s9, $0xF7A;
	s5 =	simm.s32 @!p2 $0x0  }
0x1d: {  	s5 =	simm.s32 @p1 $0x1;
	p0 =	seq.s32 s7, s2  }
0x1e: {  	s7 =	smul.u32 @!p0 $0xF7A, s2;
	p2 =	seq.s32 @!p0 s5, $0x0  }
0x1f: {  	s9 =	smul.u32 $0xF7A, s1;
	s8 =	simm.s32 @!p0 $0x1BF5;
	p2 =	por !p2, p0  }
0x20: {  	[sflag:s8] =	ssyncset.s32 @!p0 $0xFFFFF086;
	s6 =	sadd.s32 @!p0 s3, s7;
	s7 =	simm.s32 @!p0 $0x108  }
0x21: {  	s3 =	sadd.s32 s3, s9;
	s6 =	sadd.s32 @!p0 $0x88, s6;
	s7 =	simm.s32 @p2 $0x1082  }
0x22: {  	[simem:s7], [sflag:s8] =	dma.local @!p0 [hbm:s6], $0xF7A  }
0x23: {  	s9 =	sor.u32 $0xD0000000, s2;
	s6 =	simm.s32 $0x108;
	_ =	swait.ge @!p0 [sflag:s8], $0x0  }
0x24: {  	s3 =	sadd.s32 $0x88, s3;
	s6 =	simm.s32 @!p1 $0x1082;
	[sflag:s4] =	ssyncset.s32 $0xFFFFF086  }
0x25: {  	[simem:s6], [sflag:s4] =	dma.local [hbm:s3], $0xF7A  }
0x26: {  	[smem:$0x3F98] =	sst s1;
	(tag) =	ssettag s2;
	_ =	strace s9  }
0x27: {  	s1 =	sld [smem:$0x3FA8]  }
0x28: {  	s2 =	sld [smem:$0x3FA9]  }
0x29: {  	s4 =	sld [smem:$0x3FAB]  }
0x2a: {  	p0 =	seq.s32 s5, $0x0;
	s5 =	sld [smem:$0x3FAC]  }
0x2b: {  	s6 =	sld [smem:$0x3FAD]  }
0x2c: {  	s7 =	sld [smem:$0x3FAE]  }
0x2d: {  	s3 =	simm.s32 $0x108;
	s8 =	sld [smem:$0x3FAF]  }
0x2e: {  	s3 =	simm.s32 @!p0 $0x1082;
	s9 =	sld [smem:$0x3FB0]  }
0x2f: {  	lr =	sadd.s32 s0, s3;
	s0 =	sld [smem:$0x3FA7]  }
0x30: {  	s3 =	sld [smem:$0x3FAA]  }
0x31: {  	[smem:$0x3FB3] =	sst s10  }
0x32: {  	s10 =	sld [smem:$0x3FB1];
	_ =	sdelay $0x3  }
0x33: {  	p0 =	seq.s32 s10, $0x1;
	s10 =	sld [smem:$0x3FB3];
	_ =	sdelay $0x3  }
0x34: {  	[smem:$0x3FB3] =	sst s10  }
0x35: {  	s10 =	sld [smem:$0x3FB2];
	_ =	sdelay $0x3  }
0x36: {  	p1 =	seq.s32 s10, $0x1;
	s10 =	sld [smem:$0x3FB3];
	_ =	sdelay $0x3  }
0x37: {  	[smem:$0x3FB3] =	sst s10  }
0x38: {  	s10 =	sld [smem:$0x3FB4]  }
0x39: {  	_ = 	snop;
	(pc) =	sbr.ind lr, $3  }
0x3a: {  	_ = 	snop  }
0x3b: {  	_ = 	snop  }
0x3c: {  	p2 =	seq.s32 s10, $0x1;
	s10 =	sld [smem:$0x3FB3]  }
0x3d: {  	_ =	shalt  }
0x3e: {  	_ =	shalt  }
0x3f: {  	_ =	shalt  }
0x40: {  	_ =	shalt  }
0x41: {  	_ =	shalt  }
0x42: {  	_ =	shalt  }
0x43: {  	_ =	shalt  }
0x44: {  	_ =	shalt  }
0x45: {  	_ =	shalt  }
0x46: {  	_ =	shalt  }
0x47: {  	_ =	shalt  }
0x48: {  	_ =	shalt  }
0x49: {  	_ =	shalt  }
0x4a: {  	_ =	shalt  }
0x4b: {  	_ =	shalt  }
0x4c: {  	_ =	shalt  }
0x4d: {  	_ =	shalt  }
0x4e: {  	_ =	shalt  }
0x4f: {  	_ =	shalt  }
0x50: {  	_ =	shalt  }
0x51: {  	_ =	shalt  }
0x52: {  	_ =	shalt  }
0x53: {  	_ =	shalt  }
0x54: {  	_ =	shalt  }
0x55: {  	_ =	shalt  }
0x56: {  	_ =	shalt  }
0x57: {  	_ =	shalt  }
0x58: {  	_ =	shalt  }
0x59: {  	_ =	shalt  }
0x5a: {  	_ =	shalt  }
0x5b: {  	_ =	shalt  }
0x5c: {  	_ =	shalt  }
0x5d: {  	_ =	shalt  }
0x5e: {  	_ =	shalt  }
0x5f: {  	_ =	shalt  }
0x60: {  	_ =	shalt  }
0x61: {  	_ =	shalt  }
0x62: {  	_ =	shalt  }
0x63: {  	_ =	shalt  }
0x64: {  	_ =	shalt  }
0x65: {  	_ =	shalt  }
0x66: {  	_ =	shalt  }
0x67: {  	_ =	shalt  }
0x68: {  	_ =	shalt  }
0x69: {  	_ =	shalt  }
0x6a: {  	_ =	shalt  }
0x6b: {  	_ =	shalt  }
0x6c: {  	_ =	shalt  }
0x6d: {  	_ =	shalt  }
0x6e: {  	_ =	shalt  }
0x6f: {  	_ =	shalt  }
0x70: {  	_ =	shalt  }
0x71: {  	_ =	shalt  }
0x72: {  	_ =	shalt  }
0x73: {  	_ =	shalt  }
0x74: {  	_ =	shalt  }
0x75: {  	_ =	shalt  }
0x76: {  	_ =	shalt  }
0x77: {  	_ =	shalt  }
0x78: {  	_ =	shalt  }
0x79: {  	_ =	shalt  }
0x7a: {  	_ =	shalt  }
0x7b: {  	_ =	shalt  }
0x7c: {  	_ =	shalt  }
0x7d: {  	_ =	shalt  }
0x7e: {  	_ =	shalt  }
0x7f: {  	_ =	shalt  }
0x80: {  	_ =	shalt  }
0x81: {  	_ =	shalt  }
0x82: {  	_ =	shalt  }
0x83: {  	_ =	shalt  }
0x84: {  	_ =	shalt  }
0x85: {  	_ =	shalt  }
0x86: {  	_ =	shalt  }
0x87: {  	_ =	shalt  }
.Lfunc_end0:
.L_simem_size_0:
called_computation_lowered:
.L_overlay_start_0:
0x88: {  	s2 =	sld [smem:$0x3FD9]  }
0x89: {  	s3 =	sld [smem:$0x3FFE];
	_ =	sdelay $0x1  }
0x8a: {  	s1 =	srdreg.scid  }
0x8b: {  	s0 =	sand.u32 $0x1, s1  }
0x8c: {  	s16 =	sshll.u32 s0, $0xA;
	s2 =	sadd.s32 s3, s2  }
0x8d: {  	s2 =	sadd.s32 s2, s16  }
0x8e: {  	[smem:$0x3FBF] =	sst s2  }
0x8f: {  	_ = 	snop  }
0x90: {  	(tm) =	ssettm $0x1  }
0x91: {  	s17 =	sld [smem:$0x3FFB];
	_ =	sdelay $0x3  }
0x92: {  	_ =	strace s17  }
0x93: {  	s2 =	sld [smem:$0x3FFC];
	_ =	sdelay $0x3  }
0x94: {  	_ =	strace s2  }
0x95: {  	s2 =	sld [smem:$0x3FFD];
	_ =	sdelay $0x3  }
0x96: {  	_ =	strace s2  }
0x97: {  	_ =	strace $0x8FFFFFFF  }
0x98: {  	s18 =	sld [smem:$0x3FDB];
	_ =	sdelay $0x1  }
0x99: {  	s19 =	simm.s32 $_scs_section_size  }
0x9a: {  	s4 =	simm.s32 $_size__tile_overlayer_lowered;
	s5 =	simm.s32 $_tile_overlayer_lowered  }
0x9b: {  	s22 =	simm.s32 $0x1BFF;
	s21 =	sshll.u32 s5, $0x1;
	s2 =	sadd.s32 s19, s18  }
0x9c: {  	s6 =	simm.s32 $0x0;
	s20 =	sshll.u32 s4, $0x1;
	s4 =	sadd.s32 s21, s2  }
0x9d: {  	[timem:s6], [sflag:s22] =	dma.local [hbm:s4], s20  }
0x9e: {  	_ =	swait.ge [sflag:s22], s20  }
0x9f: {  	s3 =	ssub.s32 $0x0, s20;
	[sflag:s22] =	ssyncset.done $0x0  }
0xa0: {  	[sflag:s22] =	ssyncadd.s32 s3;
	_ =	sdelay $0x1  }
0xa1: {  	s23 =	simm.s32 $0x1B8B  }
0xa2: {  	_ =	swait.ge [sflag:s23], $0x1  }
0xa3: {  	[sflag:s23] =	ssyncset.done $0x0  }
0xa4: {  	s25 =	simm.s32 $0x1B8E;
	s24 =	sld [smem:$0x3FFE];
	[sflag:s23] =	ssyncadd.s32 $0xFFFFFFFF  }
0xa5: {  	s26 =	simm.s32 $execute0_lowered;
	[smem:$0x3FD2] =	sst s25  }
0xa6: {  	s4 =	sshll.u32 s26, $0x1;
	_ =	strace $0x80000046;
	[dreg:$0x1] =	wrdreg $0xFFFFFFFF  }
0xa7: {  	s28 =	simm.s32 $_size_execute0_lowered;
	s2 =	sadd.s32 s2, s4;
	[dreg:$0x0] =	wrdreg $0x0  }
0xa8: {  	s4 =	sshll.u32 s28, $0x1;
	[dreg:$0x2] =	wrdreg s2  }
0xa9: {  	[dreg:$0x3] =	wrdreg s4  }
0xaa: {  	[dreg:$0x4] =	wrdreg $0xC0  }
0xab: {  	_ =	task [dreg:s6], $0x5FFFF  }
0xac: {  	[dreg:$0x1] =	wrdreg $0xFFFFFFFF  }
0xad: {  	[dreg:$0x0] =	wrdreg $0x60  }
0xae: {  	[dreg:$0x2] =	wrdreg s24  }
0xaf: {  	[dreg:$0x3] =	wrdreg $0x9  }
0xb0: {  	_ =	task.clear_ibuf [dreg:s6], $0x4FFFF;
	_ =	strace $0x90000046  }
0xb1: {  	s29 =	simm.s32 $0x9;
	_ =	strace $0x80000048  }
0xb2: {  	_ =	swait.ge [sflag:s29], $0x1  }
0xb3: {  	[sflag:s29] =	ssyncadd.s32 $0xFFFFFFFF  }
0xb4: {  	_ =	strace $0x90000048  }
0xb5: {  	_ =	sfence  }
0xb6: {  	s30 =	sld [smem:$0x0];
	_ =	sdelay $0x2  }
0xb7: {  	s31 =	sshll.u32 s1, $0xD;
	s1 =	sshrl.u32 s1, $0x2  }
0xb8: {  	s3 =	sand.u32 $0x4000, s31;
	s1 =	sadd.s32 s1, s30  }
0xb9: {  	s0 =	sor.u32 s3, s0;
	s1 =	sshll.u32 s1, $0x11  }
0xba: {  	s0 =	sor.u32 s1, s0  }
0xbb: {  	s0 =	sadd.s32 $0x8F2B, s0  }
0xbc: {  	[sflag:s0] =	ssyncadd.remote.s32 $0x1  }
0xbd: {  	_ =	sfence.sel $0xFFFF  }
0xbe: {  	[dreg:$0x0] =	wrdreg $0xFFFFFFFF;
	(pc) =	sbr.abs _section_cstart, $3  }
0xbf: {  	[dreg:$0x1] =	wrdreg $0xFFFFFFFF  }
0xc0: {  	_ =	task.clear_ibuf [dreg:s6], $0x2FFFF;
	_ =	strace $0x9FFFFFFF  }
0xc1: {  	(tm) =	ssettm $0x7FFFFFFF  }
tec
execute0_lowered:
.L_overlay_start_1:
0x0: {  	(tag) =	ssettag $0x1  }
0x1: {  	s0 =	srdreg.scid  }
0x2: {  	s1 =	rddreg [dreg:$0x0];
	s4 =	stileid.u32;
	s2 =	simm.s32 $0x0  }
0x3: {  	s8 =	simm.s32 $0x5;
	s11 =	simm.s32 $0x80;
	s13 =	simm.s32 $0x3580  }
0x4: {  	s31 =	simm.s32 $0x2E00;
	s9 =	simm.s32 $0x2F80;
	s10 =	simm.s32 $0x3000  }
0x5: {  	s12 =	simm.s32 $0x3080;
	s14 =	simm.s32 $0x3100;
	s15 =	simm.s32 $0x3180  }
0x6: {  	s16 =	simm.s32 $0x1;
	s17 =	simm.s32 $0x2;
	s0 =	sand.u32 $0x1, s0  }
0x7: {  	s19 =	simm.s32 $0x4;
	s20 =	simm.s32 $0x0;
	s3 =	sshll.u32 s0, $0x4  }
0x8: {  	[smem:$0x7FF] =	sst s2;
	s0 =	ssub.s32 $0x2, s0;
	s5 =	sor.u32 s4, s3  }
0x9: {  	s29 =	sshrl.u32 s0, $0x1;
	s3 =	smul.u32 $0x190, s5;
	s30 =	sshll.u32 s5, $0xF  }
0xa: {  	_ =	strace $0x80000047;
	s0 =	ssub.s32 s0, s29;
	s18 =	sor.u32 $0x1000000, s30  }
0xb: {  	s7 =	smax.u32 s0, $0x1;
	s0 =	simm.s32 $0x2E80;
	s6 =	sadd.s32 s3, s1  }
0xc: {  	v2 =	vlaneseq.u32;
	s3 =	sadd.s32 $0xAC00, s1;
	s1 =	simm.s32 $0x2F00;
	v0 =	vmov s18;
	s18 =	simm.s32 $0x3  }
0xd: {  	v1 =	vimm.f32 $1.000000000e+00;
	v2 =	vmul.u32 $0x10, v2;
	s4 =	sadd.s32 $0x1600, s6;
	s5 =	sadd.s32 $0x4800, s6;
	s6 =	sadd.s32 $0x7A00, s6  }
.LBB2_1:
0xe: {  	[tilespmem:s2], [sflag:$0x5] =	stream.linear.gather [hbm4b:s4+s2], $0xC80, $0x38;
	[tilespmem:$0x3600] =	vst v63  }
0xf: {  	_ =	swait.ge [sflag:s8], $0xC80  }
0x10: {  	[sflag:s8] =	ssyncset.done $0x0  }
0x11: {  	s21 =	simm.s32 $0xC80;
	[sflag:s8] =	ssyncadd.s32 $0xFFFFF380  }
0x12: {  	[tilespmem:s21], [sflag:$0x5] =	stream.linear.gather [hbm4b:s5+s2], $0xC80, $0x38;
	[tilespmem:$0x3600] =	vst v63  }
0x13: {  	_ =	swait.ge [sflag:s8], $0xC80  }
0x14: {  	[sflag:s8] =	ssyncset.done $0x0  }
0x15: {  	s26 =	simm.s32 $0x1900;
	[sflag:s8] =	ssyncadd.s32 $0xFFFFF380  }
0x16: {  	[tilespmem:s26], [sflag:$0x5] =	stream.linear.gather [hbm4b:s6+s2], $0xC80, $0x38;
	[tilespmem:$0x3600] =	vst v63  }
0x17: {  	_ =	swait.ge [sflag:s8], $0xC80  }
0x18: {  	[sflag:s8] =	ssyncset.done $0x0  }
0x19: {  	[sflag:s8] =	ssyncadd.s32 $0xFFFFF380  }
0x1a: {  	[tilespmem:$0x3580] =	vst v1  }
0x1b: {  	[tilespmem:$0x3590] =	vst v1  }
0x1c: {  	[tilespmem:$0x35A0] =	vst v1  }
0x1d: {  	[tilespmem:$0x35B0] =	vst v1  }
0x1e: {  	[tilespmem:$0x35C0] =	vst v1  }
0x1f: {  	[tilespmem:$0x35D0] =	vst v1  }
0x20: {  	[tilespmem:$0x35E0] =	vst v1  }
0x21: {  	s23 =	simm.s32 $0x1940;
	[tilespmem:$0x35F0] =	vst v1  }
0x22: {  	s21 =	simm.s32 $0x40;
	v3 =	vld [tilespmem:s23+$0xFFFFFFC0]  }
0x23: {  	s22 =	simm.s32 $0xCC0;
	v4 =	vld [tilespmem:s21+$0xFFFFFFC0]  }
0x24: {  	s24 =	simm.s32 $0x0;
	v5 =	vld [tilespmem:s22+$0xFFFFFFC0]  }
0x25: {  	v6 =	vmov s24  }
0x26: {  	v6 =	vshll.u32 v6, $0x4  }
0x27: {  	v6 =	vor.u32 v2, v6  }
0x28: {  	v6 =	vand.u32 $0x78F0, v6;
	v4 =	vshll.u32 v4, $0xC  }
0x29: {  	vm0 =	vgt.f32 v3, $1.000000010e-01;
	v3 =	vor.u32 v0, v6;
	v4 =	vadd.s32 v5, v4  }
0x2a: {  	s24 =	simm.s32 $0x25C0;
	v3 =	vsel vm0, v4, v3  }
0x2b: {  	[tilespmem:s24+$0xFFFFFFC0] =	vst v3  }
0x2c: {  	v3 =	vld [tilespmem:s22+$0xFFFFFFD0]  }
0x2d: {  	v4 =	vld [tilespmem:s21+$0xFFFFFFD0]  }
0x2e: {  	s25 =	simm.s32 $0x10;
	v5 =	vld [tilespmem:s23+$0xFFFFFFD0]  }
0x2f: {  	v6 =	vmov s25  }
0x30: {  	v6 =	vshll.u32 v6, $0x4  }
0x31: {  	v6 =	vor.u32 v2, v6  }
0x32: {  	v6 =	vand.u32 $0x79F0, v6;
	v4 =	vshll.u32 v4, $0xC  }
0x33: {  	vm10 =	vgt.f32 v5, $1.000000010e-01;
	v3 =	vadd.s32 v3, v4;
	v4 =	vor.u32 v0, v6  }
0x34: {  	v3 =	vsel vm10, v3, v4  }
0x35: {  	[tilespmem:s24+$0xFFFFFFD0] =	vst v3  }
0x36: {  	v3 =	vld [tilespmem:s21+$0xFFFFFFE0]  }
0x37: {  	v4 =	vld [tilespmem:s22+$0xFFFFFFE0]  }
0x38: {  	s30 =	simm.s32 $0x20;
	v5 =	vld [tilespmem:s23+$0xFFFFFFE0]  }
0x39: {  	v6 =	vmov s30  }
0x3a: {  	v6 =	vshll.u32 v6, $0x4  }
0x3b: {  	v6 =	vor.u32 v2, v6  }
0x3c: {  	v6 =	vand.u32 $0x7AF0, v6;
	v3 =	vshll.u32 v3, $0xC  }
0x3d: {  	vm11 =	vgt.f32 v5, $1.000000010e-01;
	v3 =	vadd.s32 v4, v3;
	v4 =	vor.u32 v0, v6  }
0x3e: {  	v3 =	vsel vm11, v3, v4  }
0x3f: {  	[tilespmem:s24+$0xFFFFFFE0] =	vst v3  }
0x40: {  	v3 =	vld [tilespmem:s21+$0xFFFFFFF0]  }
0x41: {  	v4 =	vld [tilespmem:s22+$0xFFFFFFF0]  }
0x42: {  	s26 =	simm.s32 $0x30;
	v5 =	vld [tilespmem:s23+$0xFFFFFFF0]  }
0x43: {  	v6 =	vmov s26  }
0x44: {  	v6 =	vshll.u32 v6, $0x4  }
0x45: {  	v6 =	vor.u32 v2, v6  }
0x46: {  	v6 =	vand.u32 $0x7BF0, v6;
	v3 =	vshll.u32 v3, $0xC  }
0x47: {  	vm12 =	vgt.f32 v5, $1.000000010e-01;
	v3 =	vadd.s32 v4, v3;
	v4 =	vor.u32 v0, v6  }
0x48: {  	v3 =	vsel vm12, v3, v4  }
0x49: {  	[tilespmem:s24+$0xFFFFFFF0] =	vst v3  }
0x4a: {  	v3 =	vld [tilespmem:s21+$0x0]  }
0x4b: {  	v4 =	vld [tilespmem:s22+$0x0]  }
0x4c: {  	s30 =	simm.s32 $0x40;
	v5 =	vld [tilespmem:s23+$0x0]  }
0x4d: {  	v6 =	vmov s30  }
0x4e: {  	v6 =	vshll.u32 v6, $0x4  }
0x4f: {  	v6 =	vor.u32 v2, v6  }
0x50: {  	v6 =	vand.u32 $0x7CF0, v6;
	v3 =	vshll.u32 v3, $0xC  }
0x51: {  	vm13 =	vgt.f32 v5, $1.000000010e-01;
	v3 =	vadd.s32 v4, v3;
	v4 =	vor.u32 v0, v6  }
0x52: {  	v3 =	vsel vm13, v3, v4  }
0x53: {  	[tilespmem:s24+$0x0] =	vst v3  }
0x54: {  	v3 =	vld [tilespmem:s21+$0x10]  }
0x55: {  	v4 =	vld [tilespmem:s22+$0x10]  }
0x56: {  	s26 =	simm.s32 $0x50;
	v5 =	vld [tilespmem:s23+$0x10]  }
0x57: {  	v6 =	vmov s26  }
0x58: {  	v6 =	vshll.u32 v6, $0x4  }
0x59: {  	v6 =	vor.u32 v2, v6  }
0x5a: {  	v6 =	vand.u32 $0x7DF0, v6;
	v3 =	vshll.u32 v3, $0xC  }
0x5b: {  	vm14 =	vgt.f32 v5, $1.000000010e-01;
	v3 =	vadd.s32 v4, v3;
	v4 =	vor.u32 v0, v6  }
0x5c: {  	v3 =	vsel vm14, v3, v4  }
0x5d: {  	[tilespmem:s24+$0x10] =	vst v3  }
0x5e: {  	v3 =	vld [tilespmem:s21+$0x20]  }
0x5f: {  	v4 =	vld [tilespmem:s22+$0x20]  }
0x60: {  	s30 =	simm.s32 $0x60;
	v5 =	vld [tilespmem:s23+$0x20]  }
0x61: {  	v6 =	vmov s30  }
0x62: {  	v6 =	vshll.u32 v6, $0x4  }
0x63: {  	v6 =	vor.u32 v2, v6  }
0x64: {  	v6 =	vand.u32 $0x7EF0, v6;
	v3 =	vshll.u32 v3, $0xC  }
0x65: {  	vm15 =	vgt.f32 v5, $1.000000010e-01;
	v3 =	vadd.s32 v4, v3;
	v4 =	vor.u32 v0, v6  }
0x66: {  	v3 =	vsel vm15, v3, v4  }
0x67: {  	[tilespmem:s24+$0x20] =	vst v3  }
0x68: {  	s28 =	simm.s32 $0xF0;
	v4 =	vld [tilespmem:s21+$0x30]  }
0x69: {  	s29 =	simm.s32 $0x19C0;
	s25 =	simm.s32 $0x25C0;
	s26 =	simm.s32 $0x70;
	v3 =	vld [tilespmem:s22+$0x30]  }
.LBB2_2:
0x6a: {  	v5 =	vld [tilespmem:s23+$0x30];
	s21 =	sadd.s32 $0x80, s21;
	s24 =	sadd.s32 $0x80, s24;
	s22 =	sadd.s32 $0x80, s22  }
0x6b: {  	p0 =	sne.s32 s28, $0xC70;
	v6 =	vmov s26;
	s26 =	smov.u32 s28;
	s28 =	sadd.s32 $0x80, s28  }
0x6c: {  	s23 =	smov.u32 s29;
	v6 =	vshll.u32 v6, $0x4  }
0x6d: {  	v6 =	vor.u32 v2, v6;
	v4 =	vshll.u32 v4, $0xC  }
0x6e: {  	v3 =	vadd.s32 v3, v4;
	v4 =	vand.u32 $0x7FF0, v6  }
0x6f: {  	vm0 =	vgt.f32 v5, $1.000000010e-01;
	v4 =	vor.u32 v0, v4  }
0x70: {  	v3 =	vsel vm0, v3, v4  }
0x71: {  	[tilespmem:s25+$0x30] =	vst v3;
	s25 =	smov.u32 s24  }
0x72: {  	v3 =	vld [tilespmem:s29+$0xFFFFFFC0]  }
0x73: {  	v4 =	vld [tilespmem:s21+$0xFFFFFFC0]  }
0x74: {  	s30 =	sadd.s32 $0xFFFFFF90, s26;
	v5 =	vld [tilespmem:s22+$0xFFFFFFC0]  }
0x75: {  	v6 =	vmov s30  }
0x76: {  	v6 =	vshll.u32 v6, $0x4  }
0x77: {  	v6 =	vor.u32 v2, v6  }
0x78: {  	v6 =	vand.u32 $0x78F0, v6;
	v4 =	vshll.u32 v4, $0xC  }
0x79: {  	vm0 =	vgt.f32 v3, $1.000000010e-01;
	v3 =	vor.u32 v0, v6;
	v4 =	vadd.s32 v5, v4  }
0x7a: {  	v3 =	vsel vm0, v4, v3  }
0x7b: {  	[tilespmem:s24+$0xFFFFFFC0] =	vst v3  }
0x7c: {  	v3 =	vld [tilespmem:s22+$0xFFFFFFD0]  }
0x7d: {  	v4 =	vld [tilespmem:s21+$0xFFFFFFD0]  }
0x7e: {  	s30 =	sadd.s32 $0xFFFFFFA0, s26;
	v5 =	vld [tilespmem:s29+$0xFFFFFFD0]  }
0x7f: {  	v6 =	vmov s30  }
0x80: {  	v6 =	vshll.u32 v6, $0x4  }
0x81: {  	v6 =	vor.u32 v2, v6  }
0x82: {  	v6 =	vand.u32 $0x79F0, v6;
	v4 =	vshll.u32 v4, $0xC  }
0x83: {  	v3 =	vadd.s32 v3, v4;
	vm0 =	vgt.f32 v5, $1.000000010e-01;
	v4 =	vor.u32 v0, v6  }
0x84: {  	v3 =	vsel vm0, v3, v4  }
0x85: {  	[tilespmem:s24+$0xFFFFFFD0] =	vst v3  }
0x86: {  	v3 =	vld [tilespmem:s21+$0xFFFFFFE0]  }
0x87: {  	v4 =	vld [tilespmem:s22+$0xFFFFFFE0]  }
0x88: {  	s30 =	sadd.s32 $0xFFFFFFB0, s26;
	v5 =	vld [tilespmem:s29+$0xFFFFFFE0]  }
0x89: {  	v6 =	vmov s30  }
0x8a: {  	v6 =	vshll.u32 v6, $0x4  }
0x8b: {  	v6 =	vor.u32 v2, v6;
	v3 =	vshll.u32 v3, $0xC  }
0x8c: {  	v3 =	vadd.s32 v4, v3;
	v4 =	vand.u32 $0x7AF0, v6  }
0x8d: {  	vm0 =	vgt.f32 v5, $1.000000010e-01;
	v4 =	vor.u32 v0, v4  }
0x8e: {  	v3 =	vsel vm0, v3, v4  }
0x8f: {  	[tilespmem:s24+$0xFFFFFFE0] =	vst v3  }
0x90: {  	v3 =	vld [tilespmem:s21+$0xFFFFFFF0]  }
0x91: {  	v4 =	vld [tilespmem:s22+$0xFFFFFFF0]  }
0x92: {  	s30 =	sadd.s32 $0xFFFFFFC0, s26;
	v5 =	vld [tilespmem:s29+$0xFFFFFFF0]  }
0x93: {  	v6 =	vmov s30  }
0x94: {  	v6 =	vshll.u32 v6, $0x4  }
0x95: {  	v6 =	vor.u32 v2, v6;
	v3 =	vshll.u32 v3, $0xC  }
0x96: {  	v3 =	vadd.s32 v4, v3;
	v4 =	vand.u32 $0x7BF0, v6  }
0x97: {  	vm0 =	vgt.f32 v5, $1.000000010e-01;
	v4 =	vor.u32 v0, v4  }
0x98: {  	v3 =	vsel vm0, v3, v4  }
0x99: {  	[tilespmem:s24+$0xFFFFFFF0] =	vst v3  }
0x9a: {  	v3 =	vld [tilespmem:s21+$0x0]  }
0x9b: {  	v4 =	vld [tilespmem:s22+$0x0]  }
0x9c: {  	s30 =	sadd.s32 $0xFFFFFFD0, s26;
	v5 =	vld [tilespmem:s29+$0x0]  }
0x9d: {  	v6 =	vmov s30  }
0x9e: {  	v6 =	vshll.u32 v6, $0x4  }
0x9f: {  	v6 =	vor.u32 v2, v6;
	v3 =	vshll.u32 v3, $0xC  }
0xa0: {  	v3 =	vadd.s32 v4, v3;
	v4 =	vand.u32 $0x7CF0, v6  }
0xa1: {  	vm0 =	vgt.f32 v5, $1.000000010e-01;
	v4 =	vor.u32 v0, v4  }
0xa2: {  	v3 =	vsel vm0, v3, v4  }
0xa3: {  	[tilespmem:s24+$0x0] =	vst v3  }
0xa4: {  	v3 =	vld [tilespmem:s21+$0x10]  }
0xa5: {  	v4 =	vld [tilespmem:s22+$0x10]  }
0xa6: {  	s30 =	sadd.s32 $0xFFFFFFE0, s26;
	v5 =	vld [tilespmem:s29+$0x10]  }
0xa7: {  	v6 =	vmov s30  }
0xa8: {  	v6 =	vshll.u32 v6, $0x4  }
0xa9: {  	v6 =	vor.u32 v2, v6;
	v3 =	vshll.u32 v3, $0xC  }
0xaa: {  	v3 =	vadd.s32 v4, v3;
	v4 =	vand.u32 $0x7DF0, v6  }
0xab: {  	vm0 =	vgt.f32 v5, $1.000000010e-01;
	v4 =	vor.u32 v0, v4  }
0xac: {  	v3 =	vsel vm0, v3, v4  }
0xad: {  	[tilespmem:s24+$0x10] =	vst v3  }
0xae: {  	v3 =	vld [tilespmem:s21+$0x20]  }
0xaf: {  	v4 =	vld [tilespmem:s22+$0x20]  }
0xb0: {  	s30 =	sadd.s32 $0xFFFFFFF0, s26;
	v5 =	vld [tilespmem:s29+$0x20]  }
0xb1: {  	v6 =	vmov s30  }
0xb2: {  	v6 =	vshll.u32 v6, $0x4  }
0xb3: {  	v6 =	vor.u32 v2, v6;
	v3 =	vshll.u32 v3, $0xC  }
0xb4: {  	v3 =	vadd.s32 v4, v3;
	v4 =	vand.u32 $0x7EF0, v6  }
.Ltmp0:
0xb5: {  	vm0 =	vgt.f32 v5, $1.000000010e-01;
	v4 =	vor.u32 v0, v4;
	(pc) =	sbr.rel @p0 .LBB2_2-.Ltmp0, $4  }
0xb6: {  	v3 =	vsel vm0, v3, v4  }
0xb7: {  	[tilespmem:s24+$0x20] =	vst v3  }
0xb8: {  	v4 =	vld [tilespmem:s21+$0x30]  }
0xb9: {  	s29 =	sadd.s32 $0x80, s29;
	v3 =	vld [tilespmem:s22+$0x30]  }
0xba: {  	v5 =	vld [tilespmem:s23+$0x30]  }
0xbb: {  	v6 =	vmov s26  }
0xbc: {  	v6 =	vshll.u32 v6, $0x4  }
0xbd: {  	v6 =	vor.u32 v2, v6  }
0xbe: {  	v4 =	vshll.u32 v4, $0xC;
	v6 =	vand.u32 $0x7FF0, v6  }
0xbf: {  	v3 =	vadd.s32 v3, v4;
	v63 =	vor.u32 v0, v6;
	vm0 =	vgt.f32 v5, $1.000000010e-01  }
0xc0: {  	v3 =	vsel vm0, v3, v63  }
0xc1: {  	s21 =	simm.s32 $0x2580;
	[tilespmem:s25+$0x30] =	vst v3  }
0xc2: {  	[hbm4b:s3+s11] =	stream.indirect.scatter [tilespmem:s13], [sflag:$0x1], $0x1, s21, s11, $0xb8;
	[tilespmem:$0x3600] =	vst v63  }
0xc3: {  	s22 =	simm.s32 $0x2600  }
0xc4: {  	[hbm4b:s3+s11] =	stream.indirect.scatter [tilespmem:s13], [sflag:$0x2], $0x1, s22, s11, $0xb8;
	[tilespmem:$0x3600] =	vst v63  }
0xc5: {  	s23 =	simm.s32 $0x2680  }
0xc6: {  	[hbm4b:s3+s11] =	stream.indirect.scatter [tilespmem:s13], [sflag:$0x3], $0x1, s23, s11, $0xb8;
	[tilespmem:$0x3600] =	vst v63  }
0xc7: {  	s24 =	simm.s32 $0x2700  }
0xc8: {  	[hbm4b:s3+s11] =	stream.indirect.scatter [tilespmem:s13], [sflag:$0x4], $0x1, s24, s11, $0xb8;
	[tilespmem:$0x3600] =	vst v63  }
0xc9: {  	s25 =	simm.s32 $0x2780  }
0xca: {  	[hbm4b:s3+s11] =	stream.indirect.scatter [tilespmem:s13], [sflag:$0x1], $0x1, s25, s11, $0xb8;
	[tilespmem:$0x3600] =	vst v63  }
0xcb: {  	s26 =	simm.s32 $0x2800  }
0xcc: {  	[hbm4b:s3+s11] =	stream.indirect.scatter [tilespmem:s13], [sflag:$0x2], $0x1, s26, s11, $0xb8;
	[tilespmem:$0x3600] =	vst v63  }
0xcd: {  	s28 =	simm.s32 $0x2880  }
0xce: {  	[hbm4b:s3+s11] =	stream.indirect.scatter [tilespmem:s13], [sflag:$0x3], $0x1, s28, s11, $0xb8;
	[tilespmem:$0x3600] =	vst v63  }
0xcf: {  	s29 =	simm.s32 $0x2900  }
0xd0: {  	[hbm4b:s3+s11] =	stream.indirect.scatter [tilespmem:s13], [sflag:$0x4], $0x1, s29, s11, $0xb8;
	[tilespmem:$0x3600] =	vst v63  }
0xd1: {  	s30 =	simm.s32 $0x2980  }
0xd2: {  	[hbm4b:s3+s11] =	stream.indirect.scatter [tilespmem:s13], [sflag:$0x1], $0x1, s30, s11, $0xb8;
	[tilespmem:$0x3600] =	vst v63  }
0xd3: {  	s22 =	simm.s32 $0x2A00  }
0xd4: {  	[hbm4b:s3+s11] =	stream.indirect.scatter [tilespmem:s13], [sflag:$0x2], $0x1, s22, s11, $0xb8;
	[tilespmem:$0x3600] =	vst v63  }
0xd5: {  	s23 =	simm.s32 $0x2A80  }
0xd6: {  	[hbm4b:s3+s11] =	stream.indirect.scatter [tilespmem:s13], [sflag:$0x3], $0x1, s23, s11, $0xb8;
	[tilespmem:$0x3600] =	vst v63  }
0xd7: {  	s24 =	simm.s32 $0x2B00  }
0xd8: {  	[hbm4b:s3+s11] =	stream.indirect.scatter [tilespmem:s13], [sflag:$0x4], $0x1, s24, s11, $0xb8;
	[tilespmem:$0x3600] =	vst v63  }
0xd9: {  	s25 =	simm.s32 $0x2B80  }
0xda: {  	[hbm4b:s3+s11] =	stream.indirect.scatter [tilespmem:s13], [sflag:$0x1], $0x1, s25, s11, $0xb8;
	[tilespmem:$0x3600] =	vst v63  }
0xdb: {  	s26 =	simm.s32 $0x2C00  }
0xdc: {  	[hbm4b:s3+s11] =	stream.indirect.scatter [tilespmem:s13], [sflag:$0x2], $0x1, s26, s11, $0xb8;
	[tilespmem:$0x3600] =	vst v63  }
0xdd: {  	s28 =	simm.s32 $0x2C80  }
0xde: {  	[hbm4b:s3+s11] =	stream.indirect.scatter [tilespmem:s13], [sflag:$0x3], $0x1, s28, s11, $0xb8;
	[tilespmem:$0x3600] =	vst v63  }
0xdf: {  	s29 =	simm.s32 $0x2D00  }
0xe0: {  	[hbm4b:s3+s11] =	stream.indirect.scatter [tilespmem:s13], [sflag:$0x4], $0x1, s29, s11, $0xb8;
	[tilespmem:$0x3600] =	vst v63  }
0xe1: {  	s30 =	simm.s32 $0x2D80  }
0xe2: {  	[hbm4b:s3+s11] =	stream.indirect.scatter [tilespmem:s13], [sflag:$0x1], $0x1, s30, s11, $0xb8;
	[tilespmem:$0x3600] =	vst v63  }
0xe3: {  	_ = 	snop  }
0xe4: {  	[hbm4b:s3+s11] =	stream.indirect.scatter [tilespmem:s13], [sflag:$0x2], $0x1, s31, s11, $0xb8;
	[tilespmem:$0x3600] =	vst v63  }
0xe5: {  	_ = 	snop  }
0xe6: {  	[hbm4b:s3+s11] =	stream.indirect.scatter [tilespmem:s13], [sflag:$0x3], $0x1, s0, s11, $0xb8;
	[tilespmem:$0x3600] =	vst v63  }
0xe7: {  	_ = 	snop  }
0xe8: {  	[hbm4b:s3+s11] =	stream.indirect.scatter [tilespmem:s13], [sflag:$0x4], $0x1, s1, s11, $0xb8;
	[tilespmem:$0x3600] =	vst v63  }
0xe9: {  	_ = 	snop  }
0xea: {  	[hbm4b:s3+s11] =	stream.indirect.scatter [tilespmem:s13], [sflag:$0x1], $0x1, s9, s11, $0xb8;
	[tilespmem:$0x3600] =	vst v63  }
0xeb: {  	_ = 	snop  }
0xec: {  	[hbm4b:s3+s11] =	stream.indirect.scatter [tilespmem:s13], [sflag:$0x2], $0x1, s10, s11, $0xb8;
	[tilespmem:$0x3600] =	vst v63  }
0xed: {  	_ = 	snop  }
0xee: {  	[hbm4b:s3+s11] =	stream.indirect.scatter [tilespmem:s13], [sflag:$0x3], $0x1, s12, s11, $0xb8;
	[tilespmem:$0x3600] =	vst v63  }
0xef: {  	_ = 	snop  }
0xf0: {  	[hbm4b:s3+s11] =	stream.indirect.scatter [tilespmem:s13], [sflag:$0x4], $0x1, s14, s11, $0xb8;
	[tilespmem:$0x3600] =	vst v63  }
0xf1: {  	_ = 	snop  }
0xf2: {  	[hbm4b:s3+s11] =	stream.indirect.scatter [tilespmem:s13], [sflag:$0x1], $0x1, s15, s11, $0xb8;
	[tilespmem:$0x3600] =	vst v63  }
0xf3: {  	_ =	swait.ge [sflag:s16], $0x80  }
0xf4: {  	[sflag:s16] =	ssyncset.done $0x0  }
0xf5: {  	[sflag:s16] =	ssyncadd.s32 $0xFFFFFF80  }
0xf6: {  	_ =	swait.ge [sflag:s17], $0x80  }
0xf7: {  	[sflag:s17] =	ssyncset.done $0x0  }
0xf8: {  	[sflag:s17] =	ssyncadd.s32 $0xFFFFFF80  }
0xf9: {  	_ =	swait.ge [sflag:s18], $0x80  }
0xfa: {  	[sflag:s18] =	ssyncset.done $0x0  }
0xfb: {  	[sflag:s18] =	ssyncadd.s32 $0xFFFFFF80  }
0xfc: {  	_ =	swait.ge [sflag:s19], $0x80  }
0xfd: {  	[sflag:s19] =	ssyncset.done $0x0  }
0xfe: {  	[sflag:s19] =	ssyncadd.s32 $0xFFFFFF80  }
0xff: {  	_ =	swait.ge [sflag:s16], $0x80  }
0x100: {  	[sflag:s16] =	ssyncset.done $0x0  }
0x101: {  	[sflag:s16] =	ssyncadd.s32 $0xFFFFFF80  }
0x102: {  	_ =	swait.ge [sflag:s17], $0x80  }
0x103: {  	[sflag:s17] =	ssyncset.done $0x0  }
0x104: {  	[sflag:s17] =	ssyncadd.s32 $0xFFFFFF80  }
0x105: {  	_ =	swait.ge [sflag:s18], $0x80  }
0x106: {  	[sflag:s18] =	ssyncset.done $0x0  }
0x107: {  	[sflag:s18] =	ssyncadd.s32 $0xFFFFFF80  }
0x108: {  	_ =	swait.ge [sflag:s19], $0x80  }
0x109: {  	[sflag:s19] =	ssyncset.done $0x0  }
0x10a: {  	[sflag:s19] =	ssyncadd.s32 $0xFFFFFF80  }
0x10b: {  	_ =	swait.ge [sflag:s16], $0x80  }
0x10c: {  	[sflag:s16] =	ssyncset.done $0x0  }
0x10d: {  	[sflag:s16] =	ssyncadd.s32 $0xFFFFFF80  }
0x10e: {  	_ =	swait.ge [sflag:s17], $0x80  }
0x10f: {  	[sflag:s17] =	ssyncset.done $0x0  }
0x110: {  	[sflag:s17] =	ssyncadd.s32 $0xFFFFFF80  }
0x111: {  	_ =	swait.ge [sflag:s18], $0x80  }
0x112: {  	[sflag:s18] =	ssyncset.done $0x0  }
0x113: {  	[sflag:s18] =	ssyncadd.s32 $0xFFFFFF80  }
0x114: {  	_ =	swait.ge [sflag:s19], $0x80  }
0x115: {  	[sflag:s19] =	ssyncset.done $0x0  }
0x116: {  	[sflag:s19] =	ssyncadd.s32 $0xFFFFFF80  }
0x117: {  	_ =	swait.ge [sflag:s16], $0x80  }
0x118: {  	[sflag:s16] =	ssyncset.done $0x0  }
0x119: {  	[sflag:s16] =	ssyncadd.s32 $0xFFFFFF80  }
0x11a: {  	_ =	swait.ge [sflag:s17], $0x80  }
0x11b: {  	[sflag:s17] =	ssyncset.done $0x0  }
0x11c: {  	[sflag:s17] =	ssyncadd.s32 $0xFFFFFF80  }
0x11d: {  	_ =	swait.ge [sflag:s18], $0x80  }
0x11e: {  	[sflag:s18] =	ssyncset.done $0x0  }
0x11f: {  	[sflag:s18] =	ssyncadd.s32 $0xFFFFFF80  }
0x120: {  	_ =	swait.ge [sflag:s19], $0x80  }
0x121: {  	[sflag:s19] =	ssyncset.done $0x0  }
0x122: {  	[sflag:s19] =	ssyncadd.s32 $0xFFFFFF80  }
0x123: {  	_ =	swait.ge [sflag:s16], $0x80  }
0x124: {  	[sflag:s16] =	ssyncset.done $0x0  }
0x125: {  	[sflag:s16] =	ssyncadd.s32 $0xFFFFFF80  }
0x126: {  	_ =	swait.ge [sflag:s17], $0x80  }
0x127: {  	[sflag:s17] =	ssyncset.done $0x0  }
0x128: {  	[sflag:s17] =	ssyncadd.s32 $0xFFFFFF80  }
0x129: {  	_ =	swait.ge [sflag:s18], $0x80  }
0x12a: {  	[sflag:s18] =	ssyncset.done $0x0  }
0x12b: {  	[sflag:s18] =	ssyncadd.s32 $0xFFFFFF80  }
0x12c: {  	_ =	swait.ge [sflag:s19], $0x80  }
0x12d: {  	[sflag:s19] =	ssyncset.done $0x0  }
0x12e: {  	[sflag:s19] =	ssyncadd.s32 $0xFFFFFF80  }
0x12f: {  	_ =	swait.ge [sflag:s16], $0x80  }
0x130: {  	[sflag:s16] =	ssyncset.done $0x0  }
0x131: {  	[sflag:s16] =	ssyncadd.s32 $0xFFFFFF80  }
0x132: {  	_ =	swait.ge [sflag:s17], $0x80  }
0x133: {  	[sflag:s17] =	ssyncset.done $0x0  }
0x134: {  	[sflag:s17] =	ssyncadd.s32 $0xFFFFFF80  }
0x135: {  	_ =	swait.ge [sflag:s18], $0x80  }
0x136: {  	[sflag:s18] =	ssyncset.done $0x0  }
0x137: {  	s20 =	sadd.s32 $0x1, s20;
	[sflag:s18] =	ssyncadd.s32 $0xFFFFFF80  }
0x138: {  	p0 =	sne.s32 s20, s7;
	_ =	swait.ge [sflag:s19], $0x80  }
.Ltmp1:
0x139: {  	[sflag:s19] =	ssyncset.done $0x0;
	(pc) =	sbr.rel @p0 .LBB2_1-.Ltmp1, $4  }
0x13a: {  	[sflag:s19] =	ssyncadd.s32 $0xFFFFFF80  }
0x13b: {  	_ =	swait.ge [sflag:s16], $0x80  }
0x13c: {  	[sflag:s16] =	ssyncset.done $0x0  }
0x13d: {  	[sflag:s16] =	ssyncadd.s32 $0xFFFFFF80  }
0x13e: {  	_ =	sfence.sel $0x180000  }
0x13f: {  	[bflag:$0x0] =	sbarrier.arrive $0xFFFF  }
0x140: {  	_ =	strace $0x90000047  }
0x141: {  	s0 =	stileid.u32;
	[bflag:$0x2] =	sbarrier.arrive $0xFFFF  }
0x142: {  	p0 =	sne.s32 s0, $0x0;
	s0 =	rddreg [dreg:$0x1]  }
0x143: {  	s0 =	sadd.s32 @!p0 $0x100000, s0  }
0x144: {  	[sflag:s0] =	ssyncadd.tile.s32 @!p0 $0x1;
	_ =	shalt  }
.Lfunc_end2:
_tile_overlayer_lowered:
.L_overlay_start_2:
0x145: {  	(tag) =	ssettag $0x2  }
0x146: {  	s0 =	rddreg [dreg:$0x0];
	s2 =	stileid.u32  }
0x147: {  	s1 =	rddreg [dreg:$0x1];
	p0 =	sne.s32 s2, $0x0  }
0x148: {  	s3 =	rddreg [dreg:$0x2];
	[bflag:$0x3] =	sbarrier.arrive $0xFFFF;
	s2 =	simm.s32 @!p0 $0x1C05  }
0x149: {  	[timem:s3], [sflag:s2] =	dma.local @!p0 [hbm:s0], s1  }
0x14a: {  	s0 =	simm.s32 @!p0 $0x5  }
0x14b: {  	_ =	swait.ge @!p0 [sflag:s0], s1  }
0x14c: {  	s1 =	ssub.s32 @!p0 $0x0, s1;
	[sflag:s0] =	ssyncset.done @!p0 $0x0  }
0x14d: {  	[sflag:s0] =	ssyncadd.s32 @!p0 s1  }
0x14e: {  	[bflag:$0x3] =	sbarrier.arrive $0xFFFF  }
0x14f: {  	_ =	shalt  }

// kernel: kernel.9.cloned.1.call-start
scs
__scs_entry_jumppad:
0x0: {  	(pc) =	sbr.rel $0x88, $3  }
0x1: {  	(tag) =	ssettag $0x0;
	lr =	simm.s32 $0x1  }
0x2: {  	[smem:$0x3F98] =	sst lr;
	_ =	strace $0xD0000000  }
0x3: {  	_ = 	snop  }
0x4: {  	_ = 	snop  }
0x5: {  	_ = 	snop  }
0x6: {  	_ = 	snop  }
0x7: {  	_ = 	snop  }
__scs_overlays_trampoline_lowered:
0x8: {  	[smem:$0x3FA7] =	sst s0  }
0x9: {  	[smem:$0x3FA8] =	sst s1  }
0xa: {  	[smem:$0x3FA9] =	sst s2  }
0xb: {  	[smem:$0x3FAA] =	sst s3  }
0xc: {  	[smem:$0x3FAB] =	sst s4  }
0xd: {  	[smem:$0x3FAC] =	sst s5  }
0xe: {  	[smem:$0x3FAD] =	sst s6  }
0xf: {  	[smem:$0x3FAE] =	sst s7  }
0x10: {  	[smem:$0x3FAF] =	sst s8  }
0x11: {  	[smem:$0x3FB0] =	sst s9;
	s0 =	simm.s32 @!p0 $0x0  }
0x12: {  	s1 =	sld [smem:$0x3F96];
	s0 =	simm.s32 @p0 $0x1  }
0x13: {  	[smem:$0x3FB1] =	sst s0;
	s0 =	simm.s32 @!p1 $0x0  }
0x14: {  	s2 =	sld [smem:$0x3F95];
	s0 =	simm.s32 @p1 $0x1  }
0x15: {  	[smem:$0x3FB2] =	sst s0;
	s0 =	simm.s32 @!p2 $0x0  }
0x16: {  	s3 =	sld [smem:$0x3FDB];
	s0 =	simm.s32 @p2 $0x1  }
0x17: {  	s4 =	simm.s32 $0x1BF5;
	[smem:$0x3FB4] =	sst s0  }
0x18: {  	s0 =	sld [smem:$0x3F97];
	_ =	swait.ge [sflag:s4], $0x0  }
0x19: {  	s7 =	sld [smem:$0x3F98]  }
0x1a: {  	s8 =	sadd.s32 $0xFFFFE003, lr  }
0x1b: {  	s9 =	sadd.s32 $0xFFFFFEF7, lr;
	s5 =	simm.s32 $0xFFFFFFFF;
	p2 =	slt.u32 s8, $0xFFFFF086  }
0x1c: {  	p1 =	slt.u32 s9, $0xF7A;
	s5 =	simm.s32 @!p2 $0x0  }
0x1d: {  	s5 =	simm.s32 @p1 $0x1;
	p0 =	seq.s32 s7, s2  }
0x1e: {  	s7 =	smul.u32 @!p0 $0xF7A, s2;
	p2 =	seq.s32 @!p0 s5, $0x0  }
0x1f: {  	s9 =	smul.u32 $0xF7A, s1;
	s8 =	simm.s32 @!p0 $0x1BF5;
	p2 =	por !p2, p0  }
0x20: {  	[sflag:s8] =	ssyncset.s32 @!p0 $0xFFFFF086;
	s6 =	sadd.s32 @!p0 s3, s7;
	s7 =	simm.s32 @!p0 $0x108  }
0x21: {  	s3 =	sadd.s32 s3, s9;
	s6 =	sadd.s32 @!p0 $0x88, s6;
	s7 =	simm.s32 @p2 $0x1082  }
0x22: {  	[simem:s7], [sflag:s8] =	dma.local @!p0 [hbm:s6], $0xF7A  }
0x23: {  	s9 =	sor.u32 $0xD0000000, s2;
	s6 =	simm.s32 $0x108;
	_ =	swait.ge @!p0 [sflag:s8], $0x0  }
0x24: {  	s3 =	sadd.s32 $0x88, s3;
	s6 =	simm.s32 @!p1 $0x1082;
	[sflag:s4] =	ssyncset.s32 $0xFFFFF086  }
0x25: {  	[simem:s6], [sflag:s4] =	dma.local [hbm:s3], $0xF7A  }
0x26: {  	[smem:$0x3F98] =	sst s1;
	(tag) =	ssettag s2;
	_ =	strace s9  }
0x27: {  	s1 =	sld [smem:$0x3FA8]  }
0x28: {  	s2 =	sld [smem:$0x3FA9]  }
0x29: {  	s4 =	sld [smem:$0x3FAB]  }
0x2a: {  	p0 =	seq.s32 s5, $0x0;
	s5 =	sld [smem:$0x3FAC]  }
0x2b: {  	s6 =	sld [smem:$0x3FAD]  }
0x2c: {  	s7 =	sld [smem:$0x3FAE]  }
0x2d: {  	s3 =	simm.s32 $0x108;
	s8 =	sld [smem:$0x3FAF]  }
0x2e: {  	s3 =	simm.s32 @!p0 $0x1082;
	s9 =	sld [smem:$0x3FB0]  }
0x2f: {  	lr =	sadd.s32 s0, s3;
	s0 =	sld [smem:$0x3FA7]  }
0x30: {  	s3 =	sld [smem:$0x3FAA]  }
0x31: {  	[smem:$0x3FB3] =	sst s10  }
0x32: {  	s10 =	sld [smem:$0x3FB1];
	_ =	sdelay $0x3  }
0x33: {  	p0 =	seq.s32 s10, $0x1;
	s10 =	sld [smem:$0x3FB3];
	_ =	sdelay $0x3  }
0x34: {  	[smem:$0x3FB3] =	sst s10  }
0x35: {  	s10 =	sld [smem:$0x3FB2];
	_ =	sdelay $0x3  }
0x36: {  	p1 =	seq.s32 s10, $0x1;
	s10 =	sld [smem:$0x3FB3];
	_ =	sdelay $0x3  }
0x37: {  	[smem:$0x3FB3] =	sst s10  }
0x38: {  	s10 =	sld [smem:$0x3FB4]  }
0x39: {  	_ = 	snop;
	(pc) =	sbr.ind lr, $3  }
0x3a: {  	_ = 	snop  }
0x3b: {  	_ = 	snop  }
0x3c: {  	p2 =	seq.s32 s10, $0x1;
	s10 =	sld [smem:$0x3FB3]  }
0x3d: {  	_ =	shalt  }
0x3e: {  	_ =	shalt  }
0x3f: {  	_ =	shalt  }
0x40: {  	_ =	shalt  }
0x41: {  	_ =	shalt  }
0x42: {  	_ =	shalt  }
0x43: {  	_ =	shalt  }
0x44: {  	_ =	shalt  }
0x45: {  	_ =	shalt  }
0x46: {  	_ =	shalt  }
0x47: {  	_ =	shalt  }
0x48: {  	_ =	shalt  }
0x49: {  	_ =	shalt  }
0x4a: {  	_ =	shalt  }
0x4b: {  	_ =	shalt  }
0x4c: {  	_ =	shalt  }
0x4d: {  	_ =	shalt  }
0x4e: {  	_ =	shalt  }
0x4f: {  	_ =	shalt  }
0x50: {  	_ =	shalt  }
0x51: {  	_ =	shalt  }
0x52: {  	_ =	shalt  }
0x53: {  	_ =	shalt  }
0x54: {  	_ =	shalt  }
0x55: {  	_ =	shalt  }
0x56: {  	_ =	shalt  }
0x57: {  	_ =	shalt  }
0x58: {  	_ =	shalt  }
0x59: {  	_ =	shalt  }
0x5a: {  	_ =	shalt  }
0x5b: {  	_ =	shalt  }
0x5c: {  	_ =	shalt  }
0x5d: {  	_ =	shalt  }
0x5e: {  	_ =	shalt  }
0x5f: {  	_ =	shalt  }
0x60: {  	_ =	shalt  }
0x61: {  	_ =	shalt  }
0x62: {  	_ =	shalt  }
0x63: {  	_ =	shalt  }
0x64: {  	_ =	shalt  }
0x65: {  	_ =	shalt  }
0x66: {  	_ =	shalt  }
0x67: {  	_ =	shalt  }
0x68: {  	_ =	shalt  }
0x69: {  	_ =	shalt  }
0x6a: {  	_ =	shalt  }
0x6b: {  	_ =	shalt  }
0x6c: {  	_ =	shalt  }
0x6d: {  	_ =	shalt  }
0x6e: {  	_ =	shalt  }
0x6f: {  	_ =	shalt  }
0x70: {  	_ =	shalt  }
0x71: {  	_ =	shalt  }
0x72: {  	_ =	shalt  }
0x73: {  	_ =	shalt  }
0x74: {  	_ =	shalt  }
0x75: {  	_ =	shalt  }
0x76: {  	_ =	shalt  }
0x77: {  	_ =	shalt  }
0x78: {  	_ =	shalt  }
0x79: {  	_ =	shalt  }
0x7a: {  	_ =	shalt  }
0x7b: {  	_ =	shalt  }
0x7c: {  	_ =	shalt  }
0x7d: {  	_ =	shalt  }
0x7e: {  	_ =	shalt  }
0x7f: {  	_ =	shalt  }
0x80: {  	_ =	shalt  }
0x81: {  	_ =	shalt  }
0x82: {  	_ =	shalt  }
0x83: {  	_ =	shalt  }
0x84: {  	_ =	shalt  }
0x85: {  	_ =	shalt  }
0x86: {  	_ =	shalt  }
0x87: {  	_ =	shalt  }
.Lfunc_end0:
.L_simem_size_0:
called_computation.1_lowered:
.L_overlay_start_0:
0x88: {  	s2 =	sld [smem:$0x3FD9]  }
0x89: {  	s3 =	sld [smem:$0x3FFE];
	_ =	sdelay $0x1  }
0x8a: {  	s1 =	srdreg.scid  }
0x8b: {  	s0 =	sand.u32 $0x1, s1  }
0x8c: {  	s16 =	sshll.u32 s0, $0xA;
	s2 =	sadd.s32 s3, s2  }
0x8d: {  	s2 =	sadd.s32 s2, s16  }
0x8e: {  	[smem:$0x3FBF] =	sst s2  }
0x8f: {  	_ = 	snop  }
0x90: {  	(tm) =	ssettm $0x1  }
0x91: {  	s17 =	sld [smem:$0x3FFB];
	_ =	sdelay $0x3  }
0x92: {  	_ =	strace s17  }
0x93: {  	s2 =	sld [smem:$0x3FFC];
	_ =	sdelay $0x3  }
0x94: {  	_ =	strace s2  }
0x95: {  	s2 =	sld [smem:$0x3FFD];
	_ =	sdelay $0x3  }
0x96: {  	_ =	strace s2  }
0x97: {  	_ =	strace $0x8FFFFFFF  }
0x98: {  	s18 =	sld [smem:$0x3FDB];
	_ =	sdelay $0x1  }
0x99: {  	s19 =	simm.s32 $_scs_section_size  }
0x9a: {  	s4 =	simm.s32 $_size__tile_overlayer_lowered;
	s5 =	simm.s32 $_tile_overlayer_lowered  }
0x9b: {  	s22 =	simm.s32 $0x1BFF;
	s21 =	sshll.u32 s5, $0x1;
	s2 =	sadd.s32 s19, s18  }
0x9c: {  	s6 =	simm.s32 $0x0;
	s20 =	sshll.u32 s4, $0x1;
	s4 =	sadd.s32 s21, s2  }
0x9d: {  	[timem:s6], [sflag:s22] =	dma.local [hbm:s4], s20  }
0x9e: {  	_ =	swait.ge [sflag:s22], s20  }
0x9f: {  	s3 =	ssub.s32 $0x0, s20;
	[sflag:s22] =	ssyncset.done $0x0  }
0xa0: {  	[sflag:s22] =	ssyncadd.s32 s3;
	_ =	sdelay $0x1  }
0xa1: {  	s23 =	simm.s32 $0x1B8B  }
0xa2: {  	_ =	swait.ge [sflag:s23], $0x1  }
0xa3: {  	[sflag:s23] =	ssyncset.done $0x0  }
0xa4: {  	s25 =	simm.s32 $0x1B8E;
	s24 =	sld [smem:$0x3FFE];
	[sflag:s23] =	ssyncadd.s32 $0xFFFFFFFF  }
0xa5: {  	s26 =	simm.s32 $execute0_lowered;
	[smem:$0x3FD2] =	sst s25  }
0xa6: {  	s4 =	sshll.u32 s26, $0x1;
	_ =	strace $0x80000049;
	[dreg:$0x1] =	wrdreg $0xFFFFFFFF  }
0xa7: {  	s28 =	simm.s32 $_size_execute0_lowered;
	s2 =	sadd.s32 s2, s4;
	[dreg:$0x0] =	wrdreg $0x0  }
0xa8: {  	s4 =	sshll.u32 s28, $0x1;
	[dreg:$0x2] =	wrdreg s2  }
0xa9: {  	[dreg:$0x3] =	wrdreg s4  }
0xaa: {  	[dreg:$0x4] =	wrdreg $0xC0  }
0xab: {  	_ =	task [dreg:s6], $0x5FFFF  }
0xac: {  	[dreg:$0x1] =	wrdreg $0xFFFFFFFF  }
0xad: {  	[dreg:$0x0] =	wrdreg $0x60  }
0xae: {  	[dreg:$0x2] =	wrdreg s24  }
0xaf: {  	[dreg:$0x3] =	wrdreg $0x9  }
0xb0: {  	_ =	task.clear_ibuf [dreg:s6], $0x4FFFF;
	_ =	strace $0x90000049  }
0xb1: {  	s29 =	simm.s32 $0x9;
	_ =	strace $0x8000004B  }
0xb2: {  	_ =	swait.ge [sflag:s29], $0x1  }
0xb3: {  	[sflag:s29] =	ssyncadd.s32 $0xFFFFFFFF  }
0xb4: {  	_ =	strace $0x9000004B  }
0xb5: {  	_ =	sfence  }
0xb6: {  	s30 =	sld [smem:$0x0];
	_ =	sdelay $0x2  }
0xb7: {  	s31 =	sshll.u32 s1, $0xD;
	s1 =	sshrl.u32 s1, $0x2  }
0xb8: {  	s3 =	sand.u32 $0x4000, s31;
	s1 =	sadd.s32 s1, s30  }
0xb9: {  	s0 =	sor.u32 s3, s0;
	s1 =	sshll.u32 s1, $0x11  }
0xba: {  	s0 =	sor.u32 s1, s0  }
0xbb: {  	s0 =	sadd.s32 $0x8F2B, s0  }
0xbc: {  	[sflag:s0] =	ssyncadd.remote.s32 $0x1  }
0xbd: {  	_ =	sfence.sel $0xFFFF  }
0xbe: {  	[dreg:$0x0] =	wrdreg $0xFFFFFFFF;
	(pc) =	sbr.abs _section_cstart, $3  }
0xbf: {  	[dreg:$0x1] =	wrdreg $0xFFFFFFFF  }
0xc0: {  	_ =	task.clear_ibuf [dreg:s6], $0x2FFFF;
	_ =	strace $0x9FFFFFFF  }
0xc1: {  	(tm) =	ssettm $0x7FFFFFFF  }
tec
execute0_lowered:
.L_overlay_start_1:
0x0: {  	(tag) =	ssettag $0x1  }
0x1: {  	s0 =	srdreg.scid;
	s1 =	rddreg [dreg:$0x0]  }
0x2: {  	s6 =	stileid.u32;
	s2 =	simm.s32 $0x0;
	s8 =	simm.s32 $0x3  }
0x3: {  	s10 =	simm.s32 $0x80;
	s21 =	simm.s32 $0xF80;
	s22 =	simm.s32 $0x1780  }
0x4: {  	s23 =	simm.s32 $0x1000;
	s24 =	simm.s32 $0x1800;
	s25 =	simm.s32 $0x1080  }
0x5: {  	s28 =	simm.s32 $0x1100;
	s29 =	simm.s32 $0x1900;
	s30 =	simm.s32 $0x1180  }
0x6: {  	s31 =	simm.s32 $0x1980;
	s9 =	simm.s32 $0x1280;
	s11 =	simm.s32 $0x1A80  }
0x7: {  	s12 =	simm.s32 $0x1300;
	s13 =	simm.s32 $0x1B00;
	s14 =	simm.s32 $0x1  }
0x8: {  	s15 =	simm.s32 $0x2;
	s16 =	simm.s32 $0x1D00;
	s0 =	sand.u32 $0x1, s0  }
0x9: {  	s17 =	simm.s32 $0x0;
	[smem:$0x7FF] =	sst s2;
	s3 =	sshll.u32 s0, $0x4  }
0xa: {  	_ =	strace $0x8000004A;
	s0 =	ssub.s32 $0x2, s0;
	s4 =	sor.u32 s6, s3  }
0xb: {  	s6 =	sshll.u32 s6, $0x4;
	s26 =	sshrl.u32 s0, $0x1;
	s3 =	smul.u32 $0xD0, s4  }
0xc: {  	s6 =	sand.u32 $0x70, s6;
	s4 =	sshll.u32 s4, $0x4;
	s0 =	ssub.s32 s0, s26  }
0xd: {  	s26 =	simm.s32 $0x1880;
	s7 =	sand.u32 $0x180, s4;
	s5 =	sadd.s32 s3, s1  }
0xe: {  	s3 =	sadd.s32 $0xAC00, s1;
	s1 =	sadd.s32 s6, s1;
	s4 =	sadd.s32 $0x22AE00, s5  }
0xf: {  	s1 =	sadd.s32 s7, s1;
	s5 =	sadd.s32 $0x22C800, s5;
	s7 =	smax.u32 s0, $0x1  }
0x10: {  	s0 =	simm.s32 $0x1200;
	s6 =	sadd.s32 $0x1600, s1;
	s1 =	simm.s32 $0x1A00  }
.LBB2_1:
0x11: {  	[tilespmem:s2], [sflag:$0x3] =	stream.linear.gather [hbm4b:s4+s2], $0x680, $0x38;
	[tilespmem:$0x1D80] =	vst v63  }
0x12: {  	_ =	swait.ge [sflag:s8], $0x680  }
0x13: {  	[sflag:s8] =	ssyncset.done $0x0  }
0x14: {  	s18 =	simm.s32 $0x680;
	[sflag:s8] =	ssyncadd.s32 $0xFFFFF980  }
0x15: {  	[tilespmem:s18], [sflag:$0x3] =	stream.linear.gather [hbm4b:s5+s2], $0x680, $0x38;
	[tilespmem:$0x1D80] =	vst v63  }
0x16: {  	_ =	swait.ge [sflag:s8], $0x680  }
0x17: {  	[sflag:s8] =	ssyncset.done $0x0  }
0x18: {  	s18 =	simm.s32 $0x0;
	[sflag:s8] =	ssyncadd.s32 $0xFFFFF980  }
0x19: {  	v0 =	vld [tilespmem:s18+$0x70]  }
0x1a: {  	v1 =	vld [tilespmem:s18+$0x6F0]  }
0x1b: {  	v2 =	vld [tilespmem:s18+$0x0]  }
0x1c: {  	v3 =	vld [tilespmem:s18+$0x10]  }
0x1d: {  	v4 =	vld [tilespmem:s18+$0x20]  }
0x1e: {  	v6 =	vld [tilespmem:s18+$0x30]  }
0x1f: {  	v9 =	vld [tilespmem:s18+$0x40]  }
0x20: {  	v8 =	vld [tilespmem:s18+$0x680]  }
0x21: {  	v10 =	vld [tilespmem:s18+$0x690];
	v0 =	vshll.u32 v0, $0xC  }
0x22: {  	v0 =	vadd.s32 v1, v0;
	v1 =	vld [tilespmem:s18+$0x50]  }
0x23: {  	[tilespmem:s18+$0xD70] =	vst v0;
	v0 =	vld [tilespmem:s18+$0x60]  }
0x24: {  	v7 =	vld [tilespmem:s18+$0x6A0]  }
0x25: {  	v5 =	vld [tilespmem:s18+$0x6B0]  }
0x26: {  	v11 =	vshll.u32 v2, $0xC;
	v2 =	vld [tilespmem:s18+$0x6C0];
	v12 =	vshll.u32 v3, $0xC;
	v6 =	vshll.u32 v6, $0xC  }
0x27: {  	v3 =	vld [tilespmem:s18+$0x6D0];
	v11 =	vadd.s32 v8, v11;
	v8 =	vshll.u32 v4, $0xC;
	v4 =	vshll.u32 v9, $0xC  }
0x28: {  	s19 =	simm.s32 $0x80;
	s20 =	simm.s32 $0x400;
	v10 =	vadd.s32 v10, v12;
	v9 =	vld [tilespmem:s18+$0x6E0];
	[tilespmem:s18+$0xD00] =	vst v11;
	v1 =	vshll.u32 v1, $0xC;
	v0 =	vshll.u32 v0, $0xC  }
.LBB2_2:
0x29: {  	p0 =	sne.s32 s20, $0x1800;
	v11 =	vld [tilespmem:s19+$0x70];
	[tilespmem:s18+$0xD10] =	vst v10;
	v7 =	vadd.s32 v7, v8  }
0x2a: {  	v8 =	vld [tilespmem:s19+$0x6F0];
	[tilespmem:s18+$0xD20] =	vst v7;
	v5 =	vadd.s32 v5, v6  }
0x2b: {  	v6 =	vld [tilespmem:s19+$0x0];
	[tilespmem:s18+$0xD30] =	vst v5;
	v2 =	vadd.s32 v2, v4  }
0x2c: {  	v4 =	vld [tilespmem:s19+$0x10];
	[tilespmem:s18+$0xD40] =	vst v2;
	v1 =	vadd.s32 v3, v1  }
0x2d: {  	v2 =	vld [tilespmem:s19+$0x20];
	[tilespmem:s18+$0xD50] =	vst v1;
	v0 =	vadd.s32 v9, v0  }
0x2e: {  	v1 =	vld [tilespmem:s19+$0x30];
	v3 =	vshll.u32 v11, $0xC;
	[tilespmem:s18+$0xD60] =	vst v0;
	s18 =	smov.u32 s19  }
0x2f: {  	v0 =	vld [tilespmem:s18+$0x40];
	v3 =	vadd.s32 v8, v3  }
0x30: {  	v9 =	vshll.u32 v6, $0xC;
	v10 =	vld [tilespmem:s18+$0x50];
	[tilespmem:s18+$0xD70] =	vst v3  }
0x31: {  	v11 =	vshll.u32 v4, $0xC;
	v3 =	vld [tilespmem:s18+$0x60]  }
0x32: {  	v12 =	vld [tilespmem:s18+$0x680];
	v8 =	vshll.u32 v2, $0xC  }
0x33: {  	v13 =	vld [tilespmem:s18+$0x690];
	v6 =	vshll.u32 v1, $0xC  }
.Ltmp0:
0x34: {  	v7 =	vld [tilespmem:s18+$0x6A0];
	v4 =	vshll.u32 v0, $0xC;
	(pc) =	sbr.rel @p0 .LBB2_2-.Ltmp0, $4  }
0x35: {  	v5 =	vld [tilespmem:s18+$0x6B0];
	v1 =	vshll.u32 v10, $0xC  }
0x36: {  	v2 =	vld [tilespmem:s18+$0x6C0];
	v0 =	vshll.u32 v3, $0xC  }
0x37: {  	v9 =	vadd.s32 v12, v9;
	v3 =	vld [tilespmem:s18+$0x6D0]  }
0x38: {  	s19 =	sshra.s32 s20, $0x2;
	s20 =	sadd.s32 $0x200, s20;
	[tilespmem:s18+$0xD00] =	vst v9;
	v10 =	vadd.s32 v13, v11;
	v9 =	vld [tilespmem:s18+$0x6E0]  }
0x39: {  	v11 =	vld [tilespmem:s19+$0x70];
	[tilespmem:s18+$0xD10] =	vst v10;
	v7 =	vadd.s32 v7, v8  }
0x3a: {  	v56 =	vld [tilespmem:s19+$0x6F0];
	[tilespmem:s18+$0xD20] =	vst v7;
	v5 =	vadd.s32 v5, v6  }
0x3b: {  	v57 =	vld [tilespmem:s19+$0x0];
	[tilespmem:s18+$0xD30] =	vst v5;
	v2 =	vadd.s32 v2, v4  }
0x3c: {  	v58 =	vld [tilespmem:s19+$0x10];
	[tilespmem:s18+$0xD40] =	vst v2;
	v1 =	vadd.s32 v3, v1  }
0x3d: {  	v2 =	vld [tilespmem:s19+$0x20];
	[tilespmem:s18+$0xD50] =	vst v1;
	v0 =	vadd.s32 v9, v0  }
0x3e: {  	v1 =	vld [tilespmem:s19+$0x30];
	[tilespmem:s18+$0xD60] =	vst v0  }
0x3f: {  	v3 =	vld [tilespmem:s19+$0x40]  }
0x40: {  	v5 =	vld [tilespmem:s19+$0x50]  }
0x41: {  	v7 =	vld [tilespmem:s19+$0x680]  }
0x42: {  	v59 =	vld [tilespmem:s19+$0x690]  }
0x43: {  	v60 =	vld [tilespmem:s19+$0x6A0]  }
0x44: {  	v10 =	vld [tilespmem:s19+$0x6B0]  }
0x45: {  	v0 =	vshll.u32 v11, $0xC;
	v61 =	vld [tilespmem:s19+$0x6C0]  }
0x46: {  	v0 =	vadd.s32 v56, v0;
	v62 =	vld [tilespmem:s19+$0x6D0];
	v6 =	vshll.u32 v57, $0xC  }
0x47: {  	[tilespmem:s19+$0xD70] =	vst v0;
	v0 =	vld [tilespmem:s19+$0x60];
	v4 =	vshll.u32 v58, $0xC;
	v6 =	vadd.s32 v7, v6  }
0x48: {  	v63 =	vld [tilespmem:s19+$0x6E0];
	v2 =	vshll.u32 v2, $0xC;
	v4 =	vadd.s32 v59, v4;
	[tilespmem:s19+$0xD00] =	vst v6  }
0x49: {  	v1 =	vshll.u32 v1, $0xC;
	v2 =	vadd.s32 v60, v2;
	[tilespmem:s19+$0xD10] =	vst v4  }
0x4a: {  	v3 =	vshll.u32 v3, $0xC;
	v1 =	vadd.s32 v10, v1;
	[tilespmem:s19+$0xD20] =	vst v2  }
0x4b: {  	v2 =	vshll.u32 v5, $0xC;
	[tilespmem:s19+$0xD30] =	vst v1;
	v1 =	vadd.s32 v61, v3  }
0x4c: {  	v0 =	vshll.u32 v0, $0xC;
	[tilespmem:s19+$0xD40] =	vst v1;
	v1 =	vadd.s32 v62, v2  }
0x4d: {  	v0 =	vadd.s32 v63, v0;
	[tilespmem:s19+$0xD50] =	vst v1  }
0x4e: {  	s20 =	simm.s32 $0x1500;
	[tilespmem:s19+$0xD60] =	vst v0;
	s19 =	simm.s32 $0xD00  }
0x4f: {  	[tilespmem:s20], [sflag:$0x1] =	stream.indirect.gather [hbm4b:s3+s10], $0x1, s19, s10, $0xb8;
	[tilespmem:$0x1D80] =	vst v63  }
0x50: {  	s19 =	simm.s32 $0xD80;
	s20 =	simm.s32 $0x1580  }
0x51: {  	[tilespmem:s20], [sflag:$0x2] =	stream.indirect.gather [hbm4b:s3+s10], $0x1, s19, s10, $0xb8;
	[tilespmem:$0x1D80] =	vst v63  }
0x52: {  	s19 =	simm.s32 $0xE00;
	s20 =	simm.s32 $0x1600  }
0x53: {  	[tilespmem:s20], [sflag:$0x1] =	stream.indirect.gather [hbm4b:s3+s10], $0x1, s19, s10, $0xb8;
	[tilespmem:$0x1D80] =	vst v63  }
0x54: {  	s19 =	simm.s32 $0xE80;
	s20 =	simm.s32 $0x1680  }
0x55: {  	[tilespmem:s20], [sflag:$0x2] =	stream.indirect.gather [hbm4b:s3+s10], $0x1, s19, s10, $0xb8;
	[tilespmem:$0x1D80] =	vst v63  }
0x56: {  	s19 =	simm.s32 $0xF00;
	s20 =	simm.s32 $0x1700  }
0x57: {  	[tilespmem:s20], [sflag:$0x1] =	stream.indirect.gather [hbm4b:s3+s10], $0x1, s19, s10, $0xb8;
	[tilespmem:$0x1D80] =	vst v63  }
0x58: {  	_ = 	snop  }
0x59: {  	[tilespmem:s22], [sflag:$0x2] =	stream.indirect.gather [hbm4b:s3+s10], $0x1, s21, s10, $0xb8;
	[tilespmem:$0x1D80] =	vst v63  }
0x5a: {  	_ = 	snop  }
0x5b: {  	[tilespmem:s24], [sflag:$0x1] =	stream.indirect.gather [hbm4b:s3+s10], $0x1, s23, s10, $0xb8;
	[tilespmem:$0x1D80] =	vst v63  }
0x5c: {  	_ = 	snop  }
0x5d: {  	[tilespmem:s26], [sflag:$0x2] =	stream.indirect.gather [hbm4b:s3+s10], $0x1, s25, s10, $0xb8;
	[tilespmem:$0x1D80] =	vst v63  }
0x5e: {  	_ = 	snop  }
0x5f: {  	[tilespmem:s29], [sflag:$0x1] =	stream.indirect.gather [hbm4b:s3+s10], $0x1, s28, s10, $0xb8;
	[tilespmem:$0x1D80] =	vst v63  }
0x60: {  	_ = 	snop  }
0x61: {  	[tilespmem:s31], [sflag:$0x2] =	stream.indirect.gather [hbm4b:s3+s10], $0x1, s30, s10, $0xb8;
	[tilespmem:$0x1D80] =	vst v63  }
0x62: {  	_ = 	snop  }
0x63: {  	[tilespmem:s1], [sflag:$0x1] =	stream.indirect.gather [hbm4b:s3+s10], $0x1, s0, s10, $0xb8;
	[tilespmem:$0x1D80] =	vst v63  }
0x64: {  	_ = 	snop  }
0x65: {  	[tilespmem:s11], [sflag:$0x2] =	stream.indirect.gather [hbm4b:s3+s10], $0x1, s9, s10, $0xb8;
	[tilespmem:$0x1D80] =	vst v63  }
0x66: {  	_ = 	snop  }
0x67: {  	[tilespmem:s13], [sflag:$0x1] =	stream.indirect.gather [hbm4b:s3+s10], $0x1, s12, s10, $0xb8;
	[tilespmem:$0x1D80] =	vst v63  }
0x68: {  	_ =	swait.ge [sflag:s14], $0x80  }
0x69: {  	[sflag:s14] =	ssyncset.done $0x0  }
0x6a: {  	[sflag:s14] =	ssyncadd.s32 $0xFFFFFF80  }
0x6b: {  	_ =	swait.ge [sflag:s15], $0x80  }
0x6c: {  	[sflag:s15] =	ssyncset.done $0x0  }
0x6d: {  	[sflag:s15] =	ssyncadd.s32 $0xFFFFFF80  }
0x6e: {  	_ =	swait.ge [sflag:s14], $0x80  }
0x6f: {  	[sflag:s14] =	ssyncset.done $0x0  }
0x70: {  	[sflag:s14] =	ssyncadd.s32 $0xFFFFFF80  }
0x71: {  	_ =	swait.ge [sflag:s15], $0x80  }
0x72: {  	[sflag:s15] =	ssyncset.done $0x0  }
0x73: {  	[sflag:s15] =	ssyncadd.s32 $0xFFFFFF80  }
0x74: {  	_ =	swait.ge [sflag:s14], $0x80  }
0x75: {  	[sflag:s14] =	ssyncset.done $0x0  }
0x76: {  	[sflag:s14] =	ssyncadd.s32 $0xFFFFFF80  }
0x77: {  	_ =	swait.ge [sflag:s15], $0x80  }
0x78: {  	[sflag:s15] =	ssyncset.done $0x0  }
0x79: {  	[sflag:s15] =	ssyncadd.s32 $0xFFFFFF80  }
0x7a: {  	_ =	swait.ge [sflag:s14], $0x80  }
0x7b: {  	[sflag:s14] =	ssyncset.done $0x0  }
0x7c: {  	[sflag:s14] =	ssyncadd.s32 $0xFFFFFF80  }
0x7d: {  	_ =	swait.ge [sflag:s15], $0x80  }
0x7e: {  	[sflag:s15] =	ssyncset.done $0x0  }
0x7f: {  	[sflag:s15] =	ssyncadd.s32 $0xFFFFFF80  }
0x80: {  	_ =	swait.ge [sflag:s14], $0x80  }
0x81: {  	[sflag:s14] =	ssyncset.done $0x0  }
0x82: {  	[sflag:s14] =	ssyncadd.s32 $0xFFFFFF80  }
0x83: {  	_ =	swait.ge [sflag:s15], $0x80  }
0x84: {  	[sflag:s15] =	ssyncset.done $0x0  }
0x85: {  	[sflag:s15] =	ssyncadd.s32 $0xFFFFFF80  }
0x86: {  	_ =	swait.ge [sflag:s14], $0x80  }
0x87: {  	[sflag:s14] =	ssyncset.done $0x0  }
0x88: {  	[sflag:s14] =	ssyncadd.s32 $0xFFFFFF80  }
0x89: {  	_ =	swait.ge [sflag:s15], $0x80  }
0x8a: {  	[sflag:s15] =	ssyncset.done $0x0  }
0x8b: {  	[sflag:s15] =	ssyncadd.s32 $0xFFFFFF80  }
0x8c: {  	_ =	swait.ge [sflag:s14], $0x80  }
0x8d: {  	[sflag:s14] =	ssyncset.done $0x0  }
0x8e: {  	s20 =	simm.s32 $0x0;
	[sflag:s14] =	ssyncadd.s32 $0xFFFFFF80  }
0x8f: {  	v0 =	vld [tilespmem:s20+$0x1500];
	_ =	sdelay $0x1  }
0x90: {  	v1 =	vld [tilespmem:s20+$0x1510];
	_ =	sdelay $0x1  }
0x91: {  	v2 =	vimm.f32 $0.0e+00;
	v3 =	vld [tilespmem:s20+$0x1520]  }
0x92: {  	v0 =	vadd.f32 v0, v2  }
0x93: {  	v2 =	vld [tilespmem:s20+$0x1530]  }
0x94: {  	v0 =	vadd.f32 v1, v0  }
0x95: {  	v1 =	vld [tilespmem:s20+$0x1540]  }
0x96: {  	v0 =	vadd.f32 v3, v0;
	_ =	sdelay $0x1  }
0x97: {  	v3 =	vld [tilespmem:s20+$0x1550];
	v0 =	vadd.f32 v2, v0;
	_ =	sdelay $0x1  }
0x98: {  	v2 =	vadd.f32 v1, v0;
	v1 =	vld [tilespmem:s20+$0x1560];
	_ =	sdelay $0x1  }
0x99: {  	v0 =	vld [tilespmem:s20+$0x1570]  }
0x9a: {  	s18 =	simm.s32 $0x80;
	s19 =	simm.s32 $0x400;
	v2 =	vadd.f32 v3, v2  }
.LBB2_4:
0x9b: {  	p0 =	sne.s32 s19, $0x1800;
	v3 =	vld [tilespmem:s18+$0x1500]  }
0x9c: {  	v1 =	vadd.f32 v1, v2  }
0x9d: {  	v2 =	vld [tilespmem:s18+$0x1510]  }
0x9e: {  	v0 =	vadd.f32 v0, v1  }
0x9f: {  	v1 =	vld [tilespmem:s18+$0x1520]  }
0xa0: {  	v0 =	vadd.f32 v3, v0  }
0xa1: {  	v3 =	vld [tilespmem:s18+$0x1530]  }
0xa2: {  	v0 =	vadd.f32 v2, v0  }
0xa3: {  	v2 =	vld [tilespmem:s18+$0x1540]  }
0xa4: {  	v0 =	vadd.f32 v1, v0  }
0xa5: {  	v4 =	vld [tilespmem:s18+$0x1550]  }
.Ltmp1:
0xa6: {  	v0 =	vadd.f32 v3, v0;
	(pc) =	sbr.rel @p0 .LBB2_4-.Ltmp1, $4  }
0xa7: {  	v1 =	vld [tilespmem:s18+$0x1560]  }
0xa8: {  	v2 =	vadd.f32 v2, v0  }
0xa9: {  	v0 =	vld [tilespmem:s18+$0x1570]  }
0xaa: {  	s18 =	sshra.s32 s19, $0x2;
	s19 =	sadd.s32 $0x200, s19;
	v2 =	vadd.f32 v4, v2  }
0xab: {  	v3 =	vld [tilespmem:s18+$0x1500]  }
0xac: {  	v1 =	vadd.f32 v1, v2  }
0xad: {  	v57 =	vld [tilespmem:s18+$0x1510]  }
0xae: {  	v0 =	vadd.f32 v0, v1  }
0xaf: {  	v58 =	vld [tilespmem:s18+$0x1520]  }
0xb0: {  	v0 =	vadd.f32 v3, v0  }
0xb1: {  	v59 =	vld [tilespmem:s18+$0x1530]  }
0xb2: {  	v0 =	vadd.f32 v57, v0  }
0xb3: {  	v60 =	vld [tilespmem:s18+$0x1540]  }
0xb4: {  	v0 =	vadd.f32 v58, v0  }
0xb5: {  	v61 =	vld [tilespmem:s18+$0x1550]  }
0xb6: {  	v0 =	vadd.f32 v59, v0  }
0xb7: {  	v62 =	vld [tilespmem:s18+$0x1560]  }
0xb8: {  	v0 =	vadd.f32 v60, v0  }
0xb9: {  	v63 =	vld [tilespmem:s18+$0x1570]  }
0xba: {  	v0 =	vadd.f32 v61, v0;
	_ =	sdelay $0x1  }
0xbb: {  	v0 =	vadd.f32 v62, v0;
	_ =	sdelay $0x1  }
0xbc: {  	s17 =	sadd.s32 $0x1, s17;
	v0 =	vadd.f32 v63, v0  }
0xbd: {  	p0 =	sne.s32 s17, s7  }
.Ltmp2:
0xbe: {  	[tilespmem:$0x1D00] =	vst v0;
	(pc) =	sbr.rel @p0 .LBB2_1-.Ltmp2, $4  }
0xbf: {  	[hbm4b:s6+s2] =	stream.linear.scatter [tilespmem:s16], [sflag:$0x3], $0x80, $0x38;
	[tilespmem:$0x1D80] =	vst v63  }
0xc0: {  	_ =	swait.ge [sflag:s8], $0x80  }
0xc1: {  	[sflag:s8] =	ssyncset.done $0x0  }
0xc2: {  	[sflag:s8] =	ssyncadd.s32 $0xFFFFFF80  }
0xc3: {  	_ =	sfence.sel $0x180000  }
0xc4: {  	[bflag:$0x0] =	sbarrier.arrive $0xFFFF  }
0xc5: {  	_ =	strace $0x9000004A  }
0xc6: {  	s0 =	stileid.u32;
	[bflag:$0x2] =	sbarrier.arrive $0xFFFF  }
0xc7: {  	p0 =	sne.s32 s0, $0x0;
	s0 =	rddreg [dreg:$0x1]  }
0xc8: {  	s0 =	sadd.s32 @!p0 $0x100000, s0  }
0xc9: {  	[sflag:s0] =	ssyncadd.tile.s32 @!p0 $0x1;
	_ =	shalt  }
.Lfunc_end2:
_tile_overlayer_lowered:
.L_overlay_start_2:
0xca: {  	(tag) =	ssettag $0x2  }
0xcb: {  	s0 =	rddreg [dreg:$0x0];
	s2 =	stileid.u32  }
0xcc: {  	s1 =	rddreg [dreg:$0x1];
	p0 =	sne.s32 s2, $0x0  }
0xcd: {  	s3 =	rddreg [dreg:$0x2];
	[bflag:$0x3] =	sbarrier.arrive $0xFFFF;
	s2 =	simm.s32 @!p0 $0x1C03  }
0xce: {  	[timem:s3], [sflag:s2] =	dma.local @!p0 [hbm:s0], s1  }
0xcf: {  	s0 =	simm.s32 @!p0 $0x3  }
0xd0: {  	_ =	swait.ge @!p0 [sflag:s0], s1  }
0xd1: {  	s1 =	ssub.s32 @!p0 $0x0, s1;
	[sflag:s0] =	ssyncset.done @!p0 $0x0  }
0xd2: {  	[sflag:s0] =	ssyncadd.s32 @!p0 s1  }
0xd3: {  	[bflag:$0x3] =	sbarrier.arrive $0xFFFF  }
0xd4: {  	_ =	shalt  }

</sc_bundles>
